<compile_context>
chip_gen: v7x
topology: tpu7x:2x2x1
jax: 0.10.2.dev20260603
libtpu: 0.0.44.dev20260713+nightly
codegen_flags: <defaults>
</compile_context>

<pallas_src>
import functools

import jax
import jax.numpy as jnp
from jax import lax
from jax.experimental import pallas as pl
from jax.experimental.pallas import tpu as pltpu
from jax.experimental.pallas import tpu_sc as plsc

BATCH = 16384
N_FEATURES = 100
D_MODEL = 32
N_CLASSES = 1000000

NUM_CORES = 2
NUM_SUBCORES = 16
NUM_WORKERS = NUM_CORES * NUM_SUBCORES

NUM_SLICES = 2
BS = BATCH // NUM_SLICES
B_PER_WORKER = BS // NUM_WORKERS
B_PER_CHUNK = 16
NUM_CHUNKS = B_PER_WORKER // B_PER_CHUNK
Z_ROWS = BS * N_FEATURES * D_MODEL // 128


def _gather_body(s_off, x_hbm, emb_hbm, z_hbm,
                 idx0, idx1, rows0, rows1, gsem0, gsem1, wsem0, wsem1):
    wid = lax.axis_index("s") * NUM_CORES + lax.axis_index("c")
    b_local = wid * B_PER_WORKER
    b_global = s_off + b_local
    idx = (idx0, idx1)
    rows = (rows0, rows1)
    gsem = (gsem0, gsem1)
    wsem = (wsem0, wsem1)

    def fire_gathers(g, buf):
        cb = b_global + g * B_PER_CHUNK
        pltpu.sync_copy(x_hbm.at[pl.ds(cb, B_PER_CHUNK)], idx[buf])
        for i in range(B_PER_CHUNK):
            pltpu.make_async_copy(
                emb_hbm.at[idx[buf].at[i]], rows[buf].at[i], gsem[buf]
            ).start()

    def wait_gathers(buf):
        for i in range(B_PER_CHUNK):
            pltpu.make_async_copy(
                emb_hbm.at[idx[buf].at[i]], rows[buf].at[i], gsem[buf]
            ).wait()

    def start_writes(g, buf):
        cb = b_local + g * B_PER_CHUNK
        b512 = cb // 512
        q = (cb % 512) // 128
        k0 = cb % 128

        def w_body(f, carry):
            row0 = (f * (BS // 512) + b512) * 128 + k0
            pltpu.make_async_copy(
                rows[buf].at[:, f, :],
                z_hbm.at[pl.ds(row0, B_PER_CHUNK), pl.ds(q * D_MODEL, D_MODEL)],
                wsem[buf],
            ).start()
            return carry

        lax.fori_loop(0, N_FEATURES, w_body, 0, unroll=False)

    def drain_writes(buf):
        def d_body(f, carry):
            pltpu.make_async_copy(
                rows[buf].at[:, 0, :],
                z_hbm.at[pl.ds(0, B_PER_CHUNK), pl.ds(0, D_MODEL)],
                wsem[buf],
            ).wait()
            return carry

        lax.fori_loop(0, N_FEATURES, d_body, 0, unroll=False)

    fire_gathers(0, 0)

    def pair_body(p, carry):
        for b in (0, 1):
            g = 2 * p + b
            wait_gathers(b)
            start_writes(g, b)

            @pl.when(g < NUM_CHUNKS - 1)
            def _():
                @pl.when(g > 0)
                def _():
                    drain_writes(1 - b)
                fire_gathers(g + 1, 1 - b)

        return carry

    lax.fori_loop(0, NUM_CHUNKS // 2, pair_body, 0, unroll=False)
    drain_writes(0)
    drain_writes(1)


@functools.partial(jax.jit, static_argnums=(2,))
def _sc_gather(x, embeddings, s_off):
    mesh = plsc.VectorSubcoreMesh(
        core_axis_name="c", subcore_axis_name="s",
        num_cores=NUM_CORES, num_subcores=NUM_SUBCORES,
    )
    return pl.kernel(
        functools.partial(_gather_body, s_off),
        out_type=jax.ShapeDtypeStruct((Z_ROWS, 128), jnp.float32),
        name=f"sc_gather_{s_off}",
        mesh=mesh,
        compiler_params=pltpu.CompilerParams(use_tc_tiling_on_sc=False),
        scratch_types=[
            pltpu.VMEM((B_PER_CHUNK, N_FEATURES), jnp.int32),
            pltpu.VMEM((B_PER_CHUNK, N_FEATURES), jnp.int32),
            pltpu.VMEM((B_PER_CHUNK, N_FEATURES, D_MODEL), jnp.float32),
            pltpu.VMEM((B_PER_CHUNK, N_FEATURES, D_MODEL), jnp.float32),
            pltpu.SemaphoreType.DMA,
            pltpu.SemaphoreType.DMA,
            pltpu.SemaphoreType.DMA,
            pltpu.SemaphoreType.DMA,
        ],
    )(x, embeddings)


def _trans_body(z_ref, ident_ref, fe_ref, out_ref):
    z3 = z_ref[...].reshape(BS // 512, 128, 128)
    xt = jax.lax.dot_general(
        z3, ident_ref[...], (((1,), (0,)), ((), ())),
        preferred_element_type=jnp.float32,
        precision=jax.lax.Precision.HIGHEST)
    out2 = jnp.transpose(xt.reshape(BS // 512, 4, D_MODEL, 128), (2, 0, 1, 3))
    out2 = out2.reshape(D_MODEL, BS)
    bias = fe_ref[pl.program_id(0), :]
    out_ref[...] = (out2 + bias[:, None])[None]


def _trans_body_alias(z_ref, ident_ref, fe_ref, prev_ref, out_ref):
    del prev_ref
    _trans_body(z_ref, ident_ref, fe_ref, out_ref)


@jax.jit
def _tc_transpose0(z, feature_emb):
    return pl.pallas_call(
        _trans_body,
        grid=(N_FEATURES,),
        in_specs=[
            pl.BlockSpec((BS * D_MODEL // 128, 128), lambda f: (f, 0)),
            pl.BlockSpec((128, 128), lambda f: (0, 0)),
            pl.BlockSpec((N_FEATURES, D_MODEL), lambda f: (0, 0)),
        ],
        out_specs=pl.BlockSpec((1, D_MODEL, BS), lambda f: (f, 0, 0)),
        out_shape=jax.ShapeDtypeStruct((N_FEATURES, D_MODEL, BATCH), jnp.float32),
    )(z, jnp.eye(128, dtype=jnp.float32), feature_emb)


@functools.partial(jax.jit, static_argnums=(3,))
def _tc_transpose_s(z, feature_emb, prev, s):
    return pl.pallas_call(
        _trans_body_alias,
        grid=(N_FEATURES,),
        in_specs=[
            pl.BlockSpec((BS * D_MODEL // 128, 128), lambda f: (f, 0)),
            pl.BlockSpec((128, 128), lambda f: (0, 0)),
            pl.BlockSpec((N_FEATURES, D_MODEL), lambda f: (0, 0)),
            pl.BlockSpec(memory_space=pl.ANY),
        ],
        out_specs=pl.BlockSpec((1, D_MODEL, BS), lambda f: (f, 0, s)),
        out_shape=jax.ShapeDtypeStruct((N_FEATURES, D_MODEL, BATCH), jnp.float32),
        input_output_aliases={3: 0},
    )(z, jnp.eye(128, dtype=jnp.float32), feature_emb, prev)


def kernel(x, embeddings, feature_emb):
    xb = lax.optimization_barrier(
        jnp.reshape(jnp.asarray(x, jnp.int32), (BATCH * N_FEATURES // 128, 128)))
    x2 = jnp.reshape(xb, (BATCH, N_FEATURES))
    tb = lax.optimization_barrier(
        jnp.reshape(embeddings, (N_CLASSES * D_MODEL // 128, 128)))
    table = jnp.reshape(tb, (N_CLASSES, D_MODEL))

    z = _sc_gather(x2, table, 0)
    z_next = _sc_gather(x2, table, BS)
    outT = _tc_transpose0(z, feature_emb)
    for s in range(1, NUM_SLICES):
        z = z_next
        if s + 1 < NUM_SLICES:
            z_next = _sc_gather(x2, table, (s + 1) * BS)
        outT = _tc_transpose_s(z, feature_emb, outT, s)
    return jnp.transpose(outT, (2, 0, 1))

# --- scband reference (transcript-rebuilt; emitter-appended) ---
"""Pipeline reference for scband-feature-tokenizer-27315992003188 (READ-ONLY COPY).

The authoritative reference and input builder live on the scoring server;
editing this copy changes nothing except your own understanding.
"""

import jax, jax.numpy as jnp
import numpy as np

N_CLASSES = 1000000
N_FEATURES = 100
D_MODEL = 32
BATCH = 16384

def setup_inputs(seed: int = 0) -> dict:
    key = jax.random.key(seed)
    k1, k2, k3 = jax.random.split(key, 3)
    x = jax.random.randint(k1, (BATCH, N_FEATURES), 0, N_CLASSES, dtype=jnp.int64 if jax.config.jax_enable_x64 else jnp.int32)
    embeddings = jax.random.normal(k2, (N_CLASSES, D_MODEL), dtype=jnp.float32)
    feature_emb = jax.random.normal(k3, (N_FEATURES, D_MODEL), dtype=jnp.float32)
    return {"x": x, "embeddings": embeddings, "feature_emb": feature_emb}

def reference(x, embeddings, feature_emb):
    # gather from embedding table: [B, F] -> [B, F, D]
    tok = jnp.take(embeddings, x, axis=0)
    # add feature-specific embedding broadcast over batch
    return tok + feature_emb[None, :, :]

if __name__ == "__main__":
    import jax
    _d = setup_inputs()
    print(jax.jit(kernel)(*tuple(_d.values())))

</pallas_src>

<mosaic_0001>
#map = affine_map<(d0, d1) -> (0, 0)>
module attributes {stable_mosaic.version = 14 : i64} {
  func.func @sc_gather_0(%arg0: i32, %arg1: i32, %arg2: memref<16384x100xi32, #tpu.memory_space<hbm>>, %arg3: memref<1000000x32xf32, #tpu.memory_space<hbm>>, %arg4: memref<204800x128xf32, #tpu.memory_space<hbm>>, %arg5: memref<16x100xi32, #tpu.memory_space<vmem>>, %arg6: memref<16x100xi32, #tpu.memory_space<vmem>>, %arg7: memref<16x100x32xf32, #tpu.memory_space<vmem>>, %arg8: memref<16x100x32xf32, #tpu.memory_space<vmem>>, %arg9: memref<!tpu.dma_semaphore, #tpu.memory_space<semaphore_mem>>, %arg10: memref<!tpu.dma_semaphore, #tpu.memory_space<semaphore_mem>>, %arg11: memref<!tpu.dma_semaphore, #tpu.memory_space<semaphore_mem>>, %arg12: memref<!tpu.dma_semaphore, #tpu.memory_space<semaphore_mem>>) attributes {dimension_semantics = [#tpu.dimension_semantics<core_parallel>, #tpu.dimension_semantics<subcore_parallel>], iteration_bounds = array<i64: 2, 16>, scalar_prefetch = 0 : i64, scratch_operands = 8 : i64, tpu.core_type = #tpu.core_type<sc_vector_subcore>, window_params = [{transform_indices = #map}, {transform_indices = #map}, {transform_indices = #map}]} {
    %mul3A = arith.constant 2 : i32
    %mul3A_0 = arith.muli %arg1, %mul3A : i32
    %add3A = arith.addi %mul3A_0, %arg0 : i32
    %mul3A_1 = arith.constant 256 : i32
    %mul3A_2 = arith.muli %add3A, %mul3A_1 : i32
    %add3A_3 = arith.constant 0 : i32
    %add3A_4 = arith.addi %add3A_3, %mul3A_2 : i32
    %add3A_5 = arith.constant 0 : i32
    %add3A_6 = arith.addi %add3A_4, %add3A_5 : i32
    "tpu.region"() ({
      %run_scoped3A = tpu.sem_alloc : memref<!tpu.dma_semaphore, #tpu.memory_space<semaphore_mem>>
      %dma_start3A_215 = arith.constant 0 : i32
      %dma_start3A_216 = tpu.memref_slice %arg2[%add3A_6, %dma_start3A_215] : memref<16384x100xi32, #tpu.memory_space<hbm>> -> memref<16x100xi32, #tpu.memory_space<hbm>>
      %dma_start3A_217 = arith.constant 0 : i32
      %dma_start3A_218 = tpu.memref_slice %arg2[%add3A_6, %dma_start3A_217] : memref<16384x100xi32, #tpu.memory_space<hbm>> -> memref<16x100xi32, #tpu.memory_space<hbm>>
      tpu.enqueue_dma source(%dma_start3A_218 : memref<16x100xi32, #tpu.memory_space<hbm>>) target(%arg5 : memref<16x100xi32, #tpu.memory_space<vmem>>) target_semaphore(%run_scoped3A : memref<!tpu.dma_semaphore, #tpu.memory_space<semaphore_mem>>)
      %dma_wait3A = arith.constant 0 : i32
      %dma_wait3A_219 = tpu.memref_slice %arg2[%add3A_6, %dma_wait3A] : memref<16384x100xi32, #tpu.memory_space<hbm>> -> memref<16x100xi32, #tpu.memory_space<hbm>>
      %dma_wait3A_220 = arith.constant 0 : i32
      %dma_wait3A_221 = tpu.memref_slice %arg2[%add3A_6, %dma_wait3A_220] : memref<16384x100xi32, #tpu.memory_space<hbm>> -> memref<16x100xi32, #tpu.memory_space<hbm>>
      tpu.wait_dma2 semaphore(%run_scoped3A : memref<!tpu.dma_semaphore, #tpu.memory_space<semaphore_mem>>) src(%dma_wait3A_221 : memref<16x100xi32, #tpu.memory_space<hbm>>) dst(%arg5 : memref<16x100xi32, #tpu.memory_space<vmem>>)
      tpu.yield
    }) : () -> ()
    %dma_start3A = arith.constant 0 : i32
    %dma_start3A_7 = arith.constant 0 : i32
    %dma_start3A_8 = arith.constant 0 : i32
    %dma_start3A_9 = arith.constant 0 : i32
    %dma_start3A_10 = tpu.memref_slice %arg7[%dma_start3A_7, %dma_start3A_8, %dma_start3A_9] : memref<16x100x32xf32, #tpu.memory_space<vmem>> -> memref<1x100x32xf32, #tpu.memory_space<vmem>>
    %dma_start3A_11 = tpu.memref_squeeze %dma_start3A_10 : memref<1x100x32xf32, #tpu.memory_space<vmem>> -> memref<100x32xf32, #tpu.memory_space<vmem>>
    %dma_start3A_12 = arith.constant 0 : i32
    %dma_start3A_13 = tpu.memref_slice %arg5[%dma_start3A, %dma_start3A_12] : memref<16x100xi32, #tpu.memory_space<vmem>> -> memref<1x100xi32, #tpu.memory_space<vmem>>
    %dma_start3A_14 = tpu.memref_squeeze %dma_start3A_13 : memref<1x100xi32, #tpu.memory_space<vmem>> -> memref<100xi32, #tpu.memory_space<vmem>>
    %dma_start3A_15 = arith.constant 0 : i32
    %dma_start3A_16 = arith.constant 0 : i32
    %dma_start3A_17 = tpu.memref_slice %arg3[%dma_start3A_15, %dma_start3A_16] : memref<1000000x32xf32, #tpu.memory_space<hbm>> -> memref<1000000x32xf32, #tpu.memory_space<hbm>>
    tpu.enqueue_indirect_dma source(%dma_start3A_17 : memref<1000000x32xf32, #tpu.memory_space<hbm>>) target(%dma_start3A_11 : memref<100x32xf32, #tpu.memory_space<vmem>>) offsets(%dma_start3A_14 : memref<100xi32, #tpu.memory_space<vmem>>) semaphore(%arg9 : memref<!tpu.dma_semaphore, #tpu.memory_space<semaphore_mem>>)
    %dma_start3A_18 = arith.constant 1 : i32
    %dma_start3A_19 = arith.constant 1 : i32
    %dma_start3A_20 = arith.constant 0 : i32
    %dma_start3A_21 = arith.constant 0 : i32
    %dma_start3A_22 = tpu.memref_slice %arg7[%dma_start3A_19, %dma_start3A_20, %dma_start3A_21] : memref<16x100x32xf32, #tpu.memory_space<vmem>> -> memref<1x100x32xf32, #tpu.memory_space<vmem>>
    %dma_start3A_23 = tpu.memref_squeeze %dma_start3A_22 : memref<1x100x32xf32, #tpu.memory_space<vmem>> -> memref<100x32xf32, #tpu.memory_space<vmem>>
    %dma_start3A_24 = arith.constant 0 : i32
    %dma_start3A_25 = tpu.memref_slice %arg5[%dma_start3A_18, %dma_start3A_24] : memref<16x100xi32, #tpu.memory_space<vmem>> -> memref<1x100xi32, #tpu.memory_space<vmem>>
    %dma_start3A_26 = tpu.memref_squeeze %dma_start3A_25 : memref<1x100xi32, #tpu.memory_space<vmem>> -> memref<100xi32, #tpu.memory_space<vmem>>
    %dma_start3A_27 = arith.constant 0 : i32
    %dma_start3A_28 = arith.constant 0 : i32
    %dma_start3A_29 = tpu.memref_slice %arg3[%dma_start3A_27, %dma_start3A_28] : memref<1000000x32xf32, #tpu.memory_space<hbm>> -> memref<1000000x32xf32, #tpu.memory_space<hbm>>
    tpu.enqueue_indirect_dma source(%dma_start3A_29 : memref<1000000x32xf32, #tpu.memory_space<hbm>>) target(%dma_start3A_23 : memref<100x32xf32, #tpu.memory_space<vmem>>) offsets(%dma_start3A_26 : memref<100xi32, #tpu.memory_space<vmem>>) semaphore(%arg9 : memref<!tpu.dma_semaphore, #tpu.memory_space<semaphore_mem>>)
    %dma_start3A_30 = arith.constant 2 : i32
    %dma_start3A_31 = arith.constant 2 : i32
    %dma_start3A_32 = arith.constant 0 : i32
    %dma_start3A_33 = arith.constant 0 : i32
    %dma_start3A_34 = tpu.memref_slice %arg7[%dma_start3A_31, %dma_start3A_32, %dma_start3A_33] : memref<16x100x32xf32, #tpu.memory_space<vmem>> -> memref<1x100x32xf32, #tpu.memory_space<vmem>>
    %dma_start3A_35 = tpu.memref_squeeze %dma_start3A_34 : memref<1x100x32xf32, #tpu.memory_space<vmem>> -> memref<100x32xf32, #tpu.memory_space<vmem>>
    %dma_start3A_36 = arith.constant 0 : i32
    %dma_start3A_37 = tpu.memref_slice %arg5[%dma_start3A_30, %dma_start3A_36] : memref<16x100xi32, #tpu.memory_space<vmem>> -> memref<1x100xi32, #tpu.memory_space<vmem>>
    %dma_start3A_38 = tpu.memref_squeeze %dma_start3A_37 : memref<1x100xi32, #tpu.memory_space<vmem>> -> memref<100xi32, #tpu.memory_space<vmem>>
    %dma_start3A_39 = arith.constant 0 : i32
    %dma_start3A_40 = arith.constant 0 : i32
    %dma_start3A_41 = tpu.memref_slice %arg3[%dma_start3A_39, %dma_start3A_40] : memref<1000000x32xf32, #tpu.memory_space<hbm>> -> memref<1000000x32xf32, #tpu.memory_space<hbm>>
    tpu.enqueue_indirect_dma source(%dma_start3A_41 : memref<1000000x32xf32, #tpu.memory_space<hbm>>) target(%dma_start3A_35 : memref<100x32xf32, #tpu.memory_space<vmem>>) offsets(%dma_start3A_38 : memref<100xi32, #tpu.memory_space<vmem>>) semaphore(%arg9 : memref<!tpu.dma_semaphore, #tpu.memory_space<semaphore_mem>>)
    %dma_start3A_42 = arith.constant 3 : i32
    %dma_start3A_43 = arith.constant 3 : i32
    %dma_start3A_44 = arith.constant 0 : i32
    %dma_start3A_45 = arith.constant 0 : i32
    %dma_start3A_46 = tpu.memref_slice %arg7[%dma_start3A_43, %dma_start3A_44, %dma_start3A_45] : memref<16x100x32xf32, #tpu.memory_space<vmem>> -> memref<1x100x32xf32, #tpu.memory_space<vmem>>
    %dma_start3A_47 = tpu.memref_squeeze %dma_start3A_46 : memref<1x100x32xf32, #tpu.memory_space<vmem>> -> memref<100x32xf32, #tpu.memory_space<vmem>>
    %dma_start3A_48 = arith.constant 0 : i32
    %dma_start3A_49 = tpu.memref_slice %arg5[%dma_start3A_42, %dma_start3A_48] : memref<16x100xi32, #tpu.memory_space<vmem>> -> memref<1x100xi32, #tpu.memory_space<vmem>>
    %dma_start3A_50 = tpu.memref_squeeze %dma_start3A_49 : memref<1x100xi32, #tpu.memory_space<vmem>> -> memref<100xi32, #tpu.memory_space<vmem>>
    %dma_start3A_51 = arith.constant 0 : i32
    %dma_start3A_52 = arith.constant 0 : i32
    %dma_start3A_53 = tpu.memref_slice %arg3[%dma_start3A_51, %dma_start3A_52] : memref<1000000x32xf32, #tpu.memory_space<hbm>> -> memref<1000000x32xf32, #tpu.memory_space<hbm>>
    tpu.enqueue_indirect_dma source(%dma_start3A_53 : memref<1000000x32xf32, #tpu.memory_space<hbm>>) target(%dma_start3A_47 : memref<100x32xf32, #tpu.memory_space<vmem>>) offsets(%dma_start3A_50 : memref<100xi32, #tpu.memory_space<vmem>>) semaphore(%arg9 : memref<!tpu.dma_semaphore, #tpu.memory_space<semaphore_mem>>)
    %dma_start3A_54 = arith.constant 4 : i32
    %dma_start3A_55 = arith.constant 4 : i32
    %dma_start3A_56 = arith.constant 0 : i32
    %dma_start3A_57 = arith.constant 0 : i32
    %dma_start3A_58 = tpu.memref_slice %arg7[%dma_start3A_55, %dma_start3A_56, %dma_start3A_57] : memref<16x100x32xf32, #tpu.memory_space<vmem>> -> memref<1x100x32xf32, #tpu.memory_space<vmem>>
    %dma_start3A_59 = tpu.memref_squeeze %dma_start3A_58 : memref<1x100x32xf32, #tpu.memory_space<vmem>> -> memref<100x32xf32, #tpu.memory_space<vmem>>
    %dma_start3A_60 = arith.constant 0 : i32
    %dma_start3A_61 = tpu.memref_slice %arg5[%dma_start3A_54, %dma_start3A_60] : memref<16x100xi32, #tpu.memory_space<vmem>> -> memref<1x100xi32, #tpu.memory_space<vmem>>
    %dma_start3A_62 = tpu.memref_squeeze %dma_start3A_61 : memref<1x100xi32, #tpu.memory_space<vmem>> -> memref<100xi32, #tpu.memory_space<vmem>>
    %dma_start3A_63 = arith.constant 0 : i32
    %dma_start3A_64 = arith.constant 0 : i32
    %dma_start3A_65 = tpu.memref_slice %arg3[%dma_start3A_63, %dma_start3A_64] : memref<1000000x32xf32, #tpu.memory_space<hbm>> -> memref<1000000x32xf32, #tpu.memory_space<hbm>>
    tpu.enqueue_indirect_dma source(%dma_start3A_65 : memref<1000000x32xf32, #tpu.memory_space<hbm>>) target(%dma_start3A_59 : memref<100x32xf32, #tpu.memory_space<vmem>>) offsets(%dma_start3A_62 : memref<100xi32, #tpu.memory_space<vmem>>) semaphore(%arg9 : memref<!tpu.dma_semaphore, #tpu.memory_space<semaphore_mem>>)
    %dma_start3A_66 = arith.constant 5 : i32
    %dma_start3A_67 = arith.constant 5 : i32
    %dma_start3A_68 = arith.constant 0 : i32
    %dma_start3A_69 = arith.constant 0 : i32
    %dma_start3A_70 = tpu.memref_slice %arg7[%dma_start3A_67, %dma_start3A_68, %dma_start3A_69] : memref<16x100x32xf32, #tpu.memory_space<vmem>> -> memref<1x100x32xf32, #tpu.memory_space<vmem>>
    %dma_start3A_71 = tpu.memref_squeeze %dma_start3A_70 : memref<1x100x32xf32, #tpu.memory_space<vmem>> -> memref<100x32xf32, #tpu.memory_space<vmem>>
    %dma_start3A_72 = arith.constant 0 : i32
    %dma_start3A_73 = tpu.memref_slice %arg5[%dma_start3A_66, %dma_start3A_72] : memref<16x100xi32, #tpu.memory_space<vmem>> -> memref<1x100xi32, #tpu.memory_space<vmem>>
    %dma_start3A_74 = tpu.memref_squeeze %dma_start3A_73 : memref<1x100xi32, #tpu.memory_space<vmem>> -> memref<100xi32, #tpu.memory_space<vmem>>
    %dma_start3A_75 = arith.constant 0 : i32
    %dma_start3A_76 = arith.constant 0 : i32
    %dma_start3A_77 = tpu.memref_slice %arg3[%dma_start3A_75, %dma_start3A_76] : memref<1000000x32xf32, #tpu.memory_space<hbm>> -> memref<1000000x32xf32, #tpu.memory_space<hbm>>
    tpu.enqueue_indirect_dma source(%dma_start3A_77 : memref<1000000x32xf32, #tpu.memory_space<hbm>>) target(%dma_start3A_71 : memref<100x32xf32, #tpu.memory_space<vmem>>) offsets(%dma_start3A_74 : memref<100xi32, #tpu.memory_space<vmem>>) semaphore(%arg9 : memref<!tpu.dma_semaphore, #tpu.memory_space<semaphore_mem>>)
    %dma_start3A_78 = arith.constant 6 : i32
    %dma_start3A_79 = arith.constant 6 : i32
    %dma_start3A_80 = arith.constant 0 : i32
    %dma_start3A_81 = arith.constant 0 : i32
    %dma_start3A_82 = tpu.memref_slice %arg7[%dma_start3A_79, %dma_start3A_80, %dma_start3A_81] : memref<16x100x32xf32, #tpu.memory_space<vmem>> -> memref<1x100x32xf32, #tpu.memory_space<vmem>>
    %dma_start3A_83 = tpu.memref_squeeze %dma_start3A_82 : memref<1x100x32xf32, #tpu.memory_space<vmem>> -> memref<100x32xf32, #tpu.memory_space<vmem>>
    %dma_start3A_84 = arith.constant 0 : i32
    %dma_start3A_85 = tpu.memref_slice %arg5[%dma_start3A_78, %dma_start3A_84] : memref<16x100xi32, #tpu.memory_space<vmem>> -> memref<1x100xi32, #tpu.memory_space<vmem>>
    %dma_start3A_86 = tpu.memref_squeeze %dma_start3A_85 : memref<1x100xi32, #tpu.memory_space<vmem>> -> memref<100xi32, #tpu.memory_space<vmem>>
    %dma_start3A_87 = arith.constant 0 : i32
    %dma_start3A_88 = arith.constant 0 : i32
    %dma_start3A_89 = tpu.memref_slice %arg3[%dma_start3A_87, %dma_start3A_88] : memref<1000000x32xf32, #tpu.memory_space<hbm>> -> memref<1000000x32xf32, #tpu.memory_space<hbm>>
    tpu.enqueue_indirect_dma source(%dma_start3A_89 : memref<1000000x32xf32, #tpu.memory_space<hbm>>) target(%dma_start3A_83 : memref<100x32xf32, #tpu.memory_space<vmem>>) offsets(%dma_start3A_86 : memref<100xi32, #tpu.memory_space<vmem>>) semaphore(%arg9 : memref<!tpu.dma_semaphore, #tpu.memory_space<semaphore_mem>>)
    %dma_start3A_90 = arith.constant 7 : i32
    %dma_start3A_91 = arith.constant 7 : i32
    %dma_start3A_92 = arith.constant 0 : i32
    %dma_start3A_93 = arith.constant 0 : i32
    %dma_start3A_94 = tpu.memref_slice %arg7[%dma_start3A_91, %dma_start3A_92, %dma_start3A_93] : memref<16x100x32xf32, #tpu.memory_space<vmem>> -> memref<1x100x32xf32, #tpu.memory_space<vmem>>
    %dma_start3A_95 = tpu.memref_squeeze %dma_start3A_94 : memref<1x100x32xf32, #tpu.memory_space<vmem>> -> memref<100x32xf32, #tpu.memory_space<vmem>>
    %dma_start3A_96 = arith.constant 0 : i32
    %dma_start3A_97 = tpu.memref_slice %arg5[%dma_start3A_90, %dma_start3A_96] : memref<16x100xi32, #tpu.memory_space<vmem>> -> memref<1x100xi32, #tpu.memory_space<vmem>>
    %dma_start3A_98 = tpu.memref_squeeze %dma_start3A_97 : memref<1x100xi32, #tpu.memory_space<vmem>> -> memref<100xi32, #tpu.memory_space<vmem>>
    %dma_start3A_99 = arith.constant 0 : i32
    %dma_start3A_100 = arith.constant 0 : i32
    %dma_start3A_101 = tpu.memref_slice %arg3[%dma_start3A_99, %dma_start3A_100] : memref<1000000x32xf32, #tpu.memory_space<hbm>> -> memref<1000000x32xf32, #tpu.memory_space<hbm>>
    tpu.enqueue_indirect_dma source(%dma_start3A_101 : memref<1000000x32xf32, #tpu.memory_space<hbm>>) target(%dma_start3A_95 : memref<100x32xf32, #tpu.memory_space<vmem>>) offsets(%dma_start3A_98 : memref<100xi32, #tpu.memory_space<vmem>>) semaphore(%arg9 : memref<!tpu.dma_semaphore, #tpu.memory_space<semaphore_mem>>)
    %dma_start3A_102 = arith.constant 8 : i32
    %dma_start3A_103 = arith.constant 8 : i32
    %dma_start3A_104 = arith.constant 0 : i32
    %dma_start3A_105 = arith.constant 0 : i32
    %dma_start3A_106 = tpu.memref_slice %arg7[%dma_start3A_103, %dma_start3A_104, %dma_start3A_105] : memref<16x100x32xf32, #tpu.memory_space<vmem>> -> memref<1x100x32xf32, #tpu.memory_space<vmem>>
    %dma_start3A_107 = tpu.memref_squeeze %dma_start3A_106 : memref<1x100x32xf32, #tpu.memory_space<vmem>> -> memref<100x32xf32, #tpu.memory_space<vmem>>
    %dma_start3A_108 = arith.constant 0 : i32
    %dma_start3A_109 = tpu.memref_slice %arg5[%dma_start3A_102, %dma_start3A_108] : memref<16x100xi32, #tpu.memory_space<vmem>> -> memref<1x100xi32, #tpu.memory_space<vmem>>
    %dma_start3A_110 = tpu.memref_squeeze %dma_start3A_109 : memref<1x100xi32, #tpu.memory_space<vmem>> -> memref<100xi32, #tpu.memory_space<vmem>>
    %dma_start3A_111 = arith.constant 0 : i32
    %dma_start3A_112 = arith.constant 0 : i32
    %dma_start3A_113 = tpu.memref_slice %arg3[%dma_start3A_111, %dma_start3A_112] : memref<1000000x32xf32, #tpu.memory_space<hbm>> -> memref<1000000x32xf32, #tpu.memory_space<hbm>>
    tpu.enqueue_indirect_dma source(%dma_start3A_113 : memref<1000000x32xf32, #tpu.memory_space<hbm>>) target(%dma_start3A_107 : memref<100x32xf32, #tpu.memory_space<vmem>>) offsets(%dma_start3A_110 : memref<100xi32, #tpu.memory_space<vmem>>) semaphore(%arg9 : memref<!tpu.dma_semaphore, #tpu.memory_space<semaphore_mem>>)
    %dma_start3A_114 = arith.constant 9 : i32
    %dma_start3A_115 = arith.constant 9 : i32
    %dma_start3A_116 = arith.constant 0 : i32
    %dma_start3A_117 = arith.constant 0 : i32
    %dma_start3A_118 = tpu.memref_slice %arg7[%dma_start3A_115, %dma_start3A_116, %dma_start3A_117] : memref<16x100x32xf32, #tpu.memory_space<vmem>> -> memref<1x100x32xf32, #tpu.memory_space<vmem>>
    %dma_start3A_119 = tpu.memref_squeeze %dma_start3A_118 : memref<1x100x32xf32, #tpu.memory_space<vmem>> -> memref<100x32xf32, #tpu.memory_space<vmem>>
    %dma_start3A_120 = arith.constant 0 : i32
    %dma_start3A_121 = tpu.memref_slice %arg5[%dma_start3A_114, %dma_start3A_120] : memref<16x100xi32, #tpu.memory_space<vmem>> -> memref<1x100xi32, #tpu.memory_space<vmem>>
    %dma_start3A_122 = tpu.memref_squeeze %dma_start3A_121 : memref<1x100xi32, #tpu.memory_space<vmem>> -> memref<100xi32, #tpu.memory_space<vmem>>
    %dma_start3A_123 = arith.constant 0 : i32
    %dma_start3A_124 = arith.constant 0 : i32
    %dma_start3A_125 = tpu.memref_slice %arg3[%dma_start3A_123, %dma_start3A_124] : memref<1000000x32xf32, #tpu.memory_space<hbm>> -> memref<1000000x32xf32, #tpu.memory_space<hbm>>
    tpu.enqueue_indirect_dma source(%dma_start3A_125 : memref<1000000x32xf32, #tpu.memory_space<hbm>>) target(%dma_start3A_119 : memref<100x32xf32, #tpu.memory_space<vmem>>) offsets(%dma_start3A_122 : memref<100xi32, #tpu.memory_space<vmem>>) semaphore(%arg9 : memref<!tpu.dma_semaphore, #tpu.memory_space<semaphore_mem>>)
    %dma_start3A_126 = arith.constant 10 : i32
    %dma_start3A_127 = arith.constant 10 : i32
    %dma_start3A_128 = arith.constant 0 : i32
    %dma_start3A_129 = arith.constant 0 : i32
    %dma_start3A_130 = tpu.memref_slice %arg7[%dma_start3A_127, %dma_start3A_128, %dma_start3A_129] : memref<16x100x32xf32, #tpu.memory_space<vmem>> -> memref<1x100x32xf32, #tpu.memory_space<vmem>>
    %dma_start3A_131 = tpu.memref_squeeze %dma_start3A_130 : memref<1x100x32xf32, #tpu.memory_space<vmem>> -> memref<100x32xf32, #tpu.memory_space<vmem>>
    %dma_start3A_132 = arith.constant 0 : i32
    %dma_start3A_133 = tpu.memref_slice %arg5[%dma_start3A_126, %dma_start3A_132] : memref<16x100xi32, #tpu.memory_space<vmem>> -> memref<1x100xi32, #tpu.memory_space<vmem>>
    %dma_start3A_134 = tpu.memref_squeeze %dma_start3A_133 : memref<1x100xi32, #tpu.memory_space<vmem>> -> memref<100xi32, #tpu.memory_space<vmem>>
    %dma_start3A_135 = arith.constant 0 : i32
    %dma_start3A_136 = arith.constant 0 : i32
    %dma_start3A_137 = tpu.memref_slice %arg3[%dma_start3A_135, %dma_start3A_136] : memref<1000000x32xf32, #tpu.memory_space<hbm>> -> memref<1000000x32xf32, #tpu.memory_space<hbm>>
    tpu.enqueue_indirect_dma source(%dma_start3A_137 : memref<1000000x32xf32, #tpu.memory_space<hbm>>) target(%dma_start3A_131 : memref<100x32xf32, #tpu.memory_space<vmem>>) offsets(%dma_start3A_134 : memref<100xi32, #tpu.memory_space<vmem>>) semaphore(%arg9 : memref<!tpu.dma_semaphore, #tpu.memory_space<semaphore_mem>>)
    %dma_start3A_138 = arith.constant 11 : i32
    %dma_start3A_139 = arith.constant 11 : i32
    %dma_start3A_140 = arith.constant 0 : i32
    %dma_start3A_141 = arith.constant 0 : i32
    %dma_start3A_142 = tpu.memref_slice %arg7[%dma_start3A_139, %dma_start3A_140, %dma_start3A_141] : memref<16x100x32xf32, #tpu.memory_space<vmem>> -> memref<1x100x32xf32, #tpu.memory_space<vmem>>
    %dma_start3A_143 = tpu.memref_squeeze %dma_start3A_142 : memref<1x100x32xf32, #tpu.memory_space<vmem>> -> memref<100x32xf32, #tpu.memory_space<vmem>>
    %dma_start3A_144 = arith.constant 0 : i32
    %dma_start3A_145 = tpu.memref_slice %arg5[%dma_start3A_138, %dma_start3A_144] : memref<16x100xi32, #tpu.memory_space<vmem>> -> memref<1x100xi32, #tpu.memory_space<vmem>>
    %dma_start3A_146 = tpu.memref_squeeze %dma_start3A_145 : memref<1x100xi32, #tpu.memory_space<vmem>> -> memref<100xi32, #tpu.memory_space<vmem>>
    %dma_start3A_147 = arith.constant 0 : i32
    %dma_start3A_148 = arith.constant 0 : i32
    %dma_start3A_149 = tpu.memref_slice %arg3[%dma_start3A_147, %dma_start3A_148] : memref<1000000x32xf32, #tpu.memory_space<hbm>> -> memref<1000000x32xf32, #tpu.memory_space<hbm>>
    tpu.enqueue_indirect_dma source(%dma_start3A_149 : memref<1000000x32xf32, #tpu.memory_space<hbm>>) target(%dma_start3A_143 : memref<100x32xf32, #tpu.memory_space<vmem>>) offsets(%dma_start3A_146 : memref<100xi32, #tpu.memory_space<vmem>>) semaphore(%arg9 : memref<!tpu.dma_semaphore, #tpu.memory_space<semaphore_mem>>)
    %dma_start3A_150 = arith.constant 12 : i32
    %dma_start3A_151 = arith.constant 12 : i32
    %dma_start3A_152 = arith.constant 0 : i32
    %dma_start3A_153 = arith.constant 0 : i32
    %dma_start3A_154 = tpu.memref_slice %arg7[%dma_start3A_151, %dma_start3A_152, %dma_start3A_153] : memref<16x100x32xf32, #tpu.memory_space<vmem>> -> memref<1x100x32xf32, #tpu.memory_space<vmem>>
    %dma_start3A_155 = tpu.memref_squeeze %dma_start3A_154 : memref<1x100x32xf32, #tpu.memory_space<vmem>> -> memref<100x32xf32, #tpu.memory_space<vmem>>
    %dma_start3A_156 = arith.constant 0 : i32
    %dma_start3A_157 = tpu.memref_slice %arg5[%dma_start3A_150, %dma_start3A_156] : memref<16x100xi32, #tpu.memory_space<vmem>> -> memref<1x100xi32, #tpu.memory_space<vmem>>
    %dma_start3A_158 = tpu.memref_squeeze %dma_start3A_157 : memref<1x100xi32, #tpu.memory_space<vmem>> -> memref<100xi32, #tpu.memory_space<vmem>>
    %dma_start3A_159 = arith.constant 0 : i32
    %dma_start3A_160 = arith.constant 0 : i32
    %dma_start3A_161 = tpu.memref_slice %arg3[%dma_start3A_159, %dma_start3A_160] : memref<1000000x32xf32, #tpu.memory_space<hbm>> -> memref<1000000x32xf32, #tpu.memory_space<hbm>>
    tpu.enqueue_indirect_dma source(%dma_start3A_161 : memref<1000000x32xf32, #tpu.memory_space<hbm>>) target(%dma_start3A_155 : memref<100x32xf32, #tpu.memory_space<vmem>>) offsets(%dma_start3A_158 : memref<100xi32, #tpu.memory_space<vmem>>) semaphore(%arg9 : memref<!tpu.dma_semaphore, #tpu.memory_space<semaphore_mem>>)
    %dma_start3A_162 = arith.constant 13 : i32
    %dma_start3A_163 = arith.constant 13 : i32
    %dma_start3A_164 = arith.constant 0 : i32
    %dma_start3A_165 = arith.constant 0 : i32
    %dma_start3A_166 = tpu.memref_slice %arg7[%dma_start3A_163, %dma_start3A_164, %dma_start3A_165] : memref<16x100x32xf32, #tpu.memory_space<vmem>> -> memref<1x100x32xf32, #tpu.memory_space<vmem>>
    %dma_start3A_167 = tpu.memref_squeeze %dma_start3A_166 : memref<1x100x32xf32, #tpu.memory_space<vmem>> -> memref<100x32xf32, #tpu.memory_space<vmem>>
    %dma_start3A_168 = arith.constant 0 : i32
    %dma_start3A_169 = tpu.memref_slice %arg5[%dma_start3A_162, %dma_start3A_168] : memref<16x100xi32, #tpu.memory_space<vmem>> -> memref<1x100xi32, #tpu.memory_space<vmem>>
    %dma_start3A_170 = tpu.memref_squeeze %dma_start3A_169 : memref<1x100xi32, #tpu.memory_space<vmem>> -> memref<100xi32, #tpu.memory_space<vmem>>
    %dma_start3A_171 = arith.constant 0 : i32
    %dma_start3A_172 = arith.constant 0 : i32
    %dma_start3A_173 = tpu.memref_slice %arg3[%dma_start3A_171, %dma_start3A_172] : memref<1000000x32xf32, #tpu.memory_space<hbm>> -> memref<1000000x32xf32, #tpu.memory_space<hbm>>
    tpu.enqueue_indirect_dma source(%dma_start3A_173 : memref<1000000x32xf32, #tpu.memory_space<hbm>>) target(%dma_start3A_167 : memref<100x32xf32, #tpu.memory_space<vmem>>) offsets(%dma_start3A_170 : memref<100xi32, #tpu.memory_space<vmem>>) semaphore(%arg9 : memref<!tpu.dma_semaphore, #tpu.memory_space<semaphore_mem>>)
    %dma_start3A_174 = arith.constant 14 : i32
    %dma_start3A_175 = arith.constant 14 : i32
    %dma_start3A_176 = arith.constant 0 : i32
    %dma_start3A_177 = arith.constant 0 : i32
    %dma_start3A_178 = tpu.memref_slice %arg7[%dma_start3A_175, %dma_start3A_176, %dma_start3A_177] : memref<16x100x32xf32, #tpu.memory_space<vmem>> -> memref<1x100x32xf32, #tpu.memory_space<vmem>>
    %dma_start3A_179 = tpu.memref_squeeze %dma_start3A_178 : memref<1x100x32xf32, #tpu.memory_space<vmem>> -> memref<100x32xf32, #tpu.memory_space<vmem>>
    %dma_start3A_180 = arith.constant 0 : i32
    %dma_start3A_181 = tpu.memref_slice %arg5[%dma_start3A_174, %dma_start3A_180] : memref<16x100xi32, #tpu.memory_space<vmem>> -> memref<1x100xi32, #tpu.memory_space<vmem>>
    %dma_start3A_182 = tpu.memref_squeeze %dma_start3A_181 : memref<1x100xi32, #tpu.memory_space<vmem>> -> memref<100xi32, #tpu.memory_space<vmem>>
    %dma_start3A_183 = arith.constant 0 : i32
    %dma_start3A_184 = arith.constant 0 : i32
    %dma_start3A_185 = tpu.memref_slice %arg3[%dma_start3A_183, %dma_start3A_184] : memref<1000000x32xf32, #tpu.memory_space<hbm>> -> memref<1000000x32xf32, #tpu.memory_space<hbm>>
    tpu.enqueue_indirect_dma source(%dma_start3A_185 : memref<1000000x32xf32, #tpu.memory_space<hbm>>) target(%dma_start3A_179 : memref<100x32xf32, #tpu.memory_space<vmem>>) offsets(%dma_start3A_182 : memref<100xi32, #tpu.memory_space<vmem>>) semaphore(%arg9 : memref<!tpu.dma_semaphore, #tpu.memory_space<semaphore_mem>>)
    %dma_start3A_186 = arith.constant 15 : i32
    %dma_start3A_187 = arith.constant 15 : i32
    %dma_start3A_188 = arith.constant 0 : i32
    %dma_start3A_189 = arith.constant 0 : i32
    %dma_start3A_190 = tpu.memref_slice %arg7[%dma_start3A_187, %dma_start3A_188, %dma_start3A_189] : memref<16x100x32xf32, #tpu.memory_space<vmem>> -> memref<1x100x32xf32, #tpu.memory_space<vmem>>
    %dma_start3A_191 = tpu.memref_squeeze %dma_start3A_190 : memref<1x100x32xf32, #tpu.memory_space<vmem>> -> memref<100x32xf32, #tpu.memory_space<vmem>>
    %dma_start3A_192 = arith.constant 0 : i32
    %dma_start3A_193 = tpu.memref_slice %arg5[%dma_start3A_186, %dma_start3A_192] : memref<16x100xi32, #tpu.memory_space<vmem>> -> memref<1x100xi32, #tpu.memory_space<vmem>>
    %dma_start3A_194 = tpu.memref_squeeze %dma_start3A_193 : memref<1x100xi32, #tpu.memory_space<vmem>> -> memref<100xi32, #tpu.memory_space<vmem>>
    %dma_start3A_195 = arith.constant 0 : i32
    %dma_start3A_196 = arith.constant 0 : i32
    %dma_start3A_197 = tpu.memref_slice %arg3[%dma_start3A_195, %dma_start3A_196] : memref<1000000x32xf32, #tpu.memory_space<hbm>> -> memref<1000000x32xf32, #tpu.memory_space<hbm>>
    tpu.enqueue_indirect_dma source(%dma_start3A_197 : memref<1000000x32xf32, #tpu.memory_space<hbm>>) target(%dma_start3A_191 : memref<100x32xf32, #tpu.memory_space<vmem>>) offsets(%dma_start3A_194 : memref<100xi32, #tpu.memory_space<vmem>>) semaphore(%arg9 : memref<!tpu.dma_semaphore, #tpu.memory_space<semaphore_mem>>)
    %scan3A = arith.constant 0 : i32
    %scan3A_198 = arith.constant 0 : i32
    %scan3A_199 = arith.constant 8 : i32
    %scan3A_200 = arith.addi %scan3A_198, %scan3A_199 : i32
    %scan3A_201 = arith.constant 1 : i32
    scf.for %scan3A_215 = %scan3A_198 to %scan3A_200 step %scan3A_201  : i32 {
      %mul3A_216 = arith.constant 2 : i32
      %mul3A_217 = arith.muli %mul3A_216, %scan3A_215 : i32
      %add3A_218 = arith.constant 0 : i32
      %add3A_219 = arith.addi %mul3A_217, %add3A_218 : i32
      %dma_wait3A = arith.constant 0 : i32
      %dma_wait3A_220 = arith.constant 0 : i32
      %dma_wait3A_221 = arith.constant 0 : i32
      %dma_wait3A_222 = arith.constant 0 : i32
      %dma_wait3A_223 = tpu.memref_slice %arg7[%dma_wait3A_220, %dma_wait3A_221, %dma_wait3A_222] : memref<16x100x32xf32, #tpu.memory_space<vmem>> -> memref<1x100x32xf32, #tpu.memory_space<vmem>>
      %dma_wait3A_224 = tpu.memref_squeeze %dma_wait3A_223 : memref<1x100x32xf32, #tpu.memory_space<vmem>> -> memref<100x32xf32, #tpu.memory_space<vmem>>
      %dma_wait3A_225 = arith.constant 0 : i32
      %dma_wait3A_226 = tpu.memref_slice %arg5[%dma_wait3A, %dma_wait3A_225] : memref<16x100xi32, #tpu.memory_space<vmem>> -> memref<1x100xi32, #tpu.memory_space<vmem>>
      %dma_wait3A_227 = tpu.memref_squeeze %dma_wait3A_226 : memref<1x100xi32, #tpu.memory_space<vmem>> -> memref<100xi32, #tpu.memory_space<vmem>>
      %dma_wait3A_228 = arith.constant 0 : i32
      %dma_wait3A_229 = arith.constant 0 : i32
      %dma_wait3A_230 = tpu.memref_slice %arg3[%dma_wait3A_228, %dma_wait3A_229] : memref<1000000x32xf32, #tpu.memory_space<hbm>> -> memref<1000000x32xf32, #tpu.memory_space<hbm>>
      tpu.wait_indirect_dma semaphore(%arg9 : memref<!tpu.dma_semaphore, #tpu.memory_space<semaphore_mem>>) src(%dma_wait3A_230 : memref<1000000x32xf32, #tpu.memory_space<hbm>>) dst(%dma_wait3A_224 : memref<100x32xf32, #tpu.memory_space<vmem>>)
      %dma_wait3A_231 = arith.constant 1 : i32
      %dma_wait3A_232 = arith.constant 1 : i32
      %dma_wait3A_233 = arith.constant 0 : i32
      %dma_wait3A_234 = arith.constant 0 : i32
      %dma_wait3A_235 = tpu.memref_slice %arg7[%dma_wait3A_232, %dma_wait3A_233, %dma_wait3A_234] : memref<16x100x32xf32, #tpu.memory_space<vmem>> -> memref<1x100x32xf32, #tpu.memory_space<vmem>>
      %dma_wait3A_236 = tpu.memref_squeeze %dma_wait3A_235 : memref<1x100x32xf32, #tpu.memory_space<vmem>> -> memref<100x32xf32, #tpu.memory_space<vmem>>
      %dma_wait3A_237 = arith.constant 0 : i32
      %dma_wait3A_238 = tpu.memref_slice %arg5[%dma_wait3A_231, %dma_wait3A_237] : memref<16x100xi32, #tpu.memory_space<vmem>> -> memref<1x100xi32, #tpu.memory_space<vmem>>
      %dma_wait3A_239 = tpu.memref_squeeze %dma_wait3A_238 : memref<1x100xi32, #tpu.memory_space<vmem>> -> memref<100xi32, #tpu.memory_space<vmem>>
      %dma_wait3A_240 = arith.constant 0 : i32
      %dma_wait3A_241 = arith.constant 0 : i32
      %dma_wait3A_242 = tpu.memref_slice %arg3[%dma_wait3A_240, %dma_wait3A_241] : memref<1000000x32xf32, #tpu.memory_space<hbm>> -> memref<1000000x32xf32, #tpu.memory_space<hbm>>
      tpu.wait_indirect_dma semaphore(%arg9 : memref<!tpu.dma_semaphore, #tpu.memory_space<semaphore_mem>>) src(%dma_wait3A_242 : memref<1000000x32xf32, #tpu.memory_space<hbm>>) dst(%dma_wait3A_236 : memref<100x32xf32, #tpu.memory_space<vmem>>)
      %dma_wait3A_243 = arith.constant 2 : i32
      %dma_wait3A_244 = arith.constant 2 : i32
      %dma_wait3A_245 = arith.constant 0 : i32
      %dma_wait3A_246 = arith.constant 0 : i32
      %dma_wait3A_247 = tpu.memref_slice %arg7[%dma_wait3A_244, %dma_wait3A_245, %dma_wait3A_246] : memref<16x100x32xf32, #tpu.memory_space<vmem>> -> memref<1x100x32xf32, #tpu.memory_space<vmem>>
      %dma_wait3A_248 = tpu.memref_squeeze %dma_wait3A_247 : memref<1x100x32xf32, #tpu.memory_space<vmem>> -> memref<100x32xf32, #tpu.memory_space<vmem>>
      %dma_wait3A_249 = arith.constant 0 : i32
      %dma_wait3A_250 = tpu.memref_slice %arg5[%dma_wait3A_243, %dma_wait3A_249] : memref<16x100xi32, #tpu.memory_space<vmem>> -> memref<1x100xi32, #tpu.memory_space<vmem>>
      %dma_wait3A_251 = tpu.memref_squeeze %dma_wait3A_250 : memref<1x100xi32, #tpu.memory_space<vmem>> -> memref<100xi32, #tpu.memory_space<vmem>>
      %dma_wait3A_252 = arith.constant 0 : i32
      %dma_wait3A_253 = arith.constant 0 : i32
      %dma_wait3A_254 = tpu.memref_slice %arg3[%dma_wait3A_252, %dma_wait3A_253] : memref<1000000x32xf32, #tpu.memory_space<hbm>> -> memref<1000000x32xf32, #tpu.memory_space<hbm>>
      tpu.wait_indirect_dma semaphore(%arg9 : memref<!tpu.dma_semaphore, #tpu.memory_space<semaphore_mem>>) src(%dma_wait3A_254 : memref<1000000x32xf32, #tpu.memory_space<hbm>>) dst(%dma_wait3A_248 : memref<100x32xf32, #tpu.memory_space<vmem>>)
      %dma_wait3A_255 = arith.constant 3 : i32
      %dma_wait3A_256 = arith.constant 3 : i32
      %dma_wait3A_257 = arith.constant 0 : i32
      %dma_wait3A_258 = arith.constant 0 : i32
      %dma_wait3A_259 = tpu.memref_slice %arg7[%dma_wait3A_256, %dma_wait3A_257, %dma_wait3A_258] : memref<16x100x32xf32, #tpu.memory_space<vmem>> -> memref<1x100x32xf32, #tpu.memory_space<vmem>>
      %dma_wait3A_260 = tpu.memref_squeeze %dma_wait3A_259 : memref<1x100x32xf32, #tpu.memory_space<vmem>> -> memref<100x32xf32, #tpu.memory_space<vmem>>
      %dma_wait3A_261 = arith.constant 0 : i32
      %dma_wait3A_262 = tpu.memref_slice %arg5[%dma_wait3A_255, %dma_wait3A_261] : memref<16x100xi32, #tpu.memory_space<vmem>> -> memref<1x100xi32, #tpu.memory_space<vmem>>
      %dma_wait3A_263 = tpu.memref_squeeze %dma_wait3A_262 : memref<1x100xi32, #tpu.memory_space<vmem>> -> memref<100xi32, #tpu.memory_space<vmem>>
      %dma_wait3A_264 = arith.constant 0 : i32
      %dma_wait3A_265 = arith.constant 0 : i32
      %dma_wait3A_266 = tpu.memref_slice %arg3[%dma_wait3A_264, %dma_wait3A_265] : memref<1000000x32xf32, #tpu.memory_space<hbm>> -> memref<1000000x32xf32, #tpu.memory_space<hbm>>
      tpu.wait_indirect_dma semaphore(%arg9 : memref<!tpu.dma_semaphore, #tpu.memory_space<semaphore_mem>>) src(%dma_wait3A_266 : memref<1000000x32xf32, #tpu.memory_space<hbm>>) dst(%dma_wait3A_260 : memref<100x32xf32, #tpu.memory_space<vmem>>)
      %dma_wait3A_267 = arith.constant 4 : i32
      %dma_wait3A_268 = arith.constant 4 : i32
      %dma_wait3A_269 = arith.constant 0 : i32
      %dma_wait3A_270 = arith.constant 0 : i32
      %dma_wait3A_271 = tpu.memref_slice %arg7[%dma_wait3A_268, %dma_wait3A_269, %dma_wait3A_270] : memref<16x100x32xf32, #tpu.memory_space<vmem>> -> memref<1x100x32xf32, #tpu.memory_space<vmem>>
      %dma_wait3A_272 = tpu.memref_squeeze %dma_wait3A_271 : memref<1x100x32xf32, #tpu.memory_space<vmem>> -> memref<100x32xf32, #tpu.memory_space<vmem>>
      %dma_wait3A_273 = arith.constant 0 : i32
      %dma_wait3A_274 = tpu.memref_slice %arg5[%dma_wait3A_267, %dma_wait3A_273] : memref<16x100xi32, #tpu.memory_space<vmem>> -> memref<1x100xi32, #tpu.memory_space<vmem>>
      %dma_wait3A_275 = tpu.memref_squeeze %dma_wait3A_274 : memref<1x100xi32, #tpu.memory_space<vmem>> -> memref<100xi32, #tpu.memory_space<vmem>>
      %dma_wait3A_276 = arith.constant 0 : i32
      %dma_wait3A_277 = arith.constant 0 : i32
      %dma_wait3A_278 = tpu.memref_slice %arg3[%dma_wait3A_276, %dma_wait3A_277] : memref<1000000x32xf32, #tpu.memory_space<hbm>> -> memref<1000000x32xf32, #tpu.memory_space<hbm>>
      tpu.wait_indirect_dma semaphore(%arg9 : memref<!tpu.dma_semaphore, #tpu.memory_space<semaphore_mem>>) src(%dma_wait3A_278 : memref<1000000x32xf32, #tpu.memory_space<hbm>>) dst(%dma_wait3A_272 : memref<100x32xf32, #tpu.memory_space<vmem>>)
      %dma_wait3A_279 = arith.constant 5 : i32
      %dma_wait3A_280 = arith.constant 5 : i32
      %dma_wait3A_281 = arith.constant 0 : i32
      %dma_wait3A_282 = arith.constant 0 : i32
      %dma_wait3A_283 = tpu.memref_slice %arg7[%dma_wait3A_280, %dma_wait3A_281, %dma_wait3A_282] : memref<16x100x32xf32, #tpu.memory_space<vmem>> -> memref<1x100x32xf32, #tpu.memory_space<vmem>>
      %dma_wait3A_284 = tpu.memref_squeeze %dma_wait3A_283 : memref<1x100x32xf32, #tpu.memory_space<vmem>> -> memref<100x32xf32, #tpu.memory_space<vmem>>
      %dma_wait3A_285 = arith.constant 0 : i32
      %dma_wait3A_286 = tpu.memref_slice %arg5[%dma_wait3A_279, %dma_wait3A_285] : memref<16x100xi32, #tpu.memory_space<vmem>> -> memref<1x100xi32, #tpu.memory_space<vmem>>
      %dma_wait3A_287 = tpu.memref_squeeze %dma_wait3A_286 : memref<1x100xi32, #tpu.memory_space<vmem>> -> memref<100xi32, #tpu.memory_space<vmem>>
      %dma_wait3A_288 = arith.constant 0 : i32
      %dma_wait3A_289 = arith.constant 0 : i32
      %dma_wait3A_290 = tpu.memref_slice %arg3[%dma_wait3A_288, %dma_wait3A_289] : memref<1000000x32xf32, #tpu.memory_space<hbm>> -> memref<1000000x32xf32, #tpu.memory_space<hbm>>
      tpu.wait_indirect_dma semaphore(%arg9 : memref<!tpu.dma_semaphore, #tpu.memory_space<semaphore_mem>>) src(%dma_wait3A_290 : memref<1000000x32xf32, #tpu.memory_space<hbm>>) dst(%dma_wait3A_284 : memref<100x32xf32, #tpu.memory_space<vmem>>)
      %dma_wait3A_291 = arith.constant 6 : i32
      %dma_wait3A_292 = arith.constant 6 : i32
      %dma_wait3A_293 = arith.constant 0 : i32
      %dma_wait3A_294 = arith.constant 0 : i32
      %dma_wait3A_295 = tpu.memref_slice %arg7[%dma_wait3A_292, %dma_wait3A_293, %dma_wait3A_294] : memref<16x100x32xf32, #tpu.memory_space<vmem>> -> memref<1x100x32xf32, #tpu.memory_space<vmem>>
      %dma_wait3A_296 = tpu.memref_squeeze %dma_wait3A_295 : memref<1x100x32xf32, #tpu.memory_space<vmem>> -> memref<100x32xf32, #tpu.memory_space<vmem>>
      %dma_wait3A_297 = arith.constant 0 : i32
      %dma_wait3A_298 = tpu.memref_slice %arg5[%dma_wait3A_291, %dma_wait3A_297] : memref<16x100xi32, #tpu.memory_space<vmem>> -> memref<1x100xi32, #tpu.memory_space<vmem>>
      %dma_wait3A_299 = tpu.memref_squeeze %dma_wait3A_298 : memref<1x100xi32, #tpu.memory_space<vmem>> -> memref<100xi32, #tpu.memory_space<vmem>>
      %dma_wait3A_300 = arith.constant 0 : i32
      %dma_wait3A_301 = arith.constant 0 : i32
      %dma_wait3A_302 = tpu.memref_slice %arg3[%dma_wait3A_300, %dma_wait3A_301] : memref<1000000x32xf32, #tpu.memory_space<hbm>> -> memref<1000000x32xf32, #tpu.memory_space<hbm>>
      tpu.wait_indirect_dma semaphore(%arg9 : memref<!tpu.dma_semaphore, #tpu.memory_space<semaphore_mem>>) src(%dma_wait3A_302 : memref<1000000x32xf32, #tpu.memory_space<hbm>>) dst(%dma_wait3A_296 : memref<100x32xf32, #tpu.memory_space<vmem>>)
      %dma_wait3A_303 = arith.constant 7 : i32
      %dma_wait3A_304 = arith.constant 7 : i32
      %dma_wait3A_305 = arith.constant 0 : i32
      %dma_wait3A_306 = arith.constant 0 : i32
      %dma_wait3A_307 = tpu.memref_slice %arg7[%dma_wait3A_304, %dma_wait3A_305, %dma_wait3A_306] : memref<16x100x32xf32, #tpu.memory_space<vmem>> -> memref<1x100x32xf32, #tpu.memory_space<vmem>>
      %dma_wait3A_308 = tpu.memref_squeeze %dma_wait3A_307 : memref<1x100x32xf32, #tpu.memory_space<vmem>> -> memref<100x32xf32, #tpu.memory_space<vmem>>
      %dma_wait3A_309 = arith.constant 0 : i32
      %dma_wait3A_310 = tpu.memref_slice %arg5[%dma_wait3A_303, %dma_wait3A_309] : memref<16x100xi32, #tpu.memory_space<vmem>> -> memref<1x100xi32, #tpu.memory_space<vmem>>
      %dma_wait3A_311 = tpu.memref_squeeze %dma_wait3A_310 : memref<1x100xi32, #tpu.memory_space<vmem>> -> memref<100xi32, #tpu.memory_space<vmem>>
      %dma_wait3A_312 = arith.constant 0 : i32
      %dma_wait3A_313 = arith.constant 0 : i32
      %dma_wait3A_314 = tpu.memref_slice %arg3[%dma_wait3A_312, %dma_wait3A_313] : memref<1000000x32xf32, #tpu.memory_space<hbm>> -> memref<1000000x32xf32, #tpu.memory_space<hbm>>
      tpu.wait_indirect_dma semaphore(%arg9 : memref<!tpu.dma_semaphore, #tpu.memory_space<semaphore_mem>>) src(%dma_wait3A_314 : memref<1000000x32xf32, #tpu.memory_space<hbm>>) dst(%dma_wait3A_308 : memref<100x32xf32, #tpu.memory_space<vmem>>)
      %dma_wait3A_315 = arith.constant 8 : i32
      %dma_wait3A_316 = arith.constant 8 : i32
      %dma_wait3A_317 = arith.constant 0 : i32
      %dma_wait3A_318 = arith.constant 0 : i32
      %dma_wait3A_319 = tpu.memref_slice %arg7[%dma_wait3A_316, %dma_wait3A_317, %dma_wait3A_318] : memref<16x100x32xf32, #tpu.memory_space<vmem>> -> memref<1x100x32xf32, #tpu.memory_space<vmem>>
      %dma_wait3A_320 = tpu.memref_squeeze %dma_wait3A_319 : memref<1x100x32xf32, #tpu.memory_space<vmem>> -> memref<100x32xf32, #tpu.memory_space<vmem>>
      %dma_wait3A_321 = arith.constant 0 : i32
      %dma_wait3A_322 = tpu.memref_slice %arg5[%dma_wait3A_315, %dma_wait3A_321] : memref<16x100xi32, #tpu.memory_space<vmem>> -> memref<1x100xi32, #tpu.memory_space<vmem>>
      %dma_wait3A_323 = tpu.memref_squeeze %dma_wait3A_322 : memref<1x100xi32, #tpu.memory_space<vmem>> -> memref<100xi32, #tpu.memory_space<vmem>>
      %dma_wait3A_324 = arith.constant 0 : i32
      %dma_wait3A_325 = arith.constant 0 : i32
      %dma_wait3A_326 = tpu.memref_slice %arg3[%dma_wait3A_324, %dma_wait3A_325] : memref<1000000x32xf32, #tpu.memory_space<hbm>> -> memref<1000000x32xf32, #tpu.memory_space<hbm>>
      tpu.wait_indirect_dma semaphore(%arg9 : memref<!tpu.dma_semaphore, #tpu.memory_space<semaphore_mem>>) src(%dma_wait3A_326 : memref<1000000x32xf32, #tpu.memory_space<hbm>>) dst(%dma_wait3A_320 : memref<100x32xf32, #tpu.memory_space<vmem>>)
      %dma_wait3A_327 = arith.constant 9 : i32
      %dma_wait3A_328 = arith.constant 9 : i32
      %dma_wait3A_329 = arith.constant 0 : i32
      %dma_wait3A_330 = arith.constant 0 : i32
      %dma_wait3A_331 = tpu.memref_slice %arg7[%dma_wait3A_328, %dma_wait3A_329, %dma_wait3A_330] : memref<16x100x32xf32, #tpu.memory_space<vmem>> -> memref<1x100x32xf32, #tpu.memory_space<vmem>>
      %dma_wait3A_332 = tpu.memref_squeeze %dma_wait3A_331 : memref<1x100x32xf32, #tpu.memory_space<vmem>> -> memref<100x32xf32, #tpu.memory_space<vmem>>
      %dma_wait3A_333 = arith.constant 0 : i32
      %dma_wait3A_334 = tpu.memref_slice %arg5[%dma_wait3A_327, %dma_wait3A_333] : memref<16x100xi32, #tpu.memory_space<vmem>> -> memref<1x100xi32, #tpu.memory_space<vmem>>
      %dma_wait3A_335 = tpu.memref_squeeze %dma_wait3A_334 : memref<1x100xi32, #tpu.memory_space<vmem>> -> memref<100xi32, #tpu.memory_space<vmem>>
      %dma_wait3A_336 = arith.constant 0 : i32
      %dma_wait3A_337 = arith.constant 0 : i32
      %dma_wait3A_338 = tpu.memref_slice %arg3[%dma_wait3A_336, %dma_wait3A_337] : memref<1000000x32xf32, #tpu.memory_space<hbm>> -> memref<1000000x32xf32, #tpu.memory_space<hbm>>
      tpu.wait_indirect_dma semaphore(%arg9 : memref<!tpu.dma_semaphore, #tpu.memory_space<semaphore_mem>>) src(%dma_wait3A_338 : memref<1000000x32xf32, #tpu.memory_space<hbm>>) dst(%dma_wait3A_332 : memref<100x32xf32, #tpu.memory_space<vmem>>)
      %dma_wait3A_339 = arith.constant 10 : i32
      %dma_wait3A_340 = arith.constant 10 : i32
      %dma_wait3A_341 = arith.constant 0 : i32
      %dma_wait3A_342 = arith.constant 0 : i32
      %dma_wait3A_343 = tpu.memref_slice %arg7[%dma_wait3A_340, %dma_wait3A_341, %dma_wait3A_342] : memref<16x100x32xf32, #tpu.memory_space<vmem>> -> memref<1x100x32xf32, #tpu.memory_space<vmem>>
      %dma_wait3A_344 = tpu.memref_squeeze %dma_wait3A_343 : memref<1x100x32xf32, #tpu.memory_space<vmem>> -> memref<100x32xf32, #tpu.memory_space<vmem>>
      %dma_wait3A_345 = arith.constant 0 : i32
      %dma_wait3A_346 = tpu.memref_slice %arg5[%dma_wait3A_339, %dma_wait3A_345] : memref<16x100xi32, #tpu.memory_space<vmem>> -> memref<1x100xi32, #tpu.memory_space<vmem>>
      %dma_wait3A_347 = tpu.memref_squeeze %dma_wait3A_346 : memref<1x100xi32, #tpu.memory_space<vmem>> -> memref<100xi32, #tpu.memory_space<vmem>>
      %dma_wait3A_348 = arith.constant 0 : i32
      %dma_wait3A_349 = arith.constant 0 : i32
      %dma_wait3A_350 = tpu.memref_slice %arg3[%dma_wait3A_348, %dma_wait3A_349] : memref<1000000x32xf32, #tpu.memory_space<hbm>> -> memref<1000000x32xf32, #tpu.memory_space<hbm>>
      tpu.wait_indirect_dma semaphore(%arg9 : memref<!tpu.dma_semaphore, #tpu.memory_space<semaphore_mem>>) src(%dma_wait3A_350 : memref<1000000x32xf32, #tpu.memory_space<hbm>>) dst(%dma_wait3A_344 : memref<100x32xf32, #tpu.memory_space<vmem>>)
      %dma_wait3A_351 = arith.constant 11 : i32
      %dma_wait3A_352 = arith.constant 11 : i32
      %dma_wait3A_353 = arith.constant 0 : i32
      %dma_wait3A_354 = arith.constant 0 : i32
      %dma_wait3A_355 = tpu.memref_slice %arg7[%dma_wait3A_352, %dma_wait3A_353, %dma_wait3A_354] : memref<16x100x32xf32, #tpu.memory_space<vmem>> -> memref<1x100x32xf32, #tpu.memory_space<vmem>>
      %dma_wait3A_356 = tpu.memref_squeeze %dma_wait3A_355 : memref<1x100x32xf32, #tpu.memory_space<vmem>> -> memref<100x32xf32, #tpu.memory_space<vmem>>
      %dma_wait3A_357 = arith.constant 0 : i32
      %dma_wait3A_358 = tpu.memref_slice %arg5[%dma_wait3A_351, %dma_wait3A_357] : memref<16x100xi32, #tpu.memory_space<vmem>> -> memref<1x100xi32, #tpu.memory_space<vmem>>
      %dma_wait3A_359 = tpu.memref_squeeze %dma_wait3A_358 : memref<1x100xi32, #tpu.memory_space<vmem>> -> memref<100xi32, #tpu.memory_space<vmem>>
      %dma_wait3A_360 = arith.constant 0 : i32
      %dma_wait3A_361 = arith.constant 0 : i32
      %dma_wait3A_362 = tpu.memref_slice %arg3[%dma_wait3A_360, %dma_wait3A_361] : memref<1000000x32xf32, #tpu.memory_space<hbm>> -> memref<1000000x32xf32, #tpu.memory_space<hbm>>
      tpu.wait_indirect_dma semaphore(%arg9 : memref<!tpu.dma_semaphore, #tpu.memory_space<semaphore_mem>>) src(%dma_wait3A_362 : memref<1000000x32xf32, #tpu.memory_space<hbm>>) dst(%dma_wait3A_356 : memref<100x32xf32, #tpu.memory_space<vmem>>)
      %dma_wait3A_363 = arith.constant 12 : i32
      %dma_wait3A_364 = arith.constant 12 : i32
      %dma_wait3A_365 = arith.constant 0 : i32
      %dma_wait3A_366 = arith.constant 0 : i32
      %dma_wait3A_367 = tpu.memref_slice %arg7[%dma_wait3A_364, %dma_wait3A_365, %dma_wait3A_366] : memref<16x100x32xf32, #tpu.memory_space<vmem>> -> memref<1x100x32xf32, #tpu.memory_space<vmem>>
      %dma_wait3A_368 = tpu.memref_squeeze %dma_wait3A_367 : memref<1x100x32xf32, #tpu.memory_space<vmem>> -> memref<100x32xf32, #tpu.memory_space<vmem>>
      %dma_wait3A_369 = arith.constant 0 : i32
      %dma_wait3A_370 = tpu.memref_slice %arg5[%dma_wait3A_363, %dma_wait3A_369] : memref<16x100xi32, #tpu.memory_space<vmem>> -> memref<1x100xi32, #tpu.memory_space<vmem>>
      %dma_wait3A_371 = tpu.memref_squeeze %dma_wait3A_370 : memref<1x100xi32, #tpu.memory_space<vmem>> -> memref<100xi32, #tpu.memory_space<vmem>>
      %dma_wait3A_372 = arith.constant 0 : i32
      %dma_wait3A_373 = arith.constant 0 : i32
      %dma_wait3A_374 = tpu.memref_slice %arg3[%dma_wait3A_372, %dma_wait3A_373] : memref<1000000x32xf32, #tpu.memory_space<hbm>> -> memref<1000000x32xf32, #tpu.memory_space<hbm>>
      tpu.wait_indirect_dma semaphore(%arg9 : memref<!tpu.dma_semaphore, #tpu.memory_space<semaphore_mem>>) src(%dma_wait3A_374 : memref<1000000x32xf32, #tpu.memory_space<hbm>>) dst(%dma_wait3A_368 : memref<100x32xf32, #tpu.memory_space<vmem>>)
      %dma_wait3A_375 = arith.constant 13 : i32
      %dma_wait3A_376 = arith.constant 13 : i32
      %dma_wait3A_377 = arith.constant 0 : i32
      %dma_wait3A_378 = arith.constant 0 : i32
      %dma_wait3A_379 = tpu.memref_slice %arg7[%dma_wait3A_376, %dma_wait3A_377, %dma_wait3A_378] : memref<16x100x32xf32, #tpu.memory_space<vmem>> -> memref<1x100x32xf32, #tpu.memory_space<vmem>>
      %dma_wait3A_380 = tpu.memref_squeeze %dma_wait3A_379 : memref<1x100x32xf32, #tpu.memory_space<vmem>> -> memref<100x32xf32, #tpu.memory_space<vmem>>
      %dma_wait3A_381 = arith.constant 0 : i32
      %dma_wait3A_382 = tpu.memref_slice %arg5[%dma_wait3A_375, %dma_wait3A_381] : memref<16x100xi32, #tpu.memory_space<vmem>> -> memref<1x100xi32, #tpu.memory_space<vmem>>
      %dma_wait3A_383 = tpu.memref_squeeze %dma_wait3A_382 : memref<1x100xi32, #tpu.memory_space<vmem>> -> memref<100xi32, #tpu.memory_space<vmem>>
      %dma_wait3A_384 = arith.constant 0 : i32
      %dma_wait3A_385 = arith.constant 0 : i32
      %dma_wait3A_386 = tpu.memref_slice %arg3[%dma_wait3A_384, %dma_wait3A_385] : memref<1000000x32xf32, #tpu.memory_space<hbm>> -> memref<1000000x32xf32, #tpu.memory_space<hbm>>
      tpu.wait_indirect_dma semaphore(%arg9 : memref<!tpu.dma_semaphore, #tpu.memory_space<semaphore_mem>>) src(%dma_wait3A_386 : memref<1000000x32xf32, #tpu.memory_space<hbm>>) dst(%dma_wait3A_380 : memref<100x32xf32, #tpu.memory_space<vmem>>)
      %dma_wait3A_387 = arith.constant 14 : i32
      %dma_wait3A_388 = arith.constant 14 : i32
      %dma_wait3A_389 = arith.constant 0 : i32
      %dma_wait3A_390 = arith.constant 0 : i32
      %dma_wait3A_391 = tpu.memref_slice %arg7[%dma_wait3A_388, %dma_wait3A_389, %dma_wait3A_390] : memref<16x100x32xf32, #tpu.memory_space<vmem>> -> memref<1x100x32xf32, #tpu.memory_space<vmem>>
      %dma_wait3A_392 = tpu.memref_squeeze %dma_wait3A_391 : memref<1x100x32xf32, #tpu.memory_space<vmem>> -> memref<100x32xf32, #tpu.memory_space<vmem>>
      %dma_wait3A_393 = arith.constant 0 : i32
      %dma_wait3A_394 = tpu.memref_slice %arg5[%dma_wait3A_387, %dma_wait3A_393] : memref<16x100xi32, #tpu.memory_space<vmem>> -> memref<1x100xi32, #tpu.memory_space<vmem>>
      %dma_wait3A_395 = tpu.memref_squeeze %dma_wait3A_394 : memref<1x100xi32, #tpu.memory_space<vmem>> -> memref<100xi32, #tpu.memory_space<vmem>>
      %dma_wait3A_396 = arith.constant 0 : i32
      %dma_wait3A_397 = arith.constant 0 : i32
      %dma_wait3A_398 = tpu.memref_slice %arg3[%dma_wait3A_396, %dma_wait3A_397] : memref<1000000x32xf32, #tpu.memory_space<hbm>> -> memref<1000000x32xf32, #tpu.memory_space<hbm>>
      tpu.wait_indirect_dma semaphore(%arg9 : memref<!tpu.dma_semaphore, #tpu.memory_space<semaphore_mem>>) src(%dma_wait3A_398 : memref<1000000x32xf32, #tpu.memory_space<hbm>>) dst(%dma_wait3A_392 : memref<100x32xf32, #tpu.memory_space<vmem>>)
      %dma_wait3A_399 = arith.constant 15 : i32
      %dma_wait3A_400 = arith.constant 15 : i32
      %dma_wait3A_401 = arith.constant 0 : i32
      %dma_wait3A_402 = arith.constant 0 : i32
      %dma_wait3A_403 = tpu.memref_slice %arg7[%dma_wait3A_400, %dma_wait3A_401, %dma_wait3A_402] : memref<16x100x32xf32, #tpu.memory_space<vmem>> -> memref<1x100x32xf32, #tpu.memory_space<vmem>>
      %dma_wait3A_404 = tpu.memref_squeeze %dma_wait3A_403 : memref<1x100x32xf32, #tpu.memory_space<vmem>> -> memref<100x32xf32, #tpu.memory_space<vmem>>
      %dma_wait3A_405 = arith.constant 0 : i32
      %dma_wait3A_406 = tpu.memref_slice %arg5[%dma_wait3A_399, %dma_wait3A_405] : memref<16x100xi32, #tpu.memory_space<vmem>> -> memref<1x100xi32, #tpu.memory_space<vmem>>
      %dma_wait3A_407 = tpu.memref_squeeze %dma_wait3A_406 : memref<1x100xi32, #tpu.memory_space<vmem>> -> memref<100xi32, #tpu.memory_space<vmem>>
      %dma_wait3A_408 = arith.constant 0 : i32
      %dma_wait3A_409 = arith.constant 0 : i32
      %dma_wait3A_410 = tpu.memref_slice %arg3[%dma_wait3A_408, %dma_wait3A_409] : memref<1000000x32xf32, #tpu.memory_space<hbm>> -> memref<1000000x32xf32, #tpu.memory_space<hbm>>
      tpu.wait_indirect_dma semaphore(%arg9 : memref<!tpu.dma_semaphore, #tpu.memory_space<semaphore_mem>>) src(%dma_wait3A_410 : memref<1000000x32xf32, #tpu.memory_space<hbm>>) dst(%dma_wait3A_404 : memref<100x32xf32, #tpu.memory_space<vmem>>)
      %mul3A_411 = arith.constant 16 : i32
      %mul3A_412 = arith.muli %add3A_219, %mul3A_411 : i32
      %add3A_413 = arith.addi %mul3A_2, %mul3A_412 : i32
      %jit3A = arith.constant 512 : i32
      %div3A = arith.divsi %add3A_413, %jit3A : i32
      %sign3A = arith.constant 0 : i32
      %sign3A_414 = arith.cmpi sgt, %add3A_413, %sign3A : i32
      %sign3A_415 = arith.extui %sign3A_414 : i1 to i32
      %sign3A_416 = arith.constant 0 : i32
      %sign3A_417 = arith.cmpi slt, %add3A_413, %sign3A_416 : i32
      %sign3A_418 = arith.extui %sign3A_417 : i1 to i32
      %sign3A_419 = arith.subi %sign3A_415, %sign3A_418 : i32
      %sign3A_420 = arith.constant 0 : i32
      %sign3A_421 = arith.cmpi sgt, %jit3A, %sign3A_420 : i32
      %sign3A_422 = arith.extui %sign3A_421 : i1 to i32
      %sign3A_423 = arith.constant 0 : i32
      %sign3A_424 = arith.cmpi slt, %jit3A, %sign3A_423 : i32
      %sign3A_425 = arith.extui %sign3A_424 : i1 to i32
      %sign3A_426 = arith.subi %sign3A_422, %sign3A_425 : i32
      %ne3A = arith.cmpi ne, %sign3A_419, %sign3A_426 : i32
      %rem3A = arith.remsi %add3A_413, %jit3A : i32
      %ne3A_427 = arith.constant 0 : i32
      %ne3A_428 = arith.cmpi ne, %rem3A, %ne3A_427 : i32
      %and3A = arith.andi %ne3A, %ne3A_428 : i1
      %sub3A = arith.constant 1 : i32
      %sub3A_429 = arith.subi %div3A, %sub3A : i32
      %select_n3A = arith.select %and3A, %sub3A_429, %div3A : i32
      %jit3A_430 = arith.constant 512 : i32
      %eq3A = arith.constant 0 : i32
      %eq3A_431 = arith.cmpi eq, %jit3A_430, %eq3A : i32
      %jit3A_432 = arith.constant 1 : i32
      %select_n3A_433 = arith.select %eq3A_431, %jit3A_432, %jit3A_430 : i32
      %rem3A_434 = arith.remsi %add3A_413, %select_n3A_433 : i32
      %ne3A_435 = arith.constant 0 : i32
      %ne3A_436 = arith.cmpi ne, %rem3A_434, %ne3A_435 : i32
      %lt3A = arith.constant 0 : i32
      %lt3A_437 = arith.cmpi slt, %rem3A_434, %lt3A : i32
      %lt3A_438 = arith.constant 0 : i32
      %lt3A_439 = arith.cmpi slt, %select_n3A_433, %lt3A_438 : i32
      %ne3A_440 = arith.xori %lt3A_437, %lt3A_439 : i1
      %and3A_441 = arith.andi %ne3A_440, %ne3A_436 : i1
      %add3A_442 = arith.addi %rem3A_434, %select_n3A_433 : i32
      %select_n3A_443 = arith.select %and3A_441, %add3A_442, %rem3A_434 : i32
      %jit3A_444 = arith.constant 128 : i32
      %div3A_445 = arith.divsi %select_n3A_443, %jit3A_444 : i32
      %sign3A_446 = arith.constant 0 : i32
      %sign3A_447 = arith.cmpi sgt, %select_n3A_443, %sign3A_446 : i32
      %sign3A_448 = arith.extui %sign3A_447 : i1 to i32
      %sign3A_449 = arith.constant 0 : i32
      %sign3A_450 = arith.cmpi slt, %select_n3A_443, %sign3A_449 : i32
      %sign3A_451 = arith.extui %sign3A_450 : i1 to i32
      %sign3A_452 = arith.subi %sign3A_448, %sign3A_451 : i32
      %sign3A_453 = arith.constant 0 : i32
      %sign3A_454 = arith.cmpi sgt, %jit3A_444, %sign3A_453 : i32
      %sign3A_455 = arith.extui %sign3A_454 : i1 to i32
      %sign3A_456 = arith.constant 0 : i32
      %sign3A_457 = arith.cmpi slt, %jit3A_444, %sign3A_456 : i32
      %sign3A_458 = arith.extui %sign3A_457 : i1 to i32
      %sign3A_459 = arith.subi %sign3A_455, %sign3A_458 : i32
      %ne3A_460 = arith.cmpi ne, %sign3A_452, %sign3A_459 : i32
      %rem3A_461 = arith.remsi %select_n3A_443, %jit3A_444 : i32
      %ne3A_462 = arith.constant 0 : i32
      %ne3A_463 = arith.cmpi ne, %rem3A_461, %ne3A_462 : i32
      %and3A_464 = arith.andi %ne3A_460, %ne3A_463 : i1
      %sub3A_465 = arith.constant 1 : i32
      %sub3A_466 = arith.subi %div3A_445, %sub3A_465 : i32
      %select_n3A_467 = arith.select %and3A_464, %sub3A_466, %div3A_445 : i32
      %jit3A_468 = arith.constant 128 : i32
      %eq3A_469 = arith.constant 0 : i32
      %eq3A_470 = arith.cmpi eq, %jit3A_468, %eq3A_469 : i32
      %jit3A_471 = arith.constant 1 : i32
      %select_n3A_472 = arith.select %eq3A_470, %jit3A_471, %jit3A_468 : i32
      %rem3A_473 = arith.remsi %add3A_413, %select_n3A_472 : i32
      %ne3A_474 = arith.constant 0 : i32
      %ne3A_475 = arith.cmpi ne, %rem3A_473, %ne3A_474 : i32
      %lt3A_476 = arith.constant 0 : i32
      %lt3A_477 = arith.cmpi slt, %rem3A_473, %lt3A_476 : i32
      %lt3A_478 = arith.constant 0 : i32
      %lt3A_479 = arith.cmpi slt, %select_n3A_472, %lt3A_478 : i32
      %ne3A_480 = arith.xori %lt3A_477, %lt3A_479 : i1
      %and3A_481 = arith.andi %ne3A_480, %ne3A_475 : i1
      %add3A_482 = arith.addi %rem3A_473, %select_n3A_472 : i32
      %select_n3A_483 = arith.select %and3A_481, %add3A_482, %rem3A_473 : i32
      %scan3A_484 = arith.constant 0 : i32
      %scan3A_485 = arith.constant 0 : i32
      %scan3A_486 = arith.constant 100 : i32
      %scan3A_487 = arith.addi %scan3A_485, %scan3A_486 : i32
      %scan3A_488 = arith.constant 1 : i32
      scf.for %scan3A_783 = %scan3A_485 to %scan3A_487 step %scan3A_488  : i32 {
        %mul3A_784 = arith.constant 16 : i32
        %mul3A_785 = arith.muli %scan3A_783, %mul3A_784 : i32
        %add3A_786 = arith.addi %mul3A_785, %select_n3A : i32
        %mul3A_787 = arith.constant 128 : i32
        %mul3A_788 = arith.muli %add3A_786, %mul3A_787 : i32
        %add3A_789 = arith.addi %mul3A_788, %select_n3A_483 : i32
        %mul3A_790 = arith.constant 32 : i32
        %mul3A_791 = arith.muli %select_n3A_467, %mul3A_790 : i32
        %dma_start3A_792 = arith.constant 0 : i32
        %dma_start3A_793 = arith.constant 0 : i32
        %dma_start3A_794 = tpu.memref_slice %arg7[%dma_start3A_792, %scan3A_783, %dma_start3A_793] : memref<16x100x32xf32, #tpu.memory_space<vmem>> -> memref<16x1x32xf32, #tpu.memory_space<vmem>>
        %dma_start3A_795 = tpu.memref_squeeze %dma_start3A_794 : memref<16x1x32xf32, #tpu.memory_space<vmem>> -> memref<16x32xf32, #tpu.memory_space<vmem>>
        %dma_start3A_796 = tpu.memref_slice %arg4[%add3A_789, %mul3A_791] : memref<204800x128xf32, #tpu.memory_space<hbm>> -> memref<16x32xf32, #tpu.memory_space<hbm>>
        %dma_start3A_797 = tpu.memref_slice %arg4[%add3A_789, %mul3A_791] : memref<204800x128xf32, #tpu.memory_space<hbm>> -> memref<16x32xf32, #tpu.memory_space<hbm>>
        %dma_start3A_798 = arith.constant 0 : i32
        %dma_start3A_799 = arith.constant 0 : i32
        %dma_start3A_800 = tpu.memref_slice %arg7[%dma_start3A_798, %scan3A_783, %dma_start3A_799] : memref<16x100x32xf32, #tpu.memory_space<vmem>> -> memref<16x1x32xf32, #tpu.memory_space<vmem>>
        %dma_start3A_801 = tpu.memref_squeeze %dma_start3A_800 : memref<16x1x32xf32, #tpu.memory_space<vmem>> -> memref<16x32xf32, #tpu.memory_space<vmem>>
        tpu.enqueue_dma source(%dma_start3A_801 : memref<16x32xf32, #tpu.memory_space<vmem>>) target(%dma_start3A_797 : memref<16x32xf32, #tpu.memory_space<hbm>>) target_semaphore(%arg11 : memref<!tpu.dma_semaphore, #tpu.memory_space<semaphore_mem>>)
      }
      %scan3A_489 = arith.constant 100 : i32
      %lt3A_490 = arith.constant 15 : i32
      %lt3A_491 = arith.cmpi slt, %add3A_219, %lt3A_490 : i32
      %convert_element_type3A = arith.extui %lt3A_491 : i1 to i32
      %cond3A = arith.constant 0 : i32
      %cond3A_492 = arith.cmpi ne, %convert_element_type3A, %cond3A : i32
      scf.if %cond3A_492 {
        %gt3A = arith.constant 0 : i32
        %gt3A_783 = arith.cmpi sgt, %add3A_219, %gt3A : i32
        %convert_element_type3A_784 = arith.extui %gt3A_783 : i1 to i32
        %cond3A_785 = arith.constant 0 : i32
        %cond3A_786 = arith.cmpi ne, %convert_element_type3A_784, %cond3A_785 : i32
        scf.if %cond3A_786 {
          %scan3A_984 = arith.constant 0 : i32
          %scan3A_985 = arith.constant 0 : i32
          %scan3A_986 = arith.constant 100 : i32
          %scan3A_987 = arith.addi %scan3A_985, %scan3A_986 : i32
          %scan3A_988 = arith.constant 1 : i32
          scf.for %scan3A_990 = %scan3A_985 to %scan3A_987 step %scan3A_988  : i32 {
            %dma_wait3A_991 = arith.constant 0 : i32
            %dma_wait3A_992 = arith.constant 0 : i32
            %dma_wait3A_993 = arith.constant 0 : i32
            %dma_wait3A_994 = tpu.memref_slice %arg8[%dma_wait3A_992, %dma_wait3A_991, %dma_wait3A_993] : memref<16x100x32xf32, #tpu.memory_space<vmem>> -> memref<16x1x32xf32, #tpu.memory_space<vmem>>
            %dma_wait3A_995 = tpu.memref_squeeze %dma_wait3A_994 : memref<16x1x32xf32, #tpu.memory_space<vmem>> -> memref<16x32xf32, #tpu.memory_space<vmem>>
            %dma_wait3A_996 = arith.constant 0 : i32
            %dma_wait3A_997 = arith.constant 0 : i32
            %dma_wait3A_998 = tpu.memref_slice %arg4[%dma_wait3A_996, %dma_wait3A_997] : memref<204800x128xf32, #tpu.memory_space<hbm>> -> memref<16x32xf32, #tpu.memory_space<hbm>>
            %dma_wait3A_999 = arith.constant 0 : i32
            %dma_wait3A_1000 = arith.constant 0 : i32
            %dma_wait3A_1001 = tpu.memref_slice %arg4[%dma_wait3A_999, %dma_wait3A_1000] : memref<204800x128xf32, #tpu.memory_space<hbm>> -> memref<16x32xf32, #tpu.memory_space<hbm>>
            %dma_wait3A_1002 = arith.constant 0 : i32
            %dma_wait3A_1003 = arith.constant 0 : i32
            %dma_wait3A_1004 = tpu.memref_slice %arg8[%dma_wait3A_1002, %dma_wait3A_991, %dma_wait3A_1003] : memref<16x100x32xf32, #tpu.memory_space<vmem>> -> memref<16x1x32xf32, #tpu.memory_space<vmem>>
            %dma_wait3A_1005 = tpu.memref_squeeze %dma_wait3A_1004 : memref<16x1x32xf32, #tpu.memory_space<vmem>> -> memref<16x32xf32, #tpu.memory_space<vmem>>
            tpu.wait_dma2 semaphore(%arg12 : memref<!tpu.dma_semaphore, #tpu.memory_space<semaphore_mem>>) src(%dma_wait3A_1005 : memref<16x32xf32, #tpu.memory_space<vmem>>) dst(%dma_wait3A_1001 : memref<16x32xf32, #tpu.memory_space<hbm>>)
          }
          %scan3A_989 = arith.constant 100 : i32
        } else {
        }
        %add3A_787 = arith.constant 1 : i32
        %add3A_788 = arith.addi %add3A_219, %add3A_787 : i32
        %mul3A_789 = arith.constant 16 : i32
        %mul3A_790 = arith.muli %add3A_788, %mul3A_789 : i32
        %add3A_791 = arith.addi %add3A_4, %mul3A_790 : i32
        "tpu.region"() ({
          %run_scoped3A = tpu.sem_alloc : memref<!tpu.dma_semaphore, #tpu.memory_space<semaphore_mem>>
          %dma_start3A_984 = arith.constant 0 : i32
          %dma_start3A_985 = tpu.memref_slice %arg2[%add3A_791, %dma_start3A_984] : memref<16384x100xi32, #tpu.memory_space<hbm>> -> memref<16x100xi32, #tpu.memory_space<hbm>>
          %dma_start3A_986 = arith.constant 0 : i32
          %dma_start3A_987 = tpu.memref_slice %arg2[%add3A_791, %dma_start3A_986] : memref<16384x100xi32, #tpu.memory_space<hbm>> -> memref<16x100xi32, #tpu.memory_space<hbm>>
          tpu.enqueue_dma source(%dma_start3A_987 : memref<16x100xi32, #tpu.memory_space<hbm>>) target(%arg6 : memref<16x100xi32, #tpu.memory_space<vmem>>) target_semaphore(%run_scoped3A : memref<!tpu.dma_semaphore, #tpu.memory_space<semaphore_mem>>)
          %dma_wait3A_988 = arith.constant 0 : i32
          %dma_wait3A_989 = tpu.memref_slice %arg2[%add3A_791, %dma_wait3A_988] : memref<16384x100xi32, #tpu.memory_space<hbm>> -> memref<16x100xi32, #tpu.memory_space<hbm>>
          %dma_wait3A_990 = arith.constant 0 : i32
          %dma_wait3A_991 = tpu.memref_slice %arg2[%add3A_791, %dma_wait3A_990] : memref<16384x100xi32, #tpu.memory_space<hbm>> -> memref<16x100xi32, #tpu.memory_space<hbm>>
          tpu.wait_dma2 semaphore(%run_scoped3A : memref<!tpu.dma_semaphore, #tpu.memory_space<semaphore_mem>>) src(%dma_wait3A_991 : memref<16x100xi32, #tpu.memory_space<hbm>>) dst(%arg6 : memref<16x100xi32, #tpu.memory_space<vmem>>)
          tpu.yield
        }) : () -> ()
        %dma_start3A_792 = arith.constant 0 : i32
        %dma_start3A_793 = arith.constant 0 : i32
        %dma_start3A_794 = arith.constant 0 : i32
        %dma_start3A_795 = arith.constant 0 : i32
        %dma_start3A_796 = tpu.memref_slice %arg8[%dma_start3A_793, %dma_start3A_794, %dma_start3A_795] : memref<16x100x32xf32, #tpu.memory_space<vmem>> -> memref<1x100x32xf32, #tpu.memory_space<vmem>>
        %dma_start3A_797 = tpu.memref_squeeze %dma_start3A_796 : memref<1x100x32xf32, #tpu.memory_space<vmem>> -> memref<100x32xf32, #tpu.memory_space<vmem>>
        %dma_start3A_798 = arith.constant 0 : i32
        %dma_start3A_799 = tpu.memref_slice %arg6[%dma_start3A_792, %dma_start3A_798] : memref<16x100xi32, #tpu.memory_space<vmem>> -> memref<1x100xi32, #tpu.memory_space<vmem>>
        %dma_start3A_800 = tpu.memref_squeeze %dma_start3A_799 : memref<1x100xi32, #tpu.memory_space<vmem>> -> memref<100xi32, #tpu.memory_space<vmem>>
        %dma_start3A_801 = arith.constant 0 : i32
        %dma_start3A_802 = arith.constant 0 : i32
        %dma_start3A_803 = tpu.memref_slice %arg3[%dma_start3A_801, %dma_start3A_802] : memref<1000000x32xf32, #tpu.memory_space<hbm>> -> memref<1000000x32xf32, #tpu.memory_space<hbm>>
        tpu.enqueue_indirect_dma source(%dma_start3A_803 : memref<1000000x32xf32, #tpu.memory_space<hbm>>) target(%dma_start3A_797 : memref<100x32xf32, #tpu.memory_space<vmem>>) offsets(%dma_start3A_800 : memref<100xi32, #tpu.memory_space<vmem>>) semaphore(%arg10 : memref<!tpu.dma_semaphore, #tpu.memory_space<semaphore_mem>>)
        %dma_start3A_804 = arith.constant 1 : i32
        %dma_start3A_805 = arith.constant 1 : i32
        %dma_start3A_806 = arith.constant 0 : i32
        %dma_start3A_807 = arith.constant 0 : i32
        %dma_start3A_808 = tpu.memref_slice %arg8[%dma_start3A_805, %dma_start3A_806, %dma_start3A_807] : memref<16x100x32xf32, #tpu.memory_space<vmem>> -> memref<1x100x32xf32, #tpu.memory_space<vmem>>
        %dma_start3A_809 = tpu.memref_squeeze %dma_start3A_808 : memref<1x100x32xf32, #tpu.memory_space<vmem>> -> memref<100x32xf32, #tpu.memory_space<vmem>>
        %dma_start3A_810 = arith.constant 0 : i32
        %dma_start3A_811 = tpu.memref_slice %arg6[%dma_start3A_804, %dma_start3A_810] : memref<16x100xi32, #tpu.memory_space<vmem>> -> memref<1x100xi32, #tpu.memory_space<vmem>>
        %dma_start3A_812 = tpu.memref_squeeze %dma_start3A_811 : memref<1x100xi32, #tpu.memory_space<vmem>> -> memref<100xi32, #tpu.memory_space<vmem>>
        %dma_start3A_813 = arith.constant 0 : i32
        %dma_start3A_814 = arith.constant 0 : i32
        %dma_start3A_815 = tpu.memref_slice %arg3[%dma_start3A_813, %dma_start3A_814] : memref<1000000x32xf32, #tpu.memory_space<hbm>> -> memref<1000000x32xf32, #tpu.memory_space<hbm>>
        tpu.enqueue_indirect_dma source(%dma_start3A_815 : memref<1000000x32xf32, #tpu.memory_space<hbm>>) target(%dma_start3A_809 : memref<100x32xf32, #tpu.memory_space<vmem>>) offsets(%dma_start3A_812 : memref<100xi32, #tpu.memory_space<vmem>>) semaphore(%arg10 : memref<!tpu.dma_semaphore, #tpu.memory_space<semaphore_mem>>)
        %dma_start3A_816 = arith.constant 2 : i32
        %dma_start3A_817 = arith.constant 2 : i32
        %dma_start3A_818 = arith.constant 0 : i32
        %dma_start3A_819 = arith.constant 0 : i32
        %dma_start3A_820 = tpu.memref_slice %arg8[%dma_start3A_817, %dma_start3A_818, %dma_start3A_819] : memref<16x100x32xf32, #tpu.memory_space<vmem>> -> memref<1x100x32xf32, #tpu.memory_space<vmem>>
        %dma_start3A_821 = tpu.memref_squeeze %dma_start3A_820 : memref<1x100x32xf32, #tpu.memory_space<vmem>> -> memref<100x32xf32, #tpu.memory_space<vmem>>
        %dma_start3A_822 = arith.constant 0 : i32
        %dma_start3A_823 = tpu.memref_slice %arg6[%dma_start3A_816, %dma_start3A_822] : memref<16x100xi32, #tpu.memory_space<vmem>> -> memref<1x100xi32, #tpu.memory_space<vmem>>
        %dma_start3A_824 = tpu.memref_squeeze %dma_start3A_823 : memref<1x100xi32, #tpu.memory_space<vmem>> -> memref<100xi32, #tpu.memory_space<vmem>>
        %dma_start3A_825 = arith.constant 0 : i32
        %dma_start3A_826 = arith.constant 0 : i32
        %dma_start3A_827 = tpu.memref_slice %arg3[%dma_start3A_825, %dma_start3A_826] : memref<1000000x32xf32, #tpu.memory_space<hbm>> -> memref<1000000x32xf32, #tpu.memory_space<hbm>>
        tpu.enqueue_indirect_dma source(%dma_start3A_827 : memref<1000000x32xf32, #tpu.memory_space<hbm>>) target(%dma_start3A_821 : memref<100x32xf32, #tpu.memory_space<vmem>>) offsets(%dma_start3A_824 : memref<100xi32, #tpu.memory_space<vmem>>) semaphore(%arg10 : memref<!tpu.dma_semaphore, #tpu.memory_space<semaphore_mem>>)
        %dma_start3A_828 = arith.constant 3 : i32
        %dma_start3A_829 = arith.constant 3 : i32
        %dma_start3A_830 = arith.constant 0 : i32
        %dma_start3A_831 = arith.constant 0 : i32
        %dma_start3A_832 = tpu.memref_slice %arg8[%dma_start3A_829, %dma_start3A_830, %dma_start3A_831] : memref<16x100x32xf32, #tpu.memory_space<vmem>> -> memref<1x100x32xf32, #tpu.memory_space<vmem>>
        %dma_start3A_833 = tpu.memref_squeeze %dma_start3A_832 : memref<1x100x32xf32, #tpu.memory_space<vmem>> -> memref<100x32xf32, #tpu.memory_space<vmem>>
        %dma_start3A_834 = arith.constant 0 : i32
        %dma_start3A_835 = tpu.memref_slice %arg6[%dma_start3A_828, %dma_start3A_834] : memref<16x100xi32, #tpu.memory_space<vmem>> -> memref<1x100xi32, #tpu.memory_space<vmem>>
        %dma_start3A_836 = tpu.memref_squeeze %dma_start3A_835 : memref<1x100xi32, #tpu.memory_space<vmem>> -> memref<100xi32, #tpu.memory_space<vmem>>
        %dma_start3A_837 = arith.constant 0 : i32
        %dma_start3A_838 = arith.constant 0 : i32
        %dma_start3A_839 = tpu.memref_slice %arg3[%dma_start3A_837, %dma_start3A_838] : memref<1000000x32xf32, #tpu.memory_space<hbm>> -> memref<1000000x32xf32, #tpu.memory_space<hbm>>
        tpu.enqueue_indirect_dma source(%dma_start3A_839 : memref<1000000x32xf32, #tpu.memory_space<hbm>>) target(%dma_start3A_833 : memref<100x32xf32, #tpu.memory_space<vmem>>) offsets(%dma_start3A_836 : memref<100xi32, #tpu.memory_space<vmem>>) semaphore(%arg10 : memref<!tpu.dma_semaphore, #tpu.memory_space<semaphore_mem>>)
        %dma_start3A_840 = arith.constant 4 : i32
        %dma_start3A_841 = arith.constant 4 : i32
        %dma_start3A_842 = arith.constant 0 : i32
        %dma_start3A_843 = arith.constant 0 : i32
        %dma_start3A_844 = tpu.memref_slice %arg8[%dma_start3A_841, %dma_start3A_842, %dma_start3A_843] : memref<16x100x32xf32, #tpu.memory_space<vmem>> -> memref<1x100x32xf32, #tpu.memory_space<vmem>>
        %dma_start3A_845 = tpu.memref_squeeze %dma_start3A_844 : memref<1x100x32xf32, #tpu.memory_space<vmem>> -> memref<100x32xf32, #tpu.memory_space<vmem>>
        %dma_start3A_846 = arith.constant 0 : i32
        %dma_start3A_847 = tpu.memref_slice %arg6[%dma_start3A_840, %dma_start3A_846] : memref<16x100xi32, #tpu.memory_space<vmem>> -> memref<1x100xi32, #tpu.memory_space<vmem>>
        %dma_start3A_848 = tpu.memref_squeeze %dma_start3A_847 : memref<1x100xi32, #tpu.memory_space<vmem>> -> memref<100xi32, #tpu.memory_space<vmem>>
        %dma_start3A_849 = arith.constant 0 : i32
        %dma_start3A_850 = arith.constant 0 : i32
        %dma_start3A_851 = tpu.memref_slice %arg3[%dma_start3A_849, %dma_start3A_850] : memref<1000000x32xf32, #tpu.memory_space<hbm>> -> memref<1000000x32xf32, #tpu.memory_space<hbm>>
        tpu.enqueue_indirect_dma source(%dma_start3A_851 : memref<1000000x32xf32, #tpu.memory_space<hbm>>) target(%dma_start3A_845 : memref<100x32xf32, #tpu.memory_space<vmem>>) offsets(%dma_start3A_848 : memref<100xi32, #tpu.memory_space<vmem>>) semaphore(%arg10 : memref<!tpu.dma_semaphore, #tpu.memory_space<semaphore_mem>>)
        %dma_start3A_852 = arith.constant 5 : i32
        %dma_start3A_853 = arith.constant 5 : i32
        %dma_start3A_854 = arith.constant 0 : i32
        %dma_start3A_855 = arith.constant 0 : i32
        %dma_start3A_856 = tpu.memref_slice %arg8[%dma_start3A_853, %dma_start3A_854, %dma_start3A_855] : memref<16x100x32xf32, #tpu.memory_space<vmem>> -> memref<1x100x32xf32, #tpu.memory_space<vmem>>
        %dma_start3A_857 = tpu.memref_squeeze %dma_start3A_856 : memref<1x100x32xf32, #tpu.memory_space<vmem>> -> memref<100x32xf32, #tpu.memory_space<vmem>>
        %dma_start3A_858 = arith.constant 0 : i32
        %dma_start3A_859 = tpu.memref_slice %arg6[%dma_start3A_852, %dma_start3A_858] : memref<16x100xi32, #tpu.memory_space<vmem>> -> memref<1x100xi32, #tpu.memory_space<vmem>>
        %dma_start3A_860 = tpu.memref_squeeze %dma_start3A_859 : memref<1x100xi32, #tpu.memory_space<vmem>> -> memref<100xi32, #tpu.memory_space<vmem>>
        %dma_start3A_861 = arith.constant 0 : i32
        %dma_start3A_862 = arith.constant 0 : i32
        %dma_start3A_863 = tpu.memref_slice %arg3[%dma_start3A_861, %dma_start3A_862] : memref<1000000x32xf32, #tpu.memory_space<hbm>> -> memref<1000000x32xf32, #tpu.memory_space<hbm>>
        tpu.enqueue_indirect_dma source(%dma_start3A_863 : memref<1000000x32xf32, #tpu.memory_space<hbm>>) target(%dma_start3A_857 : memref<100x32xf32, #tpu.memory_space<vmem>>) offsets(%dma_start3A_860 : memref<100xi32, #tpu.memory_space<vmem>>) semaphore(%arg10 : memref<!tpu.dma_semaphore, #tpu.memory_space<semaphore_mem>>)
        %dma_start3A_864 = arith.constant 6 : i32
        %dma_start3A_865 = arith.constant 6 : i32
        %dma_start3A_866 = arith.constant 0 : i32
        %dma_start3A_867 = arith.constant 0 : i32
        %dma_start3A_868 = tpu.memref_slice %arg8[%dma_start3A_865, %dma_start3A_866, %dma_start3A_867] : memref<16x100x32xf32, #tpu.memory_space<vmem>> -> memref<1x100x32xf32, #tpu.memory_space<vmem>>
        %dma_start3A_869 = tpu.memref_squeeze %dma_start3A_868 : memref<1x100x32xf32, #tpu.memory_space<vmem>> -> memref<100x32xf32, #tpu.memory_space<vmem>>
        %dma_start3A_870 = arith.constant 0 : i32
        %dma_start3A_871 = tpu.memref_slice %arg6[%dma_start3A_864, %dma_start3A_870] : memref<16x100xi32, #tpu.memory_space<vmem>> -> memref<1x100xi32, #tpu.memory_space<vmem>>
        %dma_start3A_872 = tpu.memref_squeeze %dma_start3A_871 : memref<1x100xi32, #tpu.memory_space<vmem>> -> memref<100xi32, #tpu.memory_space<vmem>>
        %dma_start3A_873 = arith.constant 0 : i32
        %dma_start3A_874 = arith.constant 0 : i32
        %dma_start3A_875 = tpu.memref_slice %arg3[%dma_start3A_873, %dma_start3A_874] : memref<1000000x32xf32, #tpu.memory_space<hbm>> -> memref<1000000x32xf32, #tpu.memory_space<hbm>>
        tpu.enqueue_indirect_dma source(%dma_start3A_875 : memref<1000000x32xf32, #tpu.memory_space<hbm>>) target(%dma_start3A_869 : memref<100x32xf32, #tpu.memory_space<vmem>>) offsets(%dma_start3A_872 : memref<100xi32, #tpu.memory_space<vmem>>) semaphore(%arg10 : memref<!tpu.dma_semaphore, #tpu.memory_space<semaphore_mem>>)
        %dma_start3A_876 = arith.constant 7 : i32
        %dma_start3A_877 = arith.constant 7 : i32
        %dma_start3A_878 = arith.constant 0 : i32
        %dma_start3A_879 = arith.constant 0 : i32
        %dma_start3A_880 = tpu.memref_slice %arg8[%dma_start3A_877, %dma_start3A_878, %dma_start3A_879] : memref<16x100x32xf32, #tpu.memory_space<vmem>> -> memref<1x100x32xf32, #tpu.memory_space<vmem>>
        %dma_start3A_881 = tpu.memref_squeeze %dma_start3A_880 : memref<1x100x32xf32, #tpu.memory_space<vmem>> -> memref<100x32xf32, #tpu.memory_space<vmem>>
        %dma_start3A_882 = arith.constant 0 : i32
        %dma_start3A_883 = tpu.memref_slice %arg6[%dma_start3A_876, %dma_start3A_882] : memref<16x100xi32, #tpu.memory_space<vmem>> -> memref<1x100xi32, #tpu.memory_space<vmem>>
        %dma_start3A_884 = tpu.memref_squeeze %dma_start3A_883 : memref<1x100xi32, #tpu.memory_space<vmem>> -> memref<100xi32, #tpu.memory_space<vmem>>
        %dma_start3A_885 = arith.constant 0 : i32
        %dma_start3A_886 = arith.constant 0 : i32
        %dma_start3A_887 = tpu.memref_slice %arg3[%dma_start3A_885, %dma_start3A_886] : memref<1000000x32xf32, #tpu.memory_space<hbm>> -> memref<1000000x32xf32, #tpu.memory_space<hbm>>
        tpu.enqueue_indirect_dma source(%dma_start3A_887 : memref<1000000x32xf32, #tpu.memory_space<hbm>>) target(%dma_start3A_881 : memref<100x32xf32, #tpu.memory_space<vmem>>) offsets(%dma_start3A_884 : memref<100xi32, #tpu.memory_space<vmem>>) semaphore(%arg10 : memref<!tpu.dma_semaphore, #tpu.memory_space<semaphore_mem>>)
        %dma_start3A_888 = arith.constant 8 : i32
        %dma_start3A_889 = arith.constant 8 : i32
        %dma_start3A_890 = arith.constant 0 : i32
        %dma_start3A_891 = arith.constant 0 : i32
        %dma_start3A_892 = tpu.memref_slice %arg8[%dma_start3A_889, %dma_start3A_890, %dma_start3A_891] : memref<16x100x32xf32, #tpu.memory_space<vmem>> -> memref<1x100x32xf32, #tpu.memory_space<vmem>>
        %dma_start3A_893 = tpu.memref_squeeze %dma_start3A_892 : memref<1x100x32xf32, #tpu.memory_space<vmem>> -> memref<100x32xf32, #tpu.memory_space<vmem>>
        %dma_start3A_894 = arith.constant 0 : i32
        %dma_start3A_895 = tpu.memref_slice %arg6[%dma_start3A_888, %dma_start3A_894] : memref<16x100xi32, #tpu.memory_space<vmem>> -> memref<1x100xi32, #tpu.memory_space<vmem>>
        %dma_start3A_896 = tpu.memref_squeeze %dma_start3A_895 : memref<1x100xi32, #tpu.memory_space<vmem>> -> memref<100xi32, #tpu.memory_space<vmem>>
        %dma_start3A_897 = arith.constant 0 : i32
        %dma_start3A_898 = arith.constant 0 : i32
        %dma_start3A_899 = tpu.memref_slice %arg3[%dma_start3A_897, %dma_start3A_898] : memref<1000000x32xf32, #tpu.memory_space<hbm>> -> memref<1000000x32xf32, #tpu.memory_space<hbm>>
        tpu.enqueue_indirect_dma source(%dma_start3A_899 : memref<1000000x32xf32, #tpu.memory_space<hbm>>) target(%dma_start3A_893 : memref<100x32xf32, #tpu.memory_space<vmem>>) offsets(%dma_start3A_896 : memref<100xi32, #tpu.memory_space<vmem>>) semaphore(%arg10 : memref<!tpu.dma_semaphore, #tpu.memory_space<semaphore_mem>>)
        %dma_start3A_900 = arith.constant 9 : i32
        %dma_start3A_901 = arith.constant 9 : i32
        %dma_start3A_902 = arith.constant 0 : i32
        %dma_start3A_903 = arith.constant 0 : i32
        %dma_start3A_904 = tpu.memref_slice %arg8[%dma_start3A_901, %dma_start3A_902, %dma_start3A_903] : memref<16x100x32xf32, #tpu.memory_space<vmem>> -> memref<1x100x32xf32, #tpu.memory_space<vmem>>
        %dma_start3A_905 = tpu.memref_squeeze %dma_start3A_904 : memref<1x100x32xf32, #tpu.memory_space<vmem>> -> memref<100x32xf32, #tpu.memory_space<vmem>>
        %dma_start3A_906 = arith.constant 0 : i32
        %dma_start3A_907 = tpu.memref_slice %arg6[%dma_start3A_900, %dma_start3A_906] : memref<16x100xi32, #tpu.memory_space<vmem>> -> memref<1x100xi32, #tpu.memory_space<vmem>>
        %dma_start3A_908 = tpu.memref_squeeze %dma_start3A_907 : memref<1x100xi32, #tpu.memory_space<vmem>> -> memref<100xi32, #tpu.memory_space<vmem>>
        %dma_start3A_909 = arith.constant 0 : i32
        %dma_start3A_910 = arith.constant 0 : i32
        %dma_start3A_911 = tpu.memref_slice %arg3[%dma_start3A_909, %dma_start3A_910] : memref<1000000x32xf32, #tpu.memory_space<hbm>> -> memref<1000000x32xf32, #tpu.memory_space<hbm>>
        tpu.enqueue_indirect_dma source(%dma_start3A_911 : memref<1000000x32xf32, #tpu.memory_space<hbm>>) target(%dma_start3A_905 : memref<100x32xf32, #tpu.memory_space<vmem>>) offsets(%dma_start3A_908 : memref<100xi32, #tpu.memory_space<vmem>>) semaphore(%arg10 : memref<!tpu.dma_semaphore, #tpu.memory_space<semaphore_mem>>)
        %dma_start3A_912 = arith.constant 10 : i32
        %dma_start3A_913 = arith.constant 10 : i32
        %dma_start3A_914 = arith.constant 0 : i32
        %dma_start3A_915 = arith.constant 0 : i32
        %dma_start3A_916 = tpu.memref_slice %arg8[%dma_start3A_913, %dma_start3A_914, %dma_start3A_915] : memref<16x100x32xf32, #tpu.memory_space<vmem>> -> memref<1x100x32xf32, #tpu.memory_space<vmem>>
        %dma_start3A_917 = tpu.memref_squeeze %dma_start3A_916 : memref<1x100x32xf32, #tpu.memory_space<vmem>> -> memref<100x32xf32, #tpu.memory_space<vmem>>
        %dma_start3A_918 = arith.constant 0 : i32
        %dma_start3A_919 = tpu.memref_slice %arg6[%dma_start3A_912, %dma_start3A_918] : memref<16x100xi32, #tpu.memory_space<vmem>> -> memref<1x100xi32, #tpu.memory_space<vmem>>
        %dma_start3A_920 = tpu.memref_squeeze %dma_start3A_919 : memref<1x100xi32, #tpu.memory_space<vmem>> -> memref<100xi32, #tpu.memory_space<vmem>>
        %dma_start3A_921 = arith.constant 0 : i32
        %dma_start3A_922 = arith.constant 0 : i32
        %dma_start3A_923 = tpu.memref_slice %arg3[%dma_start3A_921, %dma_start3A_922] : memref<1000000x32xf32, #tpu.memory_space<hbm>> -> memref<1000000x32xf32, #tpu.memory_space<hbm>>
        tpu.enqueue_indirect_dma source(%dma_start3A_923 : memref<1000000x32xf32, #tpu.memory_space<hbm>>) target(%dma_start3A_917 : memref<100x32xf32, #tpu.memory_space<vmem>>) offsets(%dma_start3A_920 : memref<100xi32, #tpu.memory_space<vmem>>) semaphore(%arg10 : memref<!tpu.dma_semaphore, #tpu.memory_space<semaphore_mem>>)
        %dma_start3A_924 = arith.constant 11 : i32
        %dma_start3A_925 = arith.constant 11 : i32
        %dma_start3A_926 = arith.constant 0 : i32
        %dma_start3A_927 = arith.constant 0 : i32
        %dma_start3A_928 = tpu.memref_slice %arg8[%dma_start3A_925, %dma_start3A_926, %dma_start3A_927] : memref<16x100x32xf32, #tpu.memory_space<vmem>> -> memref<1x100x32xf32, #tpu.memory_space<vmem>>
        %dma_start3A_929 = tpu.memref_squeeze %dma_start3A_928 : memref<1x100x32xf32, #tpu.memory_space<vmem>> -> memref<100x32xf32, #tpu.memory_space<vmem>>
        %dma_start3A_930 = arith.constant 0 : i32
        %dma_start3A_931 = tpu.memref_slice %arg6[%dma_start3A_924, %dma_start3A_930] : memref<16x100xi32, #tpu.memory_space<vmem>> -> memref<1x100xi32, #tpu.memory_space<vmem>>
        %dma_start3A_932 = tpu.memref_squeeze %dma_start3A_931 : memref<1x100xi32, #tpu.memory_space<vmem>> -> memref<100xi32, #tpu.memory_space<vmem>>
        %dma_start3A_933 = arith.constant 0 : i32
        %dma_start3A_934 = arith.constant 0 : i32
        %dma_start3A_935 = tpu.memref_slice %arg3[%dma_start3A_933, %dma_start3A_934] : memref<1000000x32xf32, #tpu.memory_space<hbm>> -> memref<1000000x32xf32, #tpu.memory_space<hbm>>
        tpu.enqueue_indirect_dma source(%dma_start3A_935 : memref<1000000x32xf32, #tpu.memory_space<hbm>>) target(%dma_start3A_929 : memref<100x32xf32, #tpu.memory_space<vmem>>) offsets(%dma_start3A_932 : memref<100xi32, #tpu.memory_space<vmem>>) semaphore(%arg10 : memref<!tpu.dma_semaphore, #tpu.memory_space<semaphore_mem>>)
        %dma_start3A_936 = arith.constant 12 : i32
        %dma_start3A_937 = arith.constant 12 : i32
        %dma_start3A_938 = arith.constant 0 : i32
        %dma_start3A_939 = arith.constant 0 : i32
        %dma_start3A_940 = tpu.memref_slice %arg8[%dma_start3A_937, %dma_start3A_938, %dma_start3A_939] : memref<16x100x32xf32, #tpu.memory_space<vmem>> -> memref<1x100x32xf32, #tpu.memory_space<vmem>>
        %dma_start3A_941 = tpu.memref_squeeze %dma_start3A_940 : memref<1x100x32xf32, #tpu.memory_space<vmem>> -> memref<100x32xf32, #tpu.memory_space<vmem>>
        %dma_start3A_942 = arith.constant 0 : i32
        %dma_start3A_943 = tpu.memref_slice %arg6[%dma_start3A_936, %dma_start3A_942] : memref<16x100xi32, #tpu.memory_space<vmem>> -> memref<1x100xi32, #tpu.memory_space<vmem>>
        %dma_start3A_944 = tpu.memref_squeeze %dma_start3A_943 : memref<1x100xi32, #tpu.memory_space<vmem>> -> memref<100xi32, #tpu.memory_space<vmem>>
        %dma_start3A_945 = arith.constant 0 : i32
        %dma_start3A_946 = arith.constant 0 : i32
        %dma_start3A_947 = tpu.memref_slice %arg3[%dma_start3A_945, %dma_start3A_946] : memref<1000000x32xf32, #tpu.memory_space<hbm>> -> memref<1000000x32xf32, #tpu.memory_space<hbm>>
        tpu.enqueue_indirect_dma source(%dma_start3A_947 : memref<1000000x32xf32, #tpu.memory_space<hbm>>) target(%dma_start3A_941 : memref<100x32xf32, #tpu.memory_space<vmem>>) offsets(%dma_start3A_944 : memref<100xi32, #tpu.memory_space<vmem>>) semaphore(%arg10 : memref<!tpu.dma_semaphore, #tpu.memory_space<semaphore_mem>>)
        %dma_start3A_948 = arith.constant 13 : i32
        %dma_start3A_949 = arith.constant 13 : i32
        %dma_start3A_950 = arith.constant 0 : i32
        %dma_start3A_951 = arith.constant 0 : i32
        %dma_start3A_952 = tpu.memref_slice %arg8[%dma_start3A_949, %dma_start3A_950, %dma_start3A_951] : memref<16x100x32xf32, #tpu.memory_space<vmem>> -> memref<1x100x32xf32, #tpu.memory_space<vmem>>
        %dma_start3A_953 = tpu.memref_squeeze %dma_start3A_952 : memref<1x100x32xf32, #tpu.memory_space<vmem>> -> memref<100x32xf32, #tpu.memory_space<vmem>>
        %dma_start3A_954 = arith.constant 0 : i32
        %dma_start3A_955 = tpu.memref_slice %arg6[%dma_start3A_948, %dma_start3A_954] : memref<16x100xi32, #tpu.memory_space<vmem>> -> memref<1x100xi32, #tpu.memory_space<vmem>>
        %dma_start3A_956 = tpu.memref_squeeze %dma_start3A_955 : memref<1x100xi32, #tpu.memory_space<vmem>> -> memref<100xi32, #tpu.memory_space<vmem>>
        %dma_start3A_957 = arith.constant 0 : i32
        %dma_start3A_958 = arith.constant 0 : i32
        %dma_start3A_959 = tpu.memref_slice %arg3[%dma_start3A_957, %dma_start3A_958] : memref<1000000x32xf32, #tpu.memory_space<hbm>> -> memref<1000000x32xf32, #tpu.memory_space<hbm>>
        tpu.enqueue_indirect_dma source(%dma_start3A_959 : memref<1000000x32xf32, #tpu.memory_space<hbm>>) target(%dma_start3A_953 : memref<100x32xf32, #tpu.memory_space<vmem>>) offsets(%dma_start3A_956 : memref<100xi32, #tpu.memory_space<vmem>>) semaphore(%arg10 : memref<!tpu.dma_semaphore, #tpu.memory_space<semaphore_mem>>)
        %dma_start3A_960 = arith.constant 14 : i32
        %dma_start3A_961 = arith.constant 14 : i32
        %dma_start3A_962 = arith.constant 0 : i32
        %dma_start3A_963 = arith.constant 0 : i32
        %dma_start3A_964 = tpu.memref_slice %arg8[%dma_start3A_961, %dma_start3A_962, %dma_start3A_963] : memref<16x100x32xf32, #tpu.memory_space<vmem>> -> memref<1x100x32xf32, #tpu.memory_space<vmem>>
        %dma_start3A_965 = tpu.memref_squeeze %dma_start3A_964 : memref<1x100x32xf32, #tpu.memory_space<vmem>> -> memref<100x32xf32, #tpu.memory_space<vmem>>
        %dma_start3A_966 = arith.constant 0 : i32
        %dma_start3A_967 = tpu.memref_slice %arg6[%dma_start3A_960, %dma_start3A_966] : memref<16x100xi32, #tpu.memory_space<vmem>> -> memref<1x100xi32, #tpu.memory_space<vmem>>
        %dma_start3A_968 = tpu.memref_squeeze %dma_start3A_967 : memref<1x100xi32, #tpu.memory_space<vmem>> -> memref<100xi32, #tpu.memory_space<vmem>>
        %dma_start3A_969 = arith.constant 0 : i32
        %dma_start3A_970 = arith.constant 0 : i32
        %dma_start3A_971 = tpu.memref_slice %arg3[%dma_start3A_969, %dma_start3A_970] : memref<1000000x32xf32, #tpu.memory_space<hbm>> -> memref<1000000x32xf32, #tpu.memory_space<hbm>>
        tpu.enqueue_indirect_dma source(%dma_start3A_971 : memref<1000000x32xf32, #tpu.memory_space<hbm>>) target(%dma_start3A_965 : memref<100x32xf32, #tpu.memory_space<vmem>>) offsets(%dma_start3A_968 : memref<100xi32, #tpu.memory_space<vmem>>) semaphore(%arg10 : memref<!tpu.dma_semaphore, #tpu.memory_space<semaphore_mem>>)
        %dma_start3A_972 = arith.constant 15 : i32
        %dma_start3A_973 = arith.constant 15 : i32
        %dma_start3A_974 = arith.constant 0 : i32
        %dma_start3A_975 = arith.constant 0 : i32
        %dma_start3A_976 = tpu.memref_slice %arg8[%dma_start3A_973, %dma_start3A_974, %dma_start3A_975] : memref<16x100x32xf32, #tpu.memory_space<vmem>> -> memref<1x100x32xf32, #tpu.memory_space<vmem>>
        %dma_start3A_977 = tpu.memref_squeeze %dma_start3A_976 : memref<1x100x32xf32, #tpu.memory_space<vmem>> -> memref<100x32xf32, #tpu.memory_space<vmem>>
        %dma_start3A_978 = arith.constant 0 : i32
        %dma_start3A_979 = tpu.memref_slice %arg6[%dma_start3A_972, %dma_start3A_978] : memref<16x100xi32, #tpu.memory_space<vmem>> -> memref<1x100xi32, #tpu.memory_space<vmem>>
        %dma_start3A_980 = tpu.memref_squeeze %dma_start3A_979 : memref<1x100xi32, #tpu.memory_space<vmem>> -> memref<100xi32, #tpu.memory_space<vmem>>
        %dma_start3A_981 = arith.constant 0 : i32
        %dma_start3A_982 = arith.constant 0 : i32
        %dma_start3A_983 = tpu.memref_slice %arg3[%dma_start3A_981, %dma_start3A_982] : memref<1000000x32xf32, #tpu.memory_space<hbm>> -> memref<1000000x32xf32, #tpu.memory_space<hbm>>
        tpu.enqueue_indirect_dma source(%dma_start3A_983 : memref<1000000x32xf32, #tpu.memory_space<hbm>>) target(%dma_start3A_977 : memref<100x32xf32, #tpu.memory_space<vmem>>) offsets(%dma_start3A_980 : memref<100xi32, #tpu.memory_space<vmem>>) semaphore(%arg10 : memref<!tpu.dma_semaphore, #tpu.memory_space<semaphore_mem>>)
      } else {
      }
      %mul3A_493 = arith.constant 2 : i32
      %mul3A_494 = arith.muli %mul3A_493, %scan3A_215 : i32
      %add3A_495 = arith.constant 1 : i32
      %add3A_496 = arith.addi %mul3A_494, %add3A_495 : i32
      %dma_wait3A_497 = arith.constant 0 : i32
      %dma_wait3A_498 = arith.constant 0 : i32
      %dma_wait3A_499 = arith.constant 0 : i32
      %dma_wait3A_500 = arith.constant 0 : i32
      %dma_wait3A_501 = tpu.memref_slice %arg8[%dma_wait3A_498, %dma_wait3A_499, %dma_wait3A_500] : memref<16x100x32xf32, #tpu.memory_space<vmem>> -> memref<1x100x32xf32, #tpu.memory_space<vmem>>
      %dma_wait3A_502 = tpu.memref_squeeze %dma_wait3A_501 : memref<1x100x32xf32, #tpu.memory_space<vmem>> -> memref<100x32xf32, #tpu.memory_space<vmem>>
      %dma_wait3A_503 = arith.constant 0 : i32
      %dma_wait3A_504 = tpu.memref_slice %arg6[%dma_wait3A_497, %dma_wait3A_503] : memref<16x100xi32, #tpu.memory_space<vmem>> -> memref<1x100xi32, #tpu.memory_space<vmem>>
      %dma_wait3A_505 = tpu.memref_squeeze %dma_wait3A_504 : memref<1x100xi32, #tpu.memory_space<vmem>> -> memref<100xi32, #tpu.memory_space<vmem>>
      %dma_wait3A_506 = arith.constant 0 : i32
      %dma_wait3A_507 = arith.constant 0 : i32
      %dma_wait3A_508 = tpu.memref_slice %arg3[%dma_wait3A_506, %dma_wait3A_507] : memref<1000000x32xf32, #tpu.memory_space<hbm>> -> memref<1000000x32xf32, #tpu.memory_space<hbm>>
      tpu.wait_indirect_dma semaphore(%arg10 : memref<!tpu.dma_semaphore, #tpu.memory_space<semaphore_mem>>) src(%dma_wait3A_508 : memref<1000000x32xf32, #tpu.memory_space<hbm>>) dst(%dma_wait3A_502 : memref<100x32xf32, #tpu.memory_space<vmem>>)
      %dma_wait3A_509 = arith.constant 1 : i32
      %dma_wait3A_510 = arith.constant 1 : i32
      %dma_wait3A_511 = arith.constant 0 : i32
      %dma_wait3A_512 = arith.constant 0 : i32
      %dma_wait3A_513 = tpu.memref_slice %arg8[%dma_wait3A_510, %dma_wait3A_511, %dma_wait3A_512] : memref<16x100x32xf32, #tpu.memory_space<vmem>> -> memref<1x100x32xf32, #tpu.memory_space<vmem>>
      %dma_wait3A_514 = tpu.memref_squeeze %dma_wait3A_513 : memref<1x100x32xf32, #tpu.memory_space<vmem>> -> memref<100x32xf32, #tpu.memory_space<vmem>>
      %dma_wait3A_515 = arith.constant 0 : i32
      %dma_wait3A_516 = tpu.memref_slice %arg6[%dma_wait3A_509, %dma_wait3A_515] : memref<16x100xi32, #tpu.memory_space<vmem>> -> memref<1x100xi32, #tpu.memory_space<vmem>>
      %dma_wait3A_517 = tpu.memref_squeeze %dma_wait3A_516 : memref<1x100xi32, #tpu.memory_space<vmem>> -> memref<100xi32, #tpu.memory_space<vmem>>
      %dma_wait3A_518 = arith.constant 0 : i32
      %dma_wait3A_519 = arith.constant 0 : i32
      %dma_wait3A_520 = tpu.memref_slice %arg3[%dma_wait3A_518, %dma_wait3A_519] : memref<1000000x32xf32, #tpu.memory_space<hbm>> -> memref<1000000x32xf32, #tpu.memory_space<hbm>>
      tpu.wait_indirect_dma semaphore(%arg10 : memref<!tpu.dma_semaphore, #tpu.memory_space<semaphore_mem>>) src(%dma_wait3A_520 : memref<1000000x32xf32, #tpu.memory_space<hbm>>) dst(%dma_wait3A_514 : memref<100x32xf32, #tpu.memory_space<vmem>>)
      %dma_wait3A_521 = arith.constant 2 : i32
      %dma_wait3A_522 = arith.constant 2 : i32
      %dma_wait3A_523 = arith.constant 0 : i32
      %dma_wait3A_524 = arith.constant 0 : i32
      %dma_wait3A_525 = tpu.memref_slice %arg8[%dma_wait3A_522, %dma_wait3A_523, %dma_wait3A_524] : memref<16x100x32xf32, #tpu.memory_space<vmem>> -> memref<1x100x32xf32, #tpu.memory_space<vmem>>
      %dma_wait3A_526 = tpu.memref_squeeze %dma_wait3A_525 : memref<1x100x32xf32, #tpu.memory_space<vmem>> -> memref<100x32xf32, #tpu.memory_space<vmem>>
      %dma_wait3A_527 = arith.constant 0 : i32
      %dma_wait3A_528 = tpu.memref_slice %arg6[%dma_wait3A_521, %dma_wait3A_527] : memref<16x100xi32, #tpu.memory_space<vmem>> -> memref<1x100xi32, #tpu.memory_space<vmem>>
      %dma_wait3A_529 = tpu.memref_squeeze %dma_wait3A_528 : memref<1x100xi32, #tpu.memory_space<vmem>> -> memref<100xi32, #tpu.memory_space<vmem>>
      %dma_wait3A_530 = arith.constant 0 : i32
      %dma_wait3A_531 = arith.constant 0 : i32
      %dma_wait3A_532 = tpu.memref_slice %arg3[%dma_wait3A_530, %dma_wait3A_531] : memref<1000000x32xf32, #tpu.memory_space<hbm>> -> memref<1000000x32xf32, #tpu.memory_space<hbm>>
      tpu.wait_indirect_dma semaphore(%arg10 : memref<!tpu.dma_semaphore, #tpu.memory_space<semaphore_mem>>) src(%dma_wait3A_532 : memref<1000000x32xf32, #tpu.memory_space<hbm>>) dst(%dma_wait3A_526 : memref<100x32xf32, #tpu.memory_space<vmem>>)
      %dma_wait3A_533 = arith.constant 3 : i32
      %dma_wait3A_534 = arith.constant 3 : i32
      %dma_wait3A_535 = arith.constant 0 : i32
      %dma_wait3A_536 = arith.constant 0 : i32
      %dma_wait3A_537 = tpu.memref_slice %arg8[%dma_wait3A_534, %dma_wait3A_535, %dma_wait3A_536] : memref<16x100x32xf32, #tpu.memory_space<vmem>> -> memref<1x100x32xf32, #tpu.memory_space<vmem>>
      %dma_wait3A_538 = tpu.memref_squeeze %dma_wait3A_537 : memref<1x100x32xf32, #tpu.memory_space<vmem>> -> memref<100x32xf32, #tpu.memory_space<vmem>>
      %dma_wait3A_539 = arith.constant 0 : i32
      %dma_wait3A_540 = tpu.memref_slice %arg6[%dma_wait3A_533, %dma_wait3A_539] : memref<16x100xi32, #tpu.memory_space<vmem>> -> memref<1x100xi32, #tpu.memory_space<vmem>>
      %dma_wait3A_541 = tpu.memref_squeeze %dma_wait3A_540 : memref<1x100xi32, #tpu.memory_space<vmem>> -> memref<100xi32, #tpu.memory_space<vmem>>
      %dma_wait3A_542 = arith.constant 0 : i32
      %dma_wait3A_543 = arith.constant 0 : i32
      %dma_wait3A_544 = tpu.memref_slice %arg3[%dma_wait3A_542, %dma_wait3A_543] : memref<1000000x32xf32, #tpu.memory_space<hbm>> -> memref<1000000x32xf32, #tpu.memory_space<hbm>>
      tpu.wait_indirect_dma semaphore(%arg10 : memref<!tpu.dma_semaphore, #tpu.memory_space<semaphore_mem>>) src(%dma_wait3A_544 : memref<1000000x32xf32, #tpu.memory_space<hbm>>) dst(%dma_wait3A_538 : memref<100x32xf32, #tpu.memory_space<vmem>>)
      %dma_wait3A_545 = arith.constant 4 : i32
      %dma_wait3A_546 = arith.constant 4 : i32
      %dma_wait3A_547 = arith.constant 0 : i32
      %dma_wait3A_548 = arith.constant 0 : i32
      %dma_wait3A_549 = tpu.memref_slice %arg8[%dma_wait3A_546, %dma_wait3A_547, %dma_wait3A_548] : memref<16x100x32xf32, #tpu.memory_space<vmem>> -> memref<1x100x32xf32, #tpu.memory_space<vmem>>
      %dma_wait3A_550 = tpu.memref_squeeze %dma_wait3A_549 : memref<1x100x32xf32, #tpu.memory_space<vmem>> -> memref<100x32xf32, #tpu.memory_space<vmem>>
      %dma_wait3A_551 = arith.constant 0 : i32
      %dma_wait3A_552 = tpu.memref_slice %arg6[%dma_wait3A_545, %dma_wait3A_551] : memref<16x100xi32, #tpu.memory_space<vmem>> -> memref<1x100xi32, #tpu.memory_space<vmem>>
      %dma_wait3A_553 = tpu.memref_squeeze %dma_wait3A_552 : memref<1x100xi32, #tpu.memory_space<vmem>> -> memref<100xi32, #tpu.memory_space<vmem>>
      %dma_wait3A_554 = arith.constant 0 : i32
      %dma_wait3A_555 = arith.constant 0 : i32
      %dma_wait3A_556 = tpu.memref_slice %arg3[%dma_wait3A_554, %dma_wait3A_555] : memref<1000000x32xf32, #tpu.memory_space<hbm>> -> memref<1000000x32xf32, #tpu.memory_space<hbm>>
      tpu.wait_indirect_dma semaphore(%arg10 : memref<!tpu.dma_semaphore, #tpu.memory_space<semaphore_mem>>) src(%dma_wait3A_556 : memref<1000000x32xf32, #tpu.memory_space<hbm>>) dst(%dma_wait3A_550 : memref<100x32xf32, #tpu.memory_space<vmem>>)
      %dma_wait3A_557 = arith.constant 5 : i32
      %dma_wait3A_558 = arith.constant 5 : i32
      %dma_wait3A_559 = arith.constant 0 : i32
      %dma_wait3A_560 = arith.constant 0 : i32
      %dma_wait3A_561 = tpu.memref_slice %arg8[%dma_wait3A_558, %dma_wait3A_559, %dma_wait3A_560] : memref<16x100x32xf32, #tpu.memory_space<vmem>> -> memref<1x100x32xf32, #tpu.memory_space<vmem>>
      %dma_wait3A_562 = tpu.memref_squeeze %dma_wait3A_561 : memref<1x100x32xf32, #tpu.memory_space<vmem>> -> memref<100x32xf32, #tpu.memory_space<vmem>>
      %dma_wait3A_563 = arith.constant 0 : i32
      %dma_wait3A_564 = tpu.memref_slice %arg6[%dma_wait3A_557, %dma_wait3A_563] : memref<16x100xi32, #tpu.memory_space<vmem>> -> memref<1x100xi32, #tpu.memory_space<vmem>>
      %dma_wait3A_565 = tpu.memref_squeeze %dma_wait3A_564 : memref<1x100xi32, #tpu.memory_space<vmem>> -> memref<100xi32, #tpu.memory_space<vmem>>
      %dma_wait3A_566 = arith.constant 0 : i32
      %dma_wait3A_567 = arith.constant 0 : i32
      %dma_wait3A_568 = tpu.memref_slice %arg3[%dma_wait3A_566, %dma_wait3A_567] : memref<1000000x32xf32, #tpu.memory_space<hbm>> -> memref<1000000x32xf32, #tpu.memory_space<hbm>>
      tpu.wait_indirect_dma semaphore(%arg10 : memref<!tpu.dma_semaphore, #tpu.memory_space<semaphore_mem>>) src(%dma_wait3A_568 : memref<1000000x32xf32, #tpu.memory_space<hbm>>) dst(%dma_wait3A_562 : memref<100x32xf32, #tpu.memory_space<vmem>>)
      %dma_wait3A_569 = arith.constant 6 : i32
      %dma_wait3A_570 = arith.constant 6 : i32
      %dma_wait3A_571 = arith.constant 0 : i32
      %dma_wait3A_572 = arith.constant 0 : i32
      %dma_wait3A_573 = tpu.memref_slice %arg8[%dma_wait3A_570, %dma_wait3A_571, %dma_wait3A_572] : memref<16x100x32xf32, #tpu.memory_space<vmem>> -> memref<1x100x32xf32, #tpu.memory_space<vmem>>
      %dma_wait3A_574 = tpu.memref_squeeze %dma_wait3A_573 : memref<1x100x32xf32, #tpu.memory_space<vmem>> -> memref<100x32xf32, #tpu.memory_space<vmem>>
      %dma_wait3A_575 = arith.constant 0 : i32
      %dma_wait3A_576 = tpu.memref_slice %arg6[%dma_wait3A_569, %dma_wait3A_575] : memref<16x100xi32, #tpu.memory_space<vmem>> -> memref<1x100xi32, #tpu.memory_space<vmem>>
      %dma_wait3A_577 = tpu.memref_squeeze %dma_wait3A_576 : memref<1x100xi32, #tpu.memory_space<vmem>> -> memref<100xi32, #tpu.memory_space<vmem>>
      %dma_wait3A_578 = arith.constant 0 : i32
      %dma_wait3A_579 = arith.constant 0 : i32
      %dma_wait3A_580 = tpu.memref_slice %arg3[%dma_wait3A_578, %dma_wait3A_579] : memref<1000000x32xf32, #tpu.memory_space<hbm>> -> memref<1000000x32xf32, #tpu.memory_space<hbm>>
      tpu.wait_indirect_dma semaphore(%arg10 : memref<!tpu.dma_semaphore, #tpu.memory_space<semaphore_mem>>) src(%dma_wait3A_580 : memref<1000000x32xf32, #tpu.memory_space<hbm>>) dst(%dma_wait3A_574 : memref<100x32xf32, #tpu.memory_space<vmem>>)
      %dma_wait3A_581 = arith.constant 7 : i32
      %dma_wait3A_582 = arith.constant 7 : i32
      %dma_wait3A_583 = arith.constant 0 : i32
      %dma_wait3A_584 = arith.constant 0 : i32
      %dma_wait3A_585 = tpu.memref_slice %arg8[%dma_wait3A_582, %dma_wait3A_583, %dma_wait3A_584] : memref<16x100x32xf32, #tpu.memory_space<vmem>> -> memref<1x100x32xf32, #tpu.memory_space<vmem>>
      %dma_wait3A_586 = tpu.memref_squeeze %dma_wait3A_585 : memref<1x100x32xf32, #tpu.memory_space<vmem>> -> memref<100x32xf32, #tpu.memory_space<vmem>>
      %dma_wait3A_587 = arith.constant 0 : i32
      %dma_wait3A_588 = tpu.memref_slice %arg6[%dma_wait3A_581, %dma_wait3A_587] : memref<16x100xi32, #tpu.memory_space<vmem>> -> memref<1x100xi32, #tpu.memory_space<vmem>>
      %dma_wait3A_589 = tpu.memref_squeeze %dma_wait3A_588 : memref<1x100xi32, #tpu.memory_space<vmem>> -> memref<100xi32, #tpu.memory_space<vmem>>
      %dma_wait3A_590 = arith.constant 0 : i32
      %dma_wait3A_591 = arith.constant 0 : i32
      %dma_wait3A_592 = tpu.memref_slice %arg3[%dma_wait3A_590, %dma_wait3A_591] : memref<1000000x32xf32, #tpu.memory_space<hbm>> -> memref<1000000x32xf32, #tpu.memory_space<hbm>>
      tpu.wait_indirect_dma semaphore(%arg10 : memref<!tpu.dma_semaphore, #tpu.memory_space<semaphore_mem>>) src(%dma_wait3A_592 : memref<1000000x32xf32, #tpu.memory_space<hbm>>) dst(%dma_wait3A_586 : memref<100x32xf32, #tpu.memory_space<vmem>>)
      %dma_wait3A_593 = arith.constant 8 : i32
      %dma_wait3A_594 = arith.constant 8 : i32
      %dma_wait3A_595 = arith.constant 0 : i32
      %dma_wait3A_596 = arith.constant 0 : i32
      %dma_wait3A_597 = tpu.memref_slice %arg8[%dma_wait3A_594, %dma_wait3A_595, %dma_wait3A_596] : memref<16x100x32xf32, #tpu.memory_space<vmem>> -> memref<1x100x32xf32, #tpu.memory_space<vmem>>
      %dma_wait3A_598 = tpu.memref_squeeze %dma_wait3A_597 : memref<1x100x32xf32, #tpu.memory_space<vmem>> -> memref<100x32xf32, #tpu.memory_space<vmem>>
      %dma_wait3A_599 = arith.constant 0 : i32
      %dma_wait3A_600 = tpu.memref_slice %arg6[%dma_wait3A_593, %dma_wait3A_599] : memref<16x100xi32, #tpu.memory_space<vmem>> -> memref<1x100xi32, #tpu.memory_space<vmem>>
      %dma_wait3A_601 = tpu.memref_squeeze %dma_wait3A_600 : memref<1x100xi32, #tpu.memory_space<vmem>> -> memref<100xi32, #tpu.memory_space<vmem>>
      %dma_wait3A_602 = arith.constant 0 : i32
      %dma_wait3A_603 = arith.constant 0 : i32
      %dma_wait3A_604 = tpu.memref_slice %arg3[%dma_wait3A_602, %dma_wait3A_603] : memref<1000000x32xf32, #tpu.memory_space<hbm>> -> memref<1000000x32xf32, #tpu.memory_space<hbm>>
      tpu.wait_indirect_dma semaphore(%arg10 : memref<!tpu.dma_semaphore, #tpu.memory_space<semaphore_mem>>) src(%dma_wait3A_604 : memref<1000000x32xf32, #tpu.memory_space<hbm>>) dst(%dma_wait3A_598 : memref<100x32xf32, #tpu.memory_space<vmem>>)
      %dma_wait3A_605 = arith.constant 9 : i32
      %dma_wait3A_606 = arith.constant 9 : i32
      %dma_wait3A_607 = arith.constant 0 : i32
      %dma_wait3A_608 = arith.constant 0 : i32
      %dma_wait3A_609 = tpu.memref_slice %arg8[%dma_wait3A_606, %dma_wait3A_607, %dma_wait3A_608] : memref<16x100x32xf32, #tpu.memory_space<vmem>> -> memref<1x100x32xf32, #tpu.memory_space<vmem>>
      %dma_wait3A_610 = tpu.memref_squeeze %dma_wait3A_609 : memref<1x100x32xf32, #tpu.memory_space<vmem>> -> memref<100x32xf32, #tpu.memory_space<vmem>>
      %dma_wait3A_611 = arith.constant 0 : i32
      %dma_wait3A_612 = tpu.memref_slice %arg6[%dma_wait3A_605, %dma_wait3A_611] : memref<16x100xi32, #tpu.memory_space<vmem>> -> memref<1x100xi32, #tpu.memory_space<vmem>>
      %dma_wait3A_613 = tpu.memref_squeeze %dma_wait3A_612 : memref<1x100xi32, #tpu.memory_space<vmem>> -> memref<100xi32, #tpu.memory_space<vmem>>
      %dma_wait3A_614 = arith.constant 0 : i32
      %dma_wait3A_615 = arith.constant 0 : i32
      %dma_wait3A_616 = tpu.memref_slice %arg3[%dma_wait3A_614, %dma_wait3A_615] : memref<1000000x32xf32, #tpu.memory_space<hbm>> -> memref<1000000x32xf32, #tpu.memory_space<hbm>>
      tpu.wait_indirect_dma semaphore(%arg10 : memref<!tpu.dma_semaphore, #tpu.memory_space<semaphore_mem>>) src(%dma_wait3A_616 : memref<1000000x32xf32, #tpu.memory_space<hbm>>) dst(%dma_wait3A_610 : memref<100x32xf32, #tpu.memory_space<vmem>>)
      %dma_wait3A_617 = arith.constant 10 : i32
      %dma_wait3A_618 = arith.constant 10 : i32
      %dma_wait3A_619 = arith.constant 0 : i32
      %dma_wait3A_620 = arith.constant 0 : i32
      %dma_wait3A_621 = tpu.memref_slice %arg8[%dma_wait3A_618, %dma_wait3A_619, %dma_wait3A_620] : memref<16x100x32xf32, #tpu.memory_space<vmem>> -> memref<1x100x32xf32, #tpu.memory_space<vmem>>
      %dma_wait3A_622 = tpu.memref_squeeze %dma_wait3A_621 : memref<1x100x32xf32, #tpu.memory_space<vmem>> -> memref<100x32xf32, #tpu.memory_space<vmem>>
      %dma_wait3A_623 = arith.constant 0 : i32
      %dma_wait3A_624 = tpu.memref_slice %arg6[%dma_wait3A_617, %dma_wait3A_623] : memref<16x100xi32, #tpu.memory_space<vmem>> -> memref<1x100xi32, #tpu.memory_space<vmem>>
      %dma_wait3A_625 = tpu.memref_squeeze %dma_wait3A_624 : memref<1x100xi32, #tpu.memory_space<vmem>> -> memref<100xi32, #tpu.memory_space<vmem>>
      %dma_wait3A_626 = arith.constant 0 : i32
      %dma_wait3A_627 = arith.constant 0 : i32
      %dma_wait3A_628 = tpu.memref_slice %arg3[%dma_wait3A_626, %dma_wait3A_627] : memref<1000000x32xf32, #tpu.memory_space<hbm>> -> memref<1000000x32xf32, #tpu.memory_space<hbm>>
      tpu.wait_indirect_dma semaphore(%arg10 : memref<!tpu.dma_semaphore, #tpu.memory_space<semaphore_mem>>) src(%dma_wait3A_628 : memref<1000000x32xf32, #tpu.memory_space<hbm>>) dst(%dma_wait3A_622 : memref<100x32xf32, #tpu.memory_space<vmem>>)
      %dma_wait3A_629 = arith.constant 11 : i32
      %dma_wait3A_630 = arith.constant 11 : i32
      %dma_wait3A_631 = arith.constant 0 : i32
      %dma_wait3A_632 = arith.constant 0 : i32
      %dma_wait3A_633 = tpu.memref_slice %arg8[%dma_wait3A_630, %dma_wait3A_631, %dma_wait3A_632] : memref<16x100x32xf32, #tpu.memory_space<vmem>> -> memref<1x100x32xf32, #tpu.memory_space<vmem>>
      %dma_wait3A_634 = tpu.memref_squeeze %dma_wait3A_633 : memref<1x100x32xf32, #tpu.memory_space<vmem>> -> memref<100x32xf32, #tpu.memory_space<vmem>>
      %dma_wait3A_635 = arith.constant 0 : i32
      %dma_wait3A_636 = tpu.memref_slice %arg6[%dma_wait3A_629, %dma_wait3A_635] : memref<16x100xi32, #tpu.memory_space<vmem>> -> memref<1x100xi32, #tpu.memory_space<vmem>>
      %dma_wait3A_637 = tpu.memref_squeeze %dma_wait3A_636 : memref<1x100xi32, #tpu.memory_space<vmem>> -> memref<100xi32, #tpu.memory_space<vmem>>
      %dma_wait3A_638 = arith.constant 0 : i32
      %dma_wait3A_639 = arith.constant 0 : i32
      %dma_wait3A_640 = tpu.memref_slice %arg3[%dma_wait3A_638, %dma_wait3A_639] : memref<1000000x32xf32, #tpu.memory_space<hbm>> -> memref<1000000x32xf32, #tpu.memory_space<hbm>>
      tpu.wait_indirect_dma semaphore(%arg10 : memref<!tpu.dma_semaphore, #tpu.memory_space<semaphore_mem>>) src(%dma_wait3A_640 : memref<1000000x32xf32, #tpu.memory_space<hbm>>) dst(%dma_wait3A_634 : memref<100x32xf32, #tpu.memory_space<vmem>>)
      %dma_wait3A_641 = arith.constant 12 : i32
      %dma_wait3A_642 = arith.constant 12 : i32
      %dma_wait3A_643 = arith.constant 0 : i32
      %dma_wait3A_644 = arith.constant 0 : i32
      %dma_wait3A_645 = tpu.memref_slice %arg8[%dma_wait3A_642, %dma_wait3A_643, %dma_wait3A_644] : memref<16x100x32xf32, #tpu.memory_space<vmem>> -> memref<1x100x32xf32, #tpu.memory_space<vmem>>
      %dma_wait3A_646 = tpu.memref_squeeze %dma_wait3A_645 : memref<1x100x32xf32, #tpu.memory_space<vmem>> -> memref<100x32xf32, #tpu.memory_space<vmem>>
      %dma_wait3A_647 = arith.constant 0 : i32
      %dma_wait3A_648 = tpu.memref_slice %arg6[%dma_wait3A_641, %dma_wait3A_647] : memref<16x100xi32, #tpu.memory_space<vmem>> -> memref<1x100xi32, #tpu.memory_space<vmem>>
      %dma_wait3A_649 = tpu.memref_squeeze %dma_wait3A_648 : memref<1x100xi32, #tpu.memory_space<vmem>> -> memref<100xi32, #tpu.memory_space<vmem>>
      %dma_wait3A_650 = arith.constant 0 : i32
      %dma_wait3A_651 = arith.constant 0 : i32
      %dma_wait3A_652 = tpu.memref_slice %arg3[%dma_wait3A_650, %dma_wait3A_651] : memref<1000000x32xf32, #tpu.memory_space<hbm>> -> memref<1000000x32xf32, #tpu.memory_space<hbm>>
      tpu.wait_indirect_dma semaphore(%arg10 : memref<!tpu.dma_semaphore, #tpu.memory_space<semaphore_mem>>) src(%dma_wait3A_652 : memref<1000000x32xf32, #tpu.memory_space<hbm>>) dst(%dma_wait3A_646 : memref<100x32xf32, #tpu.memory_space<vmem>>)
      %dma_wait3A_653 = arith.constant 13 : i32
      %dma_wait3A_654 = arith.constant 13 : i32
      %dma_wait3A_655 = arith.constant 0 : i32
      %dma_wait3A_656 = arith.constant 0 : i32
      %dma_wait3A_657 = tpu.memref_slice %arg8[%dma_wait3A_654, %dma_wait3A_655, %dma_wait3A_656] : memref<16x100x32xf32, #tpu.memory_space<vmem>> -> memref<1x100x32xf32, #tpu.memory_space<vmem>>
      %dma_wait3A_658 = tpu.memref_squeeze %dma_wait3A_657 : memref<1x100x32xf32, #tpu.memory_space<vmem>> -> memref<100x32xf32, #tpu.memory_space<vmem>>
      %dma_wait3A_659 = arith.constant 0 : i32
      %dma_wait3A_660 = tpu.memref_slice %arg6[%dma_wait3A_653, %dma_wait3A_659] : memref<16x100xi32, #tpu.memory_space<vmem>> -> memref<1x100xi32, #tpu.memory_space<vmem>>
      %dma_wait3A_661 = tpu.memref_squeeze %dma_wait3A_660 : memref<1x100xi32, #tpu.memory_space<vmem>> -> memref<100xi32, #tpu.memory_space<vmem>>
      %dma_wait3A_662 = arith.constant 0 : i32
      %dma_wait3A_663 = arith.constant 0 : i32
      %dma_wait3A_664 = tpu.memref_slice %arg3[%dma_wait3A_662, %dma_wait3A_663] : memref<1000000x32xf32, #tpu.memory_space<hbm>> -> memref<1000000x32xf32, #tpu.memory_space<hbm>>
      tpu.wait_indirect_dma semaphore(%arg10 : memref<!tpu.dma_semaphore, #tpu.memory_space<semaphore_mem>>) src(%dma_wait3A_664 : memref<1000000x32xf32, #tpu.memory_space<hbm>>) dst(%dma_wait3A_658 : memref<100x32xf32, #tpu.memory_space<vmem>>)
      %dma_wait3A_665 = arith.constant 14 : i32
      %dma_wait3A_666 = arith.constant 14 : i32
      %dma_wait3A_667 = arith.constant 0 : i32
      %dma_wait3A_668 = arith.constant 0 : i32
      %dma_wait3A_669 = tpu.memref_slice %arg8[%dma_wait3A_666, %dma_wait3A_667, %dma_wait3A_668] : memref<16x100x32xf32, #tpu.memory_space<vmem>> -> memref<1x100x32xf32, #tpu.memory_space<vmem>>
      %dma_wait3A_670 = tpu.memref_squeeze %dma_wait3A_669 : memref<1x100x32xf32, #tpu.memory_space<vmem>> -> memref<100x32xf32, #tpu.memory_space<vmem>>
      %dma_wait3A_671 = arith.constant 0 : i32
      %dma_wait3A_672 = tpu.memref_slice %arg6[%dma_wait3A_665, %dma_wait3A_671] : memref<16x100xi32, #tpu.memory_space<vmem>> -> memref<1x100xi32, #tpu.memory_space<vmem>>
      %dma_wait3A_673 = tpu.memref_squeeze %dma_wait3A_672 : memref<1x100xi32, #tpu.memory_space<vmem>> -> memref<100xi32, #tpu.memory_space<vmem>>
      %dma_wait3A_674 = arith.constant 0 : i32
      %dma_wait3A_675 = arith.constant 0 : i32
      %dma_wait3A_676 = tpu.memref_slice %arg3[%dma_wait3A_674, %dma_wait3A_675] : memref<1000000x32xf32, #tpu.memory_space<hbm>> -> memref<1000000x32xf32, #tpu.memory_space<hbm>>
      tpu.wait_indirect_dma semaphore(%arg10 : memref<!tpu.dma_semaphore, #tpu.memory_space<semaphore_mem>>) src(%dma_wait3A_676 : memref<1000000x32xf32, #tpu.memory_space<hbm>>) dst(%dma_wait3A_670 : memref<100x32xf32, #tpu.memory_space<vmem>>)
      %dma_wait3A_677 = arith.constant 15 : i32
      %dma_wait3A_678 = arith.constant 15 : i32
      %dma_wait3A_679 = arith.constant 0 : i32
      %dma_wait3A_680 = arith.constant 0 : i32
      %dma_wait3A_681 = tpu.memref_slice %arg8[%dma_wait3A_678, %dma_wait3A_679, %dma_wait3A_680] : memref<16x100x32xf32, #tpu.memory_space<vmem>> -> memref<1x100x32xf32, #tpu.memory_space<vmem>>
      %dma_wait3A_682 = tpu.memref_squeeze %dma_wait3A_681 : memref<1x100x32xf32, #tpu.memory_space<vmem>> -> memref<100x32xf32, #tpu.memory_space<vmem>>
      %dma_wait3A_683 = arith.constant 0 : i32
      %dma_wait3A_684 = tpu.memref_slice %arg6[%dma_wait3A_677, %dma_wait3A_683] : memref<16x100xi32, #tpu.memory_space<vmem>> -> memref<1x100xi32, #tpu.memory_space<vmem>>
      %dma_wait3A_685 = tpu.memref_squeeze %dma_wait3A_684 : memref<1x100xi32, #tpu.memory_space<vmem>> -> memref<100xi32, #tpu.memory_space<vmem>>
      %dma_wait3A_686 = arith.constant 0 : i32
      %dma_wait3A_687 = arith.constant 0 : i32
      %dma_wait3A_688 = tpu.memref_slice %arg3[%dma_wait3A_686, %dma_wait3A_687] : memref<1000000x32xf32, #tpu.memory_space<hbm>> -> memref<1000000x32xf32, #tpu.memory_space<hbm>>
      tpu.wait_indirect_dma semaphore(%arg10 : memref<!tpu.dma_semaphore, #tpu.memory_space<semaphore_mem>>) src(%dma_wait3A_688 : memref<1000000x32xf32, #tpu.memory_space<hbm>>) dst(%dma_wait3A_682 : memref<100x32xf32, #tpu.memory_space<vmem>>)
      %mul3A_689 = arith.constant 16 : i32
      %mul3A_690 = arith.muli %add3A_496, %mul3A_689 : i32
      %add3A_691 = arith.addi %mul3A_2, %mul3A_690 : i32
      %jit3A_692 = arith.constant 512 : i32
      %div3A_693 = arith.divsi %add3A_691, %jit3A_692 : i32
      %sign3A_694 = arith.constant 0 : i32
      %sign3A_695 = arith.cmpi sgt, %add3A_691, %sign3A_694 : i32
      %sign3A_696 = arith.extui %sign3A_695 : i1 to i32
      %sign3A_697 = arith.constant 0 : i32
      %sign3A_698 = arith.cmpi slt, %add3A_691, %sign3A_697 : i32
      %sign3A_699 = arith.extui %sign3A_698 : i1 to i32
      %sign3A_700 = arith.subi %sign3A_696, %sign3A_699 : i32
      %sign3A_701 = arith.constant 0 : i32
      %sign3A_702 = arith.cmpi sgt, %jit3A_692, %sign3A_701 : i32
      %sign3A_703 = arith.extui %sign3A_702 : i1 to i32
      %sign3A_704 = arith.constant 0 : i32
      %sign3A_705 = arith.cmpi slt, %jit3A_692, %sign3A_704 : i32
      %sign3A_706 = arith.extui %sign3A_705 : i1 to i32
      %sign3A_707 = arith.subi %sign3A_703, %sign3A_706 : i32
      %ne3A_708 = arith.cmpi ne, %sign3A_700, %sign3A_707 : i32
      %rem3A_709 = arith.remsi %add3A_691, %jit3A_692 : i32
      %ne3A_710 = arith.constant 0 : i32
      %ne3A_711 = arith.cmpi ne, %rem3A_709, %ne3A_710 : i32
      %and3A_712 = arith.andi %ne3A_708, %ne3A_711 : i1
      %sub3A_713 = arith.constant 1 : i32
      %sub3A_714 = arith.subi %div3A_693, %sub3A_713 : i32
      %select_n3A_715 = arith.select %and3A_712, %sub3A_714, %div3A_693 : i32
      %jit3A_716 = arith.constant 512 : i32
      %eq3A_717 = arith.constant 0 : i32
      %eq3A_718 = arith.cmpi eq, %jit3A_716, %eq3A_717 : i32
      %jit3A_719 = arith.constant 1 : i32
      %select_n3A_720 = arith.select %eq3A_718, %jit3A_719, %jit3A_716 : i32
      %rem3A_721 = arith.remsi %add3A_691, %select_n3A_720 : i32
      %ne3A_722 = arith.constant 0 : i32
      %ne3A_723 = arith.cmpi ne, %rem3A_721, %ne3A_722 : i32
      %lt3A_724 = arith.constant 0 : i32
      %lt3A_725 = arith.cmpi slt, %rem3A_721, %lt3A_724 : i32
      %lt3A_726 = arith.constant 0 : i32
      %lt3A_727 = arith.cmpi slt, %select_n3A_720, %lt3A_726 : i32
      %ne3A_728 = arith.xori %lt3A_725, %lt3A_727 : i1
      %and3A_729 = arith.andi %ne3A_728, %ne3A_723 : i1
      %add3A_730 = arith.addi %rem3A_721, %select_n3A_720 : i32
      %select_n3A_731 = arith.select %and3A_729, %add3A_730, %rem3A_721 : i32
      %jit3A_732 = arith.constant 128 : i32
      %div3A_733 = arith.divsi %select_n3A_731, %jit3A_732 : i32
      %sign3A_734 = arith.constant 0 : i32
      %sign3A_735 = arith.cmpi sgt, %select_n3A_731, %sign3A_734 : i32
      %sign3A_736 = arith.extui %sign3A_735 : i1 to i32
      %sign3A_737 = arith.constant 0 : i32
      %sign3A_738 = arith.cmpi slt, %select_n3A_731, %sign3A_737 : i32
      %sign3A_739 = arith.extui %sign3A_738 : i1 to i32
      %sign3A_740 = arith.subi %sign3A_736, %sign3A_739 : i32
      %sign3A_741 = arith.constant 0 : i32
      %sign3A_742 = arith.cmpi sgt, %jit3A_732, %sign3A_741 : i32
      %sign3A_743 = arith.extui %sign3A_742 : i1 to i32
      %sign3A_744 = arith.constant 0 : i32
      %sign3A_745 = arith.cmpi slt, %jit3A_732, %sign3A_744 : i32
      %sign3A_746 = arith.extui %sign3A_745 : i1 to i32
      %sign3A_747 = arith.subi %sign3A_743, %sign3A_746 : i32
      %ne3A_748 = arith.cmpi ne, %sign3A_740, %sign3A_747 : i32
      %rem3A_749 = arith.remsi %select_n3A_731, %jit3A_732 : i32
      %ne3A_750 = arith.constant 0 : i32
      %ne3A_751 = arith.cmpi ne, %rem3A_749, %ne3A_750 : i32
      %and3A_752 = arith.andi %ne3A_748, %ne3A_751 : i1
      %sub3A_753 = arith.constant 1 : i32
      %sub3A_754 = arith.subi %div3A_733, %sub3A_753 : i32
      %select_n3A_755 = arith.select %and3A_752, %sub3A_754, %div3A_733 : i32
      %jit3A_756 = arith.constant 128 : i32
      %eq3A_757 = arith.constant 0 : i32
      %eq3A_758 = arith.cmpi eq, %jit3A_756, %eq3A_757 : i32
      %jit3A_759 = arith.constant 1 : i32
      %select_n3A_760 = arith.select %eq3A_758, %jit3A_759, %jit3A_756 : i32
      %rem3A_761 = arith.remsi %add3A_691, %select_n3A_760 : i32
      %ne3A_762 = arith.constant 0 : i32
      %ne3A_763 = arith.cmpi ne, %rem3A_761, %ne3A_762 : i32
      %lt3A_764 = arith.constant 0 : i32
      %lt3A_765 = arith.cmpi slt, %rem3A_761, %lt3A_764 : i32
      %lt3A_766 = arith.constant 0 : i32
      %lt3A_767 = arith.cmpi slt, %select_n3A_760, %lt3A_766 : i32
      %ne3A_768 = arith.xori %lt3A_765, %lt3A_767 : i1
      %and3A_769 = arith.andi %ne3A_768, %ne3A_763 : i1
      %add3A_770 = arith.addi %rem3A_761, %select_n3A_760 : i32
      %select_n3A_771 = arith.select %and3A_769, %add3A_770, %rem3A_761 : i32
      %scan3A_772 = arith.constant 0 : i32
      %scan3A_773 = arith.constant 0 : i32
      %scan3A_774 = arith.constant 100 : i32
      %scan3A_775 = arith.addi %scan3A_773, %scan3A_774 : i32
      %scan3A_776 = arith.constant 1 : i32
      scf.for %scan3A_783 = %scan3A_773 to %scan3A_775 step %scan3A_776  : i32 {
        %mul3A_784 = arith.constant 16 : i32
        %mul3A_785 = arith.muli %scan3A_783, %mul3A_784 : i32
        %add3A_786 = arith.addi %mul3A_785, %select_n3A_715 : i32
        %mul3A_787 = arith.constant 128 : i32
        %mul3A_788 = arith.muli %add3A_786, %mul3A_787 : i32
        %add3A_789 = arith.addi %mul3A_788, %select_n3A_771 : i32
        %mul3A_790 = arith.constant 32 : i32
        %mul3A_791 = arith.muli %select_n3A_755, %mul3A_790 : i32
        %dma_start3A_792 = arith.constant 0 : i32
        %dma_start3A_793 = arith.constant 0 : i32
        %dma_start3A_794 = tpu.memref_slice %arg8[%dma_start3A_792, %scan3A_783, %dma_start3A_793] : memref<16x100x32xf32, #tpu.memory_space<vmem>> -> memref<16x1x32xf32, #tpu.memory_space<vmem>>
        %dma_start3A_795 = tpu.memref_squeeze %dma_start3A_794 : memref<16x1x32xf32, #tpu.memory_space<vmem>> -> memref<16x32xf32, #tpu.memory_space<vmem>>
        %dma_start3A_796 = tpu.memref_slice %arg4[%add3A_789, %mul3A_791] : memref<204800x128xf32, #tpu.memory_space<hbm>> -> memref<16x32xf32, #tpu.memory_space<hbm>>
        %dma_start3A_797 = tpu.memref_slice %arg4[%add3A_789, %mul3A_791] : memref<204800x128xf32, #tpu.memory_space<hbm>> -> memref<16x32xf32, #tpu.memory_space<hbm>>
        %dma_start3A_798 = arith.constant 0 : i32
        %dma_start3A_799 = arith.constant 0 : i32
        %dma_start3A_800 = tpu.memref_slice %arg8[%dma_start3A_798, %scan3A_783, %dma_start3A_799] : memref<16x100x32xf32, #tpu.memory_space<vmem>> -> memref<16x1x32xf32, #tpu.memory_space<vmem>>
        %dma_start3A_801 = tpu.memref_squeeze %dma_start3A_800 : memref<16x1x32xf32, #tpu.memory_space<vmem>> -> memref<16x32xf32, #tpu.memory_space<vmem>>
        tpu.enqueue_dma source(%dma_start3A_801 : memref<16x32xf32, #tpu.memory_space<vmem>>) target(%dma_start3A_797 : memref<16x32xf32, #tpu.memory_space<hbm>>) target_semaphore(%arg12 : memref<!tpu.dma_semaphore, #tpu.memory_space<semaphore_mem>>)
      }
      %scan3A_777 = arith.constant 100 : i32
      %lt3A_778 = arith.constant 15 : i32
      %lt3A_779 = arith.cmpi slt, %add3A_496, %lt3A_778 : i32
      %convert_element_type3A_780 = arith.extui %lt3A_779 : i1 to i32
      %cond3A_781 = arith.constant 0 : i32
      %cond3A_782 = arith.cmpi ne, %convert_element_type3A_780, %cond3A_781 : i32
      scf.if %cond3A_782 {
        %gt3A = arith.constant 0 : i32
        %gt3A_783 = arith.cmpi sgt, %add3A_496, %gt3A : i32
        %convert_element_type3A_784 = arith.extui %gt3A_783 : i1 to i32
        %cond3A_785 = arith.constant 0 : i32
        %cond3A_786 = arith.cmpi ne, %convert_element_type3A_784, %cond3A_785 : i32
        scf.if %cond3A_786 {
          %scan3A_984 = arith.constant 0 : i32
          %scan3A_985 = arith.constant 0 : i32
          %scan3A_986 = arith.constant 100 : i32
          %scan3A_987 = arith.addi %scan3A_985, %scan3A_986 : i32
          %scan3A_988 = arith.constant 1 : i32
          scf.for %scan3A_990 = %scan3A_985 to %scan3A_987 step %scan3A_988  : i32 {
            %dma_wait3A_991 = arith.constant 0 : i32
            %dma_wait3A_992 = arith.constant 0 : i32
            %dma_wait3A_993 = arith.constant 0 : i32
            %dma_wait3A_994 = tpu.memref_slice %arg7[%dma_wait3A_992, %dma_wait3A_991, %dma_wait3A_993] : memref<16x100x32xf32, #tpu.memory_space<vmem>> -> memref<16x1x32xf32, #tpu.memory_space<vmem>>
            %dma_wait3A_995 = tpu.memref_squeeze %dma_wait3A_994 : memref<16x1x32xf32, #tpu.memory_space<vmem>> -> memref<16x32xf32, #tpu.memory_space<vmem>>
            %dma_wait3A_996 = arith.constant 0 : i32
            %dma_wait3A_997 = arith.constant 0 : i32
            %dma_wait3A_998 = tpu.memref_slice %arg4[%dma_wait3A_996, %dma_wait3A_997] : memref<204800x128xf32, #tpu.memory_space<hbm>> -> memref<16x32xf32, #tpu.memory_space<hbm>>
            %dma_wait3A_999 = arith.constant 0 : i32
            %dma_wait3A_1000 = arith.constant 0 : i32
            %dma_wait3A_1001 = tpu.memref_slice %arg4[%dma_wait3A_999, %dma_wait3A_1000] : memref<204800x128xf32, #tpu.memory_space<hbm>> -> memref<16x32xf32, #tpu.memory_space<hbm>>
            %dma_wait3A_1002 = arith.constant 0 : i32
            %dma_wait3A_1003 = arith.constant 0 : i32
            %dma_wait3A_1004 = tpu.memref_slice %arg7[%dma_wait3A_1002, %dma_wait3A_991, %dma_wait3A_1003] : memref<16x100x32xf32, #tpu.memory_space<vmem>> -> memref<16x1x32xf32, #tpu.memory_space<vmem>>
            %dma_wait3A_1005 = tpu.memref_squeeze %dma_wait3A_1004 : memref<16x1x32xf32, #tpu.memory_space<vmem>> -> memref<16x32xf32, #tpu.memory_space<vmem>>
            tpu.wait_dma2 semaphore(%arg11 : memref<!tpu.dma_semaphore, #tpu.memory_space<semaphore_mem>>) src(%dma_wait3A_1005 : memref<16x32xf32, #tpu.memory_space<vmem>>) dst(%dma_wait3A_1001 : memref<16x32xf32, #tpu.memory_space<hbm>>)
          }
          %scan3A_989 = arith.constant 100 : i32
        } else {
        }
        %add3A_787 = arith.constant 1 : i32
        %add3A_788 = arith.addi %add3A_496, %add3A_787 : i32
        %mul3A_789 = arith.constant 16 : i32
        %mul3A_790 = arith.muli %add3A_788, %mul3A_789 : i32
        %add3A_791 = arith.addi %add3A_4, %mul3A_790 : i32
        "tpu.region"() ({
          %run_scoped3A = tpu.sem_alloc : memref<!tpu.dma_semaphore, #tpu.memory_space<semaphore_mem>>
          %dma_start3A_984 = arith.constant 0 : i32
          %dma_start3A_985 = tpu.memref_slice %arg2[%add3A_791, %dma_start3A_984] : memref<16384x100xi32, #tpu.memory_space<hbm>> -> memref<16x100xi32, #tpu.memory_space<hbm>>
          %dma_start3A_986 = arith.constant 0 : i32
          %dma_start3A_987 = tpu.memref_slice %arg2[%add3A_791, %dma_start3A_986] : memref<16384x100xi32, #tpu.memory_space<hbm>> -> memref<16x100xi32, #tpu.memory_space<hbm>>
          tpu.enqueue_dma source(%dma_start3A_987 : memref<16x100xi32, #tpu.memory_space<hbm>>) target(%arg5 : memref<16x100xi32, #tpu.memory_space<vmem>>) target_semaphore(%run_scoped3A : memref<!tpu.dma_semaphore, #tpu.memory_space<semaphore_mem>>)
          %dma_wait3A_988 = arith.constant 0 : i32
          %dma_wait3A_989 = tpu.memref_slice %arg2[%add3A_791, %dma_wait3A_988] : memref<16384x100xi32, #tpu.memory_space<hbm>> -> memref<16x100xi32, #tpu.memory_space<hbm>>
          %dma_wait3A_990 = arith.constant 0 : i32
          %dma_wait3A_991 = tpu.memref_slice %arg2[%add3A_791, %dma_wait3A_990] : memref<16384x100xi32, #tpu.memory_space<hbm>> -> memref<16x100xi32, #tpu.memory_space<hbm>>
          tpu.wait_dma2 semaphore(%run_scoped3A : memref<!tpu.dma_semaphore, #tpu.memory_space<semaphore_mem>>) src(%dma_wait3A_991 : memref<16x100xi32, #tpu.memory_space<hbm>>) dst(%arg5 : memref<16x100xi32, #tpu.memory_space<vmem>>)
          tpu.yield
        }) : () -> ()
        %dma_start3A_792 = arith.constant 0 : i32
        %dma_start3A_793 = arith.constant 0 : i32
        %dma_start3A_794 = arith.constant 0 : i32
        %dma_start3A_795 = arith.constant 0 : i32
        %dma_start3A_796 = tpu.memref_slice %arg7[%dma_start3A_793, %dma_start3A_794, %dma_start3A_795] : memref<16x100x32xf32, #tpu.memory_space<vmem>> -> memref<1x100x32xf32, #tpu.memory_space<vmem>>
        %dma_start3A_797 = tpu.memref_squeeze %dma_start3A_796 : memref<1x100x32xf32, #tpu.memory_space<vmem>> -> memref<100x32xf32, #tpu.memory_space<vmem>>
        %dma_start3A_798 = arith.constant 0 : i32
        %dma_start3A_799 = tpu.memref_slice %arg5[%dma_start3A_792, %dma_start3A_798] : memref<16x100xi32, #tpu.memory_space<vmem>> -> memref<1x100xi32, #tpu.memory_space<vmem>>
        %dma_start3A_800 = tpu.memref_squeeze %dma_start3A_799 : memref<1x100xi32, #tpu.memory_space<vmem>> -> memref<100xi32, #tpu.memory_space<vmem>>
        %dma_start3A_801 = arith.constant 0 : i32
        %dma_start3A_802 = arith.constant 0 : i32
        %dma_start3A_803 = tpu.memref_slice %arg3[%dma_start3A_801, %dma_start3A_802] : memref<1000000x32xf32, #tpu.memory_space<hbm>> -> memref<1000000x32xf32, #tpu.memory_space<hbm>>
        tpu.enqueue_indirect_dma source(%dma_start3A_803 : memref<1000000x32xf32, #tpu.memory_space<hbm>>) target(%dma_start3A_797 : memref<100x32xf32, #tpu.memory_space<vmem>>) offsets(%dma_start3A_800 : memref<100xi32, #tpu.memory_space<vmem>>) semaphore(%arg9 : memref<!tpu.dma_semaphore, #tpu.memory_space<semaphore_mem>>)
        %dma_start3A_804 = arith.constant 1 : i32
        %dma_start3A_805 = arith.constant 1 : i32
        %dma_start3A_806 = arith.constant 0 : i32
        %dma_start3A_807 = arith.constant 0 : i32
        %dma_start3A_808 = tpu.memref_slice %arg7[%dma_start3A_805, %dma_start3A_806, %dma_start3A_807] : memref<16x100x32xf32, #tpu.memory_space<vmem>> -> memref<1x100x32xf32, #tpu.memory_space<vmem>>
        %dma_start3A_809 = tpu.memref_squeeze %dma_start3A_808 : memref<1x100x32xf32, #tpu.memory_space<vmem>> -> memref<100x32xf32, #tpu.memory_space<vmem>>
        %dma_start3A_810 = arith.constant 0 : i32
        %dma_start3A_811 = tpu.memref_slice %arg5[%dma_start3A_804, %dma_start3A_810] : memref<16x100xi32, #tpu.memory_space<vmem>> -> memref<1x100xi32, #tpu.memory_space<vmem>>
        %dma_start3A_812 = tpu.memref_squeeze %dma_start3A_811 : memref<1x100xi32, #tpu.memory_space<vmem>> -> memref<100xi32, #tpu.memory_space<vmem>>
        %dma_start3A_813 = arith.constant 0 : i32
        %dma_start3A_814 = arith.constant 0 : i32
        %dma_start3A_815 = tpu.memref_slice %arg3[%dma_start3A_813, %dma_start3A_814] : memref<1000000x32xf32, #tpu.memory_space<hbm>> -> memref<1000000x32xf32, #tpu.memory_space<hbm>>
        tpu.enqueue_indirect_dma source(%dma_start3A_815 : memref<1000000x32xf32, #tpu.memory_space<hbm>>) target(%dma_start3A_809 : memref<100x32xf32, #tpu.memory_space<vmem>>) offsets(%dma_start3A_812 : memref<100xi32, #tpu.memory_space<vmem>>) semaphore(%arg9 : memref<!tpu.dma_semaphore, #tpu.memory_space<semaphore_mem>>)
        %dma_start3A_816 = arith.constant 2 : i32
        %dma_start3A_817 = arith.constant 2 : i32
        %dma_start3A_818 = arith.constant 0 : i32
        %dma_start3A_819 = arith.constant 0 : i32
        %dma_start3A_820 = tpu.memref_slice %arg7[%dma_start3A_817, %dma_start3A_818, %dma_start3A_819] : memref<16x100x32xf32, #tpu.memory_space<vmem>> -> memref<1x100x32xf32, #tpu.memory_space<vmem>>
        %dma_start3A_821 = tpu.memref_squeeze %dma_start3A_820 : memref<1x100x32xf32, #tpu.memory_space<vmem>> -> memref<100x32xf32, #tpu.memory_space<vmem>>
        %dma_start3A_822 = arith.constant 0 : i32
        %dma_start3A_823 = tpu.memref_slice %arg5[%dma_start3A_816, %dma_start3A_822] : memref<16x100xi32, #tpu.memory_space<vmem>> -> memref<1x100xi32, #tpu.memory_space<vmem>>
        %dma_start3A_824 = tpu.memref_squeeze %dma_start3A_823 : memref<1x100xi32, #tpu.memory_space<vmem>> -> memref<100xi32, #tpu.memory_space<vmem>>
        %dma_start3A_825 = arith.constant 0 : i32
        %dma_start3A_826 = arith.constant 0 : i32
        %dma_start3A_827 = tpu.memref_slice %arg3[%dma_start3A_825, %dma_start3A_826] : memref<1000000x32xf32, #tpu.memory_space<hbm>> -> memref<1000000x32xf32, #tpu.memory_space<hbm>>
        tpu.enqueue_indirect_dma source(%dma_start3A_827 : memref<1000000x32xf32, #tpu.memory_space<hbm>>) target(%dma_start3A_821 : memref<100x32xf32, #tpu.memory_space<vmem>>) offsets(%dma_start3A_824 : memref<100xi32, #tpu.memory_space<vmem>>) semaphore(%arg9 : memref<!tpu.dma_semaphore, #tpu.memory_space<semaphore_mem>>)
        %dma_start3A_828 = arith.constant 3 : i32
        %dma_start3A_829 = arith.constant 3 : i32
        %dma_start3A_830 = arith.constant 0 : i32
        %dma_start3A_831 = arith.constant 0 : i32
        %dma_start3A_832 = tpu.memref_slice %arg7[%dma_start3A_829, %dma_start3A_830, %dma_start3A_831] : memref<16x100x32xf32, #tpu.memory_space<vmem>> -> memref<1x100x32xf32, #tpu.memory_space<vmem>>
        %dma_start3A_833 = tpu.memref_squeeze %dma_start3A_832 : memref<1x100x32xf32, #tpu.memory_space<vmem>> -> memref<100x32xf32, #tpu.memory_space<vmem>>
        %dma_start3A_834 = arith.constant 0 : i32
        %dma_start3A_835 = tpu.memref_slice %arg5[%dma_start3A_828, %dma_start3A_834] : memref<16x100xi32, #tpu.memory_space<vmem>> -> memref<1x100xi32, #tpu.memory_space<vmem>>
        %dma_start3A_836 = tpu.memref_squeeze %dma_start3A_835 : memref<1x100xi32, #tpu.memory_space<vmem>> -> memref<100xi32, #tpu.memory_space<vmem>>
        %dma_start3A_837 = arith.constant 0 : i32
        %dma_start3A_838 = arith.constant 0 : i32
        %dma_start3A_839 = tpu.memref_slice %arg3[%dma_start3A_837, %dma_start3A_838] : memref<1000000x32xf32, #tpu.memory_space<hbm>> -> memref<1000000x32xf32, #tpu.memory_space<hbm>>
        tpu.enqueue_indirect_dma source(%dma_start3A_839 : memref<1000000x32xf32, #tpu.memory_space<hbm>>) target(%dma_start3A_833 : memref<100x32xf32, #tpu.memory_space<vmem>>) offsets(%dma_start3A_836 : memref<100xi32, #tpu.memory_space<vmem>>) semaphore(%arg9 : memref<!tpu.dma_semaphore, #tpu.memory_space<semaphore_mem>>)
        %dma_start3A_840 = arith.constant 4 : i32
        %dma_start3A_841 = arith.constant 4 : i32
        %dma_start3A_842 = arith.constant 0 : i32
        %dma_start3A_843 = arith.constant 0 : i32
        %dma_start3A_844 = tpu.memref_slice %arg7[%dma_start3A_841, %dma_start3A_842, %dma_start3A_843] : memref<16x100x32xf32, #tpu.memory_space<vmem>> -> memref<1x100x32xf32, #tpu.memory_space<vmem>>
        %dma_start3A_845 = tpu.memref_squeeze %dma_start3A_844 : memref<1x100x32xf32, #tpu.memory_space<vmem>> -> memref<100x32xf32, #tpu.memory_space<vmem>>
        %dma_start3A_846 = arith.constant 0 : i32
        %dma_start3A_847 = tpu.memref_slice %arg5[%dma_start3A_840, %dma_start3A_846] : memref<16x100xi32, #tpu.memory_space<vmem>> -> memref<1x100xi32, #tpu.memory_space<vmem>>
        %dma_start3A_848 = tpu.memref_squeeze %dma_start3A_847 : memref<1x100xi32, #tpu.memory_space<vmem>> -> memref<100xi32, #tpu.memory_space<vmem>>
        %dma_start3A_849 = arith.constant 0 : i32
        %dma_start3A_850 = arith.constant 0 : i32
        %dma_start3A_851 = tpu.memref_slice %arg3[%dma_start3A_849, %dma_start3A_850] : memref<1000000x32xf32, #tpu.memory_space<hbm>> -> memref<1000000x32xf32, #tpu.memory_space<hbm>>
        tpu.enqueue_indirect_dma source(%dma_start3A_851 : memref<1000000x32xf32, #tpu.memory_space<hbm>>) target(%dma_start3A_845 : memref<100x32xf32, #tpu.memory_space<vmem>>) offsets(%dma_start3A_848 : memref<100xi32, #tpu.memory_space<vmem>>) semaphore(%arg9 : memref<!tpu.dma_semaphore, #tpu.memory_space<semaphore_mem>>)
        %dma_start3A_852 = arith.constant 5 : i32
        %dma_start3A_853 = arith.constant 5 : i32
        %dma_start3A_854 = arith.constant 0 : i32
        %dma_start3A_855 = arith.constant 0 : i32
        %dma_start3A_856 = tpu.memref_slice %arg7[%dma_start3A_853, %dma_start3A_854, %dma_start3A_855] : memref<16x100x32xf32, #tpu.memory_space<vmem>> -> memref<1x100x32xf32, #tpu.memory_space<vmem>>
        %dma_start3A_857 = tpu.memref_squeeze %dma_start3A_856 : memref<1x100x32xf32, #tpu.memory_space<vmem>> -> memref<100x32xf32, #tpu.memory_space<vmem>>
        %dma_start3A_858 = arith.constant 0 : i32
        %dma_start3A_859 = tpu.memref_slice %arg5[%dma_start3A_852, %dma_start3A_858] : memref<16x100xi32, #tpu.memory_space<vmem>> -> memref<1x100xi32, #tpu.memory_space<vmem>>
        %dma_start3A_860 = tpu.memref_squeeze %dma_start3A_859 : memref<1x100xi32, #tpu.memory_space<vmem>> -> memref<100xi32, #tpu.memory_space<vmem>>
        %dma_start3A_861 = arith.constant 0 : i32
        %dma_start3A_862 = arith.constant 0 : i32
        %dma_start3A_863 = tpu.memref_slice %arg3[%dma_start3A_861, %dma_start3A_862] : memref<1000000x32xf32, #tpu.memory_space<hbm>> -> memref<1000000x32xf32, #tpu.memory_space<hbm>>
        tpu.enqueue_indirect_dma source(%dma_start3A_863 : memref<1000000x32xf32, #tpu.memory_space<hbm>>) target(%dma_start3A_857 : memref<100x32xf32, #tpu.memory_space<vmem>>) offsets(%dma_start3A_860 : memref<100xi32, #tpu.memory_space<vmem>>) semaphore(%arg9 : memref<!tpu.dma_semaphore, #tpu.memory_space<semaphore_mem>>)
        %dma_start3A_864 = arith.constant 6 : i32
        %dma_start3A_865 = arith.constant 6 : i32
        %dma_start3A_866 = arith.constant 0 : i32
        %dma_start3A_867 = arith.constant 0 : i32
        %dma_start3A_868 = tpu.memref_slice %arg7[%dma_start3A_865, %dma_start3A_866, %dma_start3A_867] : memref<16x100x32xf32, #tpu.memory_space<vmem>> -> memref<1x100x32xf32, #tpu.memory_space<vmem>>
        %dma_start3A_869 = tpu.memref_squeeze %dma_start3A_868 : memref<1x100x32xf32, #tpu.memory_space<vmem>> -> memref<100x32xf32, #tpu.memory_space<vmem>>
        %dma_start3A_870 = arith.constant 0 : i32
        %dma_start3A_871 = tpu.memref_slice %arg5[%dma_start3A_864, %dma_start3A_870] : memref<16x100xi32, #tpu.memory_space<vmem>> -> memref<1x100xi32, #tpu.memory_space<vmem>>
        %dma_start3A_872 = tpu.memref_squeeze %dma_start3A_871 : memref<1x100xi32, #tpu.memory_space<vmem>> -> memref<100xi32, #tpu.memory_space<vmem>>
        %dma_start3A_873 = arith.constant 0 : i32
        %dma_start3A_874 = arith.constant 0 : i32
        %dma_start3A_875 = tpu.memref_slice %arg3[%dma_start3A_873, %dma_start3A_874] : memref<1000000x32xf32, #tpu.memory_space<hbm>> -> memref<1000000x32xf32, #tpu.memory_space<hbm>>
        tpu.enqueue_indirect_dma source(%dma_start3A_875 : memref<1000000x32xf32, #tpu.memory_space<hbm>>) target(%dma_start3A_869 : memref<100x32xf32, #tpu.memory_space<vmem>>) offsets(%dma_start3A_872 : memref<100xi32, #tpu.memory_space<vmem>>) semaphore(%arg9 : memref<!tpu.dma_semaphore, #tpu.memory_space<semaphore_mem>>)
        %dma_start3A_876 = arith.constant 7 : i32
        %dma_start3A_877 = arith.constant 7 : i32
        %dma_start3A_878 = arith.constant 0 : i32
        %dma_start3A_879 = arith.constant 0 : i32
        %dma_start3A_880 = tpu.memref_slice %arg7[%dma_start3A_877, %dma_start3A_878, %dma_start3A_879] : memref<16x100x32xf32, #tpu.memory_space<vmem>> -> memref<1x100x32xf32, #tpu.memory_space<vmem>>
        %dma_start3A_881 = tpu.memref_squeeze %dma_start3A_880 : memref<1x100x32xf32, #tpu.memory_space<vmem>> -> memref<100x32xf32, #tpu.memory_space<vmem>>
        %dma_start3A_882 = arith.constant 0 : i32
        %dma_start3A_883 = tpu.memref_slice %arg5[%dma_start3A_876, %dma_start3A_882] : memref<16x100xi32, #tpu.memory_space<vmem>> -> memref<1x100xi32, #tpu.memory_space<vmem>>
        %dma_start3A_884 = tpu.memref_squeeze %dma_start3A_883 : memref<1x100xi32, #tpu.memory_space<vmem>> -> memref<100xi32, #tpu.memory_space<vmem>>
        %dma_start3A_885 = arith.constant 0 : i32
        %dma_start3A_886 = arith.constant 0 : i32
        %dma_start3A_887 = tpu.memref_slice %arg3[%dma_start3A_885, %dma_start3A_886] : memref<1000000x32xf32, #tpu.memory_space<hbm>> -> memref<1000000x32xf32, #tpu.memory_space<hbm>>
        tpu.enqueue_indirect_dma source(%dma_start3A_887 : memref<1000000x32xf32, #tpu.memory_space<hbm>>) target(%dma_start3A_881 : memref<100x32xf32, #tpu.memory_space<vmem>>) offsets(%dma_start3A_884 : memref<100xi32, #tpu.memory_space<vmem>>) semaphore(%arg9 : memref<!tpu.dma_semaphore, #tpu.memory_space<semaphore_mem>>)
        %dma_start3A_888 = arith.constant 8 : i32
        %dma_start3A_889 = arith.constant 8 : i32
        %dma_start3A_890 = arith.constant 0 : i32
        %dma_start3A_891 = arith.constant 0 : i32
        %dma_start3A_892 = tpu.memref_slice %arg7[%dma_start3A_889, %dma_start3A_890, %dma_start3A_891] : memref<16x100x32xf32, #tpu.memory_space<vmem>> -> memref<1x100x32xf32, #tpu.memory_space<vmem>>
        %dma_start3A_893 = tpu.memref_squeeze %dma_start3A_892 : memref<1x100x32xf32, #tpu.memory_space<vmem>> -> memref<100x32xf32, #tpu.memory_space<vmem>>
        %dma_start3A_894 = arith.constant 0 : i32
        %dma_start3A_895 = tpu.memref_slice %arg5[%dma_start3A_888, %dma_start3A_894] : memref<16x100xi32, #tpu.memory_space<vmem>> -> memref<1x100xi32, #tpu.memory_space<vmem>>
        %dma_start3A_896 = tpu.memref_squeeze %dma_start3A_895 : memref<1x100xi32, #tpu.memory_space<vmem>> -> memref<100xi32, #tpu.memory_space<vmem>>
        %dma_start3A_897 = arith.constant 0 : i32
        %dma_start3A_898 = arith.constant 0 : i32
        %dma_start3A_899 = tpu.memref_slice %arg3[%dma_start3A_897, %dma_start3A_898] : memref<1000000x32xf32, #tpu.memory_space<hbm>> -> memref<1000000x32xf32, #tpu.memory_space<hbm>>
        tpu.enqueue_indirect_dma source(%dma_start3A_899 : memref<1000000x32xf32, #tpu.memory_space<hbm>>) target(%dma_start3A_893 : memref<100x32xf32, #tpu.memory_space<vmem>>) offsets(%dma_start3A_896 : memref<100xi32, #tpu.memory_space<vmem>>) semaphore(%arg9 : memref<!tpu.dma_semaphore, #tpu.memory_space<semaphore_mem>>)
        %dma_start3A_900 = arith.constant 9 : i32
        %dma_start3A_901 = arith.constant 9 : i32
        %dma_start3A_902 = arith.constant 0 : i32
        %dma_start3A_903 = arith.constant 0 : i32
        %dma_start3A_904 = tpu.memref_slice %arg7[%dma_start3A_901, %dma_start3A_902, %dma_start3A_903] : memref<16x100x32xf32, #tpu.memory_space<vmem>> -> memref<1x100x32xf32, #tpu.memory_space<vmem>>
        %dma_start3A_905 = tpu.memref_squeeze %dma_start3A_904 : memref<1x100x32xf32, #tpu.memory_space<vmem>> -> memref<100x32xf32, #tpu.memory_space<vmem>>
        %dma_start3A_906 = arith.constant 0 : i32
        %dma_start3A_907 = tpu.memref_slice %arg5[%dma_start3A_900, %dma_start3A_906] : memref<16x100xi32, #tpu.memory_space<vmem>> -> memref<1x100xi32, #tpu.memory_space<vmem>>
        %dma_start3A_908 = tpu.memref_squeeze %dma_start3A_907 : memref<1x100xi32, #tpu.memory_space<vmem>> -> memref<100xi32, #tpu.memory_space<vmem>>
        %dma_start3A_909 = arith.constant 0 : i32
        %dma_start3A_910 = arith.constant 0 : i32
        %dma_start3A_911 = tpu.memref_slice %arg3[%dma_start3A_909, %dma_start3A_910] : memref<1000000x32xf32, #tpu.memory_space<hbm>> -> memref<1000000x32xf32, #tpu.memory_space<hbm>>
        tpu.enqueue_indirect_dma source(%dma_start3A_911 : memref<1000000x32xf32, #tpu.memory_space<hbm>>) target(%dma_start3A_905 : memref<100x32xf32, #tpu.memory_space<vmem>>) offsets(%dma_start3A_908 : memref<100xi32, #tpu.memory_space<vmem>>) semaphore(%arg9 : memref<!tpu.dma_semaphore, #tpu.memory_space<semaphore_mem>>)
        %dma_start3A_912 = arith.constant 10 : i32
        %dma_start3A_913 = arith.constant 10 : i32
        %dma_start3A_914 = arith.constant 0 : i32
        %dma_start3A_915 = arith.constant 0 : i32
        %dma_start3A_916 = tpu.memref_slice %arg7[%dma_start3A_913, %dma_start3A_914, %dma_start3A_915] : memref<16x100x32xf32, #tpu.memory_space<vmem>> -> memref<1x100x32xf32, #tpu.memory_space<vmem>>
        %dma_start3A_917 = tpu.memref_squeeze %dma_start3A_916 : memref<1x100x32xf32, #tpu.memory_space<vmem>> -> memref<100x32xf32, #tpu.memory_space<vmem>>
        %dma_start3A_918 = arith.constant 0 : i32
        %dma_start3A_919 = tpu.memref_slice %arg5[%dma_start3A_912, %dma_start3A_918] : memref<16x100xi32, #tpu.memory_space<vmem>> -> memref<1x100xi32, #tpu.memory_space<vmem>>
        %dma_start3A_920 = tpu.memref_squeeze %dma_start3A_919 : memref<1x100xi32, #tpu.memory_space<vmem>> -> memref<100xi32, #tpu.memory_space<vmem>>
        %dma_start3A_921 = arith.constant 0 : i32
        %dma_start3A_922 = arith.constant 0 : i32
        %dma_start3A_923 = tpu.memref_slice %arg3[%dma_start3A_921, %dma_start3A_922] : memref<1000000x32xf32, #tpu.memory_space<hbm>> -> memref<1000000x32xf32, #tpu.memory_space<hbm>>
        tpu.enqueue_indirect_dma source(%dma_start3A_923 : memref<1000000x32xf32, #tpu.memory_space<hbm>>) target(%dma_start3A_917 : memref<100x32xf32, #tpu.memory_space<vmem>>) offsets(%dma_start3A_920 : memref<100xi32, #tpu.memory_space<vmem>>) semaphore(%arg9 : memref<!tpu.dma_semaphore, #tpu.memory_space<semaphore_mem>>)
        %dma_start3A_924 = arith.constant 11 : i32
        %dma_start3A_925 = arith.constant 11 : i32
        %dma_start3A_926 = arith.constant 0 : i32
        %dma_start3A_927 = arith.constant 0 : i32
        %dma_start3A_928 = tpu.memref_slice %arg7[%dma_start3A_925, %dma_start3A_926, %dma_start3A_927] : memref<16x100x32xf32, #tpu.memory_space<vmem>> -> memref<1x100x32xf32, #tpu.memory_space<vmem>>
        %dma_start3A_929 = tpu.memref_squeeze %dma_start3A_928 : memref<1x100x32xf32, #tpu.memory_space<vmem>> -> memref<100x32xf32, #tpu.memory_space<vmem>>
        %dma_start3A_930 = arith.constant 0 : i32
        %dma_start3A_931 = tpu.memref_slice %arg5[%dma_start3A_924, %dma_start3A_930] : memref<16x100xi32, #tpu.memory_space<vmem>> -> memref<1x100xi32, #tpu.memory_space<vmem>>
        %dma_start3A_932 = tpu.memref_squeeze %dma_start3A_931 : memref<1x100xi32, #tpu.memory_space<vmem>> -> memref<100xi32, #tpu.memory_space<vmem>>
        %dma_start3A_933 = arith.constant 0 : i32
        %dma_start3A_934 = arith.constant 0 : i32
        %dma_start3A_935 = tpu.memref_slice %arg3[%dma_start3A_933, %dma_start3A_934] : memref<1000000x32xf32, #tpu.memory_space<hbm>> -> memref<1000000x32xf32, #tpu.memory_space<hbm>>
        tpu.enqueue_indirect_dma source(%dma_start3A_935 : memref<1000000x32xf32, #tpu.memory_space<hbm>>) target(%dma_start3A_929 : memref<100x32xf32, #tpu.memory_space<vmem>>) offsets(%dma_start3A_932 : memref<100xi32, #tpu.memory_space<vmem>>) semaphore(%arg9 : memref<!tpu.dma_semaphore, #tpu.memory_space<semaphore_mem>>)
        %dma_start3A_936 = arith.constant 12 : i32
        %dma_start3A_937 = arith.constant 12 : i32
        %dma_start3A_938 = arith.constant 0 : i32
        %dma_start3A_939 = arith.constant 0 : i32
        %dma_start3A_940 = tpu.memref_slice %arg7[%dma_start3A_937, %dma_start3A_938, %dma_start3A_939] : memref<16x100x32xf32, #tpu.memory_space<vmem>> -> memref<1x100x32xf32, #tpu.memory_space<vmem>>
        %dma_start3A_941 = tpu.memref_squeeze %dma_start3A_940 : memref<1x100x32xf32, #tpu.memory_space<vmem>> -> memref<100x32xf32, #tpu.memory_space<vmem>>
        %dma_start3A_942 = arith.constant 0 : i32
        %dma_start3A_943 = tpu.memref_slice %arg5[%dma_start3A_936, %dma_start3A_942] : memref<16x100xi32, #tpu.memory_space<vmem>> -> memref<1x100xi32, #tpu.memory_space<vmem>>
        %dma_start3A_944 = tpu.memref_squeeze %dma_start3A_943 : memref<1x100xi32, #tpu.memory_space<vmem>> -> memref<100xi32, #tpu.memory_space<vmem>>
        %dma_start3A_945 = arith.constant 0 : i32
        %dma_start3A_946 = arith.constant 0 : i32
        %dma_start3A_947 = tpu.memref_slice %arg3[%dma_start3A_945, %dma_start3A_946] : memref<1000000x32xf32, #tpu.memory_space<hbm>> -> memref<1000000x32xf32, #tpu.memory_space<hbm>>
        tpu.enqueue_indirect_dma source(%dma_start3A_947 : memref<1000000x32xf32, #tpu.memory_space<hbm>>) target(%dma_start3A_941 : memref<100x32xf32, #tpu.memory_space<vmem>>) offsets(%dma_start3A_944 : memref<100xi32, #tpu.memory_space<vmem>>) semaphore(%arg9 : memref<!tpu.dma_semaphore, #tpu.memory_space<semaphore_mem>>)
        %dma_start3A_948 = arith.constant 13 : i32
        %dma_start3A_949 = arith.constant 13 : i32
        %dma_start3A_950 = arith.constant 0 : i32
        %dma_start3A_951 = arith.constant 0 : i32
        %dma_start3A_952 = tpu.memref_slice %arg7[%dma_start3A_949, %dma_start3A_950, %dma_start3A_951] : memref<16x100x32xf32, #tpu.memory_space<vmem>> -> memref<1x100x32xf32, #tpu.memory_space<vmem>>
        %dma_start3A_953 = tpu.memref_squeeze %dma_start3A_952 : memref<1x100x32xf32, #tpu.memory_space<vmem>> -> memref<100x32xf32, #tpu.memory_space<vmem>>
        %dma_start3A_954 = arith.constant 0 : i32
        %dma_start3A_955 = tpu.memref_slice %arg5[%dma_start3A_948, %dma_start3A_954] : memref<16x100xi32, #tpu.memory_space<vmem>> -> memref<1x100xi32, #tpu.memory_space<vmem>>
        %dma_start3A_956 = tpu.memref_squeeze %dma_start3A_955 : memref<1x100xi32, #tpu.memory_space<vmem>> -> memref<100xi32, #tpu.memory_space<vmem>>
        %dma_start3A_957 = arith.constant 0 : i32
        %dma_start3A_958 = arith.constant 0 : i32
        %dma_start3A_959 = tpu.memref_slice %arg3[%dma_start3A_957, %dma_start3A_958] : memref<1000000x32xf32, #tpu.memory_space<hbm>> -> memref<1000000x32xf32, #tpu.memory_space<hbm>>
        tpu.enqueue_indirect_dma source(%dma_start3A_959 : memref<1000000x32xf32, #tpu.memory_space<hbm>>) target(%dma_start3A_953 : memref<100x32xf32, #tpu.memory_space<vmem>>) offsets(%dma_start3A_956 : memref<100xi32, #tpu.memory_space<vmem>>) semaphore(%arg9 : memref<!tpu.dma_semaphore, #tpu.memory_space<semaphore_mem>>)
        %dma_start3A_960 = arith.constant 14 : i32
        %dma_start3A_961 = arith.constant 14 : i32
        %dma_start3A_962 = arith.constant 0 : i32
        %dma_start3A_963 = arith.constant 0 : i32
        %dma_start3A_964 = tpu.memref_slice %arg7[%dma_start3A_961, %dma_start3A_962, %dma_start3A_963] : memref<16x100x32xf32, #tpu.memory_space<vmem>> -> memref<1x100x32xf32, #tpu.memory_space<vmem>>
        %dma_start3A_965 = tpu.memref_squeeze %dma_start3A_964 : memref<1x100x32xf32, #tpu.memory_space<vmem>> -> memref<100x32xf32, #tpu.memory_space<vmem>>
        %dma_start3A_966 = arith.constant 0 : i32
        %dma_start3A_967 = tpu.memref_slice %arg5[%dma_start3A_960, %dma_start3A_966] : memref<16x100xi32, #tpu.memory_space<vmem>> -> memref<1x100xi32, #tpu.memory_space<vmem>>
        %dma_start3A_968 = tpu.memref_squeeze %dma_start3A_967 : memref<1x100xi32, #tpu.memory_space<vmem>> -> memref<100xi32, #tpu.memory_space<vmem>>
        %dma_start3A_969 = arith.constant 0 : i32
        %dma_start3A_970 = arith.constant 0 : i32
        %dma_start3A_971 = tpu.memref_slice %arg3[%dma_start3A_969, %dma_start3A_970] : memref<1000000x32xf32, #tpu.memory_space<hbm>> -> memref<1000000x32xf32, #tpu.memory_space<hbm>>
        tpu.enqueue_indirect_dma source(%dma_start3A_971 : memref<1000000x32xf32, #tpu.memory_space<hbm>>) target(%dma_start3A_965 : memref<100x32xf32, #tpu.memory_space<vmem>>) offsets(%dma_start3A_968 : memref<100xi32, #tpu.memory_space<vmem>>) semaphore(%arg9 : memref<!tpu.dma_semaphore, #tpu.memory_space<semaphore_mem>>)
        %dma_start3A_972 = arith.constant 15 : i32
        %dma_start3A_973 = arith.constant 15 : i32
        %dma_start3A_974 = arith.constant 0 : i32
        %dma_start3A_975 = arith.constant 0 : i32
        %dma_start3A_976 = tpu.memref_slice %arg7[%dma_start3A_973, %dma_start3A_974, %dma_start3A_975] : memref<16x100x32xf32, #tpu.memory_space<vmem>> -> memref<1x100x32xf32, #tpu.memory_space<vmem>>
        %dma_start3A_977 = tpu.memref_squeeze %dma_start3A_976 : memref<1x100x32xf32, #tpu.memory_space<vmem>> -> memref<100x32xf32, #tpu.memory_space<vmem>>
        %dma_start3A_978 = arith.constant 0 : i32
        %dma_start3A_979 = tpu.memref_slice %arg5[%dma_start3A_972, %dma_start3A_978] : memref<16x100xi32, #tpu.memory_space<vmem>> -> memref<1x100xi32, #tpu.memory_space<vmem>>
        %dma_start3A_980 = tpu.memref_squeeze %dma_start3A_979 : memref<1x100xi32, #tpu.memory_space<vmem>> -> memref<100xi32, #tpu.memory_space<vmem>>
        %dma_start3A_981 = arith.constant 0 : i32
        %dma_start3A_982 = arith.constant 0 : i32
        %dma_start3A_983 = tpu.memref_slice %arg3[%dma_start3A_981, %dma_start3A_982] : memref<1000000x32xf32, #tpu.memory_space<hbm>> -> memref<1000000x32xf32, #tpu.memory_space<hbm>>
        tpu.enqueue_indirect_dma source(%dma_start3A_983 : memref<1000000x32xf32, #tpu.memory_space<hbm>>) target(%dma_start3A_977 : memref<100x32xf32, #tpu.memory_space<vmem>>) offsets(%dma_start3A_980 : memref<100xi32, #tpu.memory_space<vmem>>) semaphore(%arg9 : memref<!tpu.dma_semaphore, #tpu.memory_space<semaphore_mem>>)
      } else {
      }
    }
    %scan3A_202 = arith.constant 8 : i32
    %scan3A_203 = arith.constant 0 : i32
    %scan3A_204 = arith.constant 0 : i32
    %scan3A_205 = arith.constant 100 : i32
    %scan3A_206 = arith.addi %scan3A_204, %scan3A_205 : i32
    %scan3A_207 = arith.constant 1 : i32
    scf.for %scan3A_215 = %scan3A_204 to %scan3A_206 step %scan3A_207  : i32 {
      %dma_wait3A = arith.constant 0 : i32
      %dma_wait3A_216 = arith.constant 0 : i32
      %dma_wait3A_217 = arith.constant 0 : i32
      %dma_wait3A_218 = tpu.memref_slice %arg7[%dma_wait3A_216, %dma_wait3A, %dma_wait3A_217] : memref<16x100x32xf32, #tpu.memory_space<vmem>> -> memref<16x1x32xf32, #tpu.memory_space<vmem>>
      %dma_wait3A_219 = tpu.memref_squeeze %dma_wait3A_218 : memref<16x1x32xf32, #tpu.memory_space<vmem>> -> memref<16x32xf32, #tpu.memory_space<vmem>>
      %dma_wait3A_220 = arith.constant 0 : i32
      %dma_wait3A_221 = arith.constant 0 : i32
      %dma_wait3A_222 = tpu.memref_slice %arg4[%dma_wait3A_220, %dma_wait3A_221] : memref<204800x128xf32, #tpu.memory_space<hbm>> -> memref<16x32xf32, #tpu.memory_space<hbm>>
      %dma_wait3A_223 = arith.constant 0 : i32
      %dma_wait3A_224 = arith.constant 0 : i32
      %dma_wait3A_225 = tpu.memref_slice %arg4[%dma_wait3A_223, %dma_wait3A_224] : memref<204800x128xf32, #tpu.memory_space<hbm>> -> memref<16x32xf32, #tpu.memory_space<hbm>>
      %dma_wait3A_226 = arith.constant 0 : i32
      %dma_wait3A_227 = arith.constant 0 : i32
      %dma_wait3A_228 = tpu.memref_slice %arg7[%dma_wait3A_226, %dma_wait3A, %dma_wait3A_227] : memref<16x100x32xf32, #tpu.memory_space<vmem>> -> memref<16x1x32xf32, #tpu.memory_space<vmem>>
      %dma_wait3A_229 = tpu.memref_squeeze %dma_wait3A_228 : memref<16x1x32xf32, #tpu.memory_space<vmem>> -> memref<16x32xf32, #tpu.memory_space<vmem>>
      tpu.wait_dma2 semaphore(%arg11 : memref<!tpu.dma_semaphore, #tpu.memory_space<semaphore_mem>>) src(%dma_wait3A_229 : memref<16x32xf32, #tpu.memory_space<vmem>>) dst(%dma_wait3A_225 : memref<16x32xf32, #tpu.memory_space<hbm>>)
    }
    %scan3A_208 = arith.constant 100 : i32
    %scan3A_209 = arith.constant 0 : i32
    %scan3A_210 = arith.constant 0 : i32
    %scan3A_211 = arith.constant 100 : i32
    %scan3A_212 = arith.addi %scan3A_210, %scan3A_211 : i32
    %scan3A_213 = arith.constant 1 : i32
    scf.for %scan3A_215 = %scan3A_210 to %scan3A_212 step %scan3A_213  : i32 {
      %dma_wait3A = arith.constant 0 : i32
      %dma_wait3A_216 = arith.constant 0 : i32
      %dma_wait3A_217 = arith.constant 0 : i32
      %dma_wait3A_218 = tpu.memref_slice %arg8[%dma_wait3A_216, %dma_wait3A, %dma_wait3A_217] : memref<16x100x32xf32, #tpu.memory_space<vmem>> -> memref<16x1x32xf32, #tpu.memory_space<vmem>>
      %dma_wait3A_219 = tpu.memref_squeeze %dma_wait3A_218 : memref<16x1x32xf32, #tpu.memory_space<vmem>> -> memref<16x32xf32, #tpu.memory_space<vmem>>
      %dma_wait3A_220 = arith.constant 0 : i32
      %dma_wait3A_221 = arith.constant 0 : i32
      %dma_wait3A_222 = tpu.memref_slice %arg4[%dma_wait3A_220, %dma_wait3A_221] : memref<204800x128xf32, #tpu.memory_space<hbm>> -> memref<16x32xf32, #tpu.memory_space<hbm>>
      %dma_wait3A_223 = arith.constant 0 : i32
      %dma_wait3A_224 = arith.constant 0 : i32
      %dma_wait3A_225 = tpu.memref_slice %arg4[%dma_wait3A_223, %dma_wait3A_224] : memref<204800x128xf32, #tpu.memory_space<hbm>> -> memref<16x32xf32, #tpu.memory_space<hbm>>
      %dma_wait3A_226 = arith.constant 0 : i32
      %dma_wait3A_227 = arith.constant 0 : i32
      %dma_wait3A_228 = tpu.memref_slice %arg8[%dma_wait3A_226, %dma_wait3A, %dma_wait3A_227] : memref<16x100x32xf32, #tpu.memory_space<vmem>> -> memref<16x1x32xf32, #tpu.memory_space<vmem>>
      %dma_wait3A_229 = tpu.memref_squeeze %dma_wait3A_228 : memref<16x1x32xf32, #tpu.memory_space<vmem>> -> memref<16x32xf32, #tpu.memory_space<vmem>>
      tpu.wait_dma2 semaphore(%arg12 : memref<!tpu.dma_semaphore, #tpu.memory_space<semaphore_mem>>) src(%dma_wait3A_229 : memref<16x32xf32, #tpu.memory_space<vmem>>) dst(%dma_wait3A_225 : memref<16x32xf32, #tpu.memory_space<hbm>>)
    }
    %scan3A_214 = arith.constant 100 : i32
    return
  }
}

</mosaic_0001>

<sc_bundles>
// kernel: sc_gather_0.3.cloned.1.call-start
scs
__scs_entry_jumppad:
0x0: {  	(pc) =	sbr.rel $0x88, $3  }
0x1: {  	(tag) =	ssettag $0x0;
	lr =	simm.s32 $0x1  }
0x2: {  	[smem:$0x3F9F] =	sst lr;
	_ =	strace $0xD0000000  }
0x3: {  	_ = 	snop  }
0x4: {  	_ = 	snop  }
0x5: {  	_ = 	snop  }
0x6: {  	_ = 	snop  }
0x7: {  	_ = 	snop  }
__scs_overlays_trampoline_lowered:
0x8: {  	[smem:$0x3FAE] =	sst s0  }
0x9: {  	[smem:$0x3FAF] =	sst s1  }
0xa: {  	[smem:$0x3FB0] =	sst s2  }
0xb: {  	[smem:$0x3FB1] =	sst s3  }
0xc: {  	[smem:$0x3FB2] =	sst s4  }
0xd: {  	[smem:$0x3FB3] =	sst s5  }
0xe: {  	[smem:$0x3FB4] =	sst s6  }
0xf: {  	[smem:$0x3FB5] =	sst s7  }
0x10: {  	[smem:$0x3FB6] =	sst s8  }
0x11: {  	[smem:$0x3FB7] =	sst s9;
	s0 =	simm.s32 @!p0 $0x0  }
0x12: {  	s1 =	sld [smem:$0x3F9D];
	s0 =	simm.s32 @p0 $0x1  }
0x13: {  	[smem:$0x3FB8] =	sst s0;
	s0 =	simm.s32 @!p1 $0x0  }
0x14: {  	s2 =	sld [smem:$0x3F9C];
	s0 =	simm.s32 @p1 $0x1  }
0x15: {  	[smem:$0x3FB9] =	sst s0;
	s0 =	simm.s32 @!p2 $0x0  }
0x16: {  	s3 =	sld [smem:$0x3FDB];
	s0 =	simm.s32 @p2 $0x1  }
0x17: {  	s4 =	simm.s32 $0x1BF5;
	[smem:$0x3FBB] =	sst s0  }
0x18: {  	s0 =	sld [smem:$0x3F9E];
	_ =	swait.ge [sflag:s4], $0x0  }
0x19: {  	s7 =	sld [smem:$0x3F9F]  }
0x1a: {  	s8 =	sadd.s32 $0xFFFFE003, lr  }
0x1b: {  	s9 =	sadd.s32 $0xFFFFFEF7, lr;
	s5 =	simm.s32 $0xFFFFFFFF;
	p2 =	slt.u32 s8, $0xFFFFF086  }
0x1c: {  	p1 =	slt.u32 s9, $0xF7A;
	s5 =	simm.s32 @!p2 $0x0  }
0x1d: {  	s5 =	simm.s32 @p1 $0x1;
	p0 =	seq.s32 s7, s2  }
0x1e: {  	s7 =	smul.u32 @!p0 $0xF7A, s2;
	p2 =	seq.s32 @!p0 s5, $0x0  }
0x1f: {  	s9 =	smul.u32 $0xF7A, s1;
	s8 =	simm.s32 @!p0 $0x1BF5;
	p2 =	por !p2, p0  }
0x20: {  	[sflag:s8] =	ssyncset.s32 @!p0 $0xFFFFF086;
	s6 =	sadd.s32 @!p0 s3, s7;
	s7 =	simm.s32 @!p0 $0x108  }
0x21: {  	s3 =	sadd.s32 s3, s9;
	s6 =	sadd.s32 @!p0 $0x88, s6;
	s7 =	simm.s32 @p2 $0x1082  }
0x22: {  	[simem:s7], [sflag:s8] =	dma.local @!p0 [hbm:s6], $0xF7A  }
0x23: {  	s9 =	sor.u32 $0xD0000000, s2;
	s6 =	simm.s32 $0x108;
	_ =	swait.ge @!p0 [sflag:s8], $0x0  }
0x24: {  	s3 =	sadd.s32 $0x88, s3;
	s6 =	simm.s32 @!p1 $0x1082;
	[sflag:s4] =	ssyncset.s32 $0xFFFFF086  }
0x25: {  	[simem:s6], [sflag:s4] =	dma.local [hbm:s3], $0xF7A  }
0x26: {  	[smem:$0x3F9F] =	sst s1;
	(tag) =	ssettag s2;
	_ =	strace s9  }
0x27: {  	s1 =	sld [smem:$0x3FAF]  }
0x28: {  	s2 =	sld [smem:$0x3FB0]  }
0x29: {  	s4 =	sld [smem:$0x3FB2]  }
0x2a: {  	p0 =	seq.s32 s5, $0x0;
	s5 =	sld [smem:$0x3FB3]  }
0x2b: {  	s6 =	sld [smem:$0x3FB4]  }
0x2c: {  	s7 =	sld [smem:$0x3FB5]  }
0x2d: {  	s3 =	simm.s32 $0x108;
	s8 =	sld [smem:$0x3FB6]  }
0x2e: {  	s3 =	simm.s32 @!p0 $0x1082;
	s9 =	sld [smem:$0x3FB7]  }
0x2f: {  	lr =	sadd.s32 s0, s3;
	s0 =	sld [smem:$0x3FAE]  }
0x30: {  	s3 =	sld [smem:$0x3FB1]  }
0x31: {  	[smem:$0x3FBA] =	sst s10  }
0x32: {  	s10 =	sld [smem:$0x3FB8];
	_ =	sdelay $0x3  }
0x33: {  	p0 =	seq.s32 s10, $0x1;
	s10 =	sld [smem:$0x3FBA];
	_ =	sdelay $0x3  }
0x34: {  	[smem:$0x3FBA] =	sst s10  }
0x35: {  	s10 =	sld [smem:$0x3FB9];
	_ =	sdelay $0x3  }
0x36: {  	p1 =	seq.s32 s10, $0x1;
	s10 =	sld [smem:$0x3FBA];
	_ =	sdelay $0x3  }
0x37: {  	[smem:$0x3FBA] =	sst s10  }
0x38: {  	s10 =	sld [smem:$0x3FBB]  }
0x39: {  	_ = 	snop;
	(pc) =	sbr.ind lr, $3  }
0x3a: {  	_ = 	snop  }
0x3b: {  	_ = 	snop  }
0x3c: {  	p2 =	seq.s32 s10, $0x1;
	s10 =	sld [smem:$0x3FBA]  }
0x3d: {  	_ =	shalt  }
0x3e: {  	_ =	shalt  }
0x3f: {  	_ =	shalt  }
0x40: {  	_ =	shalt  }
0x41: {  	_ =	shalt  }
0x42: {  	_ =	shalt  }
0x43: {  	_ =	shalt  }
0x44: {  	_ =	shalt  }
0x45: {  	_ =	shalt  }
0x46: {  	_ =	shalt  }
0x47: {  	_ =	shalt  }
0x48: {  	_ =	shalt  }
0x49: {  	_ =	shalt  }
0x4a: {  	_ =	shalt  }
0x4b: {  	_ =	shalt  }
0x4c: {  	_ =	shalt  }
0x4d: {  	_ =	shalt  }
0x4e: {  	_ =	shalt  }
0x4f: {  	_ =	shalt  }
0x50: {  	_ =	shalt  }
0x51: {  	_ =	shalt  }
0x52: {  	_ =	shalt  }
0x53: {  	_ =	shalt  }
0x54: {  	_ =	shalt  }
0x55: {  	_ =	shalt  }
0x56: {  	_ =	shalt  }
0x57: {  	_ =	shalt  }
0x58: {  	_ =	shalt  }
0x59: {  	_ =	shalt  }
0x5a: {  	_ =	shalt  }
0x5b: {  	_ =	shalt  }
0x5c: {  	_ =	shalt  }
0x5d: {  	_ =	shalt  }
0x5e: {  	_ =	shalt  }
0x5f: {  	_ =	shalt  }
0x60: {  	_ =	shalt  }
0x61: {  	_ =	shalt  }
0x62: {  	_ =	shalt  }
0x63: {  	_ =	shalt  }
0x64: {  	_ =	shalt  }
0x65: {  	_ =	shalt  }
0x66: {  	_ =	shalt  }
0x67: {  	_ =	shalt  }
0x68: {  	_ =	shalt  }
0x69: {  	_ =	shalt  }
0x6a: {  	_ =	shalt  }
0x6b: {  	_ =	shalt  }
0x6c: {  	_ =	shalt  }
0x6d: {  	_ =	shalt  }
0x6e: {  	_ =	shalt  }
0x6f: {  	_ =	shalt  }
0x70: {  	_ =	shalt  }
0x71: {  	_ =	shalt  }
0x72: {  	_ =	shalt  }
0x73: {  	_ =	shalt  }
0x74: {  	_ =	shalt  }
0x75: {  	_ =	shalt  }
0x76: {  	_ =	shalt  }
0x77: {  	_ =	shalt  }
0x78: {  	_ =	shalt  }
0x79: {  	_ =	shalt  }
0x7a: {  	_ =	shalt  }
0x7b: {  	_ =	shalt  }
0x7c: {  	_ =	shalt  }
0x7d: {  	_ =	shalt  }
0x7e: {  	_ =	shalt  }
0x7f: {  	_ =	shalt  }
0x80: {  	_ =	shalt  }
0x81: {  	_ =	shalt  }
0x82: {  	_ =	shalt  }
0x83: {  	_ =	shalt  }
0x84: {  	_ =	shalt  }
0x85: {  	_ =	shalt  }
0x86: {  	_ =	shalt  }
0x87: {  	_ =	shalt  }
.Lfunc_end0:
.L_simem_size_0:
called_computation_lowered:
.L_overlay_start_0:
0x88: {  	s2 =	sld [smem:$0x3FD9]  }
0x89: {  	s3 =	sld [smem:$0x3FFE];
	_ =	sdelay $0x1  }
0x8a: {  	s1 =	srdreg.scid  }
0x8b: {  	s0 =	sand.u32 $0x1, s1  }
0x8c: {  	s17 =	sshll.u32 s0, $0xA;
	s2 =	sadd.s32 s3, s2  }
0x8d: {  	s2 =	sadd.s32 s2, s17  }
0x8e: {  	[smem:$0x3FC6] =	sst s2  }
0x8f: {  	_ = 	snop  }
0x90: {  	s2 =	sld [smem:$0x3FD0];
	(tm) =	ssettm $0x1  }
0x91: {  	s18 =	sld [smem:$0x3FFB];
	_ =	sdelay $0x3  }
0x92: {  	_ =	strace s18  }
0x93: {  	s3 =	sld [smem:$0x3FFC];
	_ =	sdelay $0x3  }
0x94: {  	_ =	strace s3  }
0x95: {  	s3 =	sld [smem:$0x3FFD];
	_ =	sdelay $0x3  }
0x96: {  	_ =	strace s3  }
0x97: {  	_ =	strace $0x8FFFFFFF  }
0x98: {  	s19 =	sld [smem:$0x3FDB];
	_ =	sdelay $0x1  }
0x99: {  	s4 =	simm.s32 $_scs_section_size  }
0x9a: {  	s5 =	simm.s32 $_size__tile_overlayer_lowered;
	s6 =	simm.s32 $_tile_overlayer_lowered  }
0x9b: {  	s22 =	simm.s32 $0x1BFF;
	s21 =	sshll.u32 s6, $0x1;
	s3 =	sadd.s32 s4, s19  }
0x9c: {  	s7 =	simm.s32 $0x0;
	s20 =	sshll.u32 s5, $0x1;
	s5 =	sadd.s32 s21, s3  }
0x9d: {  	[timem:s7], [sflag:s22] =	dma.local [hbm:s5], s20  }
0x9e: {  	_ =	swait.ge [sflag:s22], s20  }
0x9f: {  	s4 =	ssub.s32 $0x0, s20;
	[sflag:s22] =	ssyncset.done $0x0  }
0xa0: {  	[sflag:s22] =	ssyncadd.s32 s4;
	_ =	sdelay $0x1  }
0xa1: {  	s23 =	simm.s32 $0x1B8B  }
0xa2: {  	_ =	swait.ge [sflag:s23], $0x1  }
0xa3: {  	[sflag:s23] =	ssyncset.done $0x0  }
0xa4: {  	s25 =	simm.s32 $0x1B8E;
	s24 =	sld [smem:$0x3FFE];
	[sflag:s23] =	ssyncadd.s32 $0xFFFFFFFF  }
0xa5: {  	s26 =	simm.s32 $execute0_lowered;
	[smem:$0x3FD2] =	sst s25  }
0xa6: {  	s5 =	sshll.u32 s26, $0x1;
	_ =	strace $0x80000046;
	[dreg:$0x1] =	wrdreg $0xFFFFFFFF  }
0xa7: {  	s28 =	simm.s32 $_size_execute0_lowered;
	s3 =	sadd.s32 s3, s5;
	[dreg:$0x0] =	wrdreg $0x0  }
0xa8: {  	s5 =	sshll.u32 s28, $0x1;
	[dreg:$0x2] =	wrdreg s3  }
0xa9: {  	[dreg:$0x3] =	wrdreg s5  }
0xaa: {  	[dreg:$0x4] =	wrdreg $0xC0  }
0xab: {  	_ =	task [dreg:s7], $0x5FFFF  }
0xac: {  	[dreg:$0x1] =	wrdreg $0xFFFFFFFF  }
0xad: {  	[dreg:$0x0] =	wrdreg $0x60  }
0xae: {  	[dreg:$0x2] =	wrdreg s24  }
0xaf: {  	[dreg:$0x3] =	wrdreg s2  }
0xb0: {  	[dreg:$0x4] =	wrdreg $0x9  }
0xb1: {  	_ =	task.clear_ibuf [dreg:s7], $0x5FFFF;
	_ =	strace $0x90000046  }
0xb2: {  	s29 =	simm.s32 $0x9;
	_ =	strace $0x80000048  }
0xb3: {  	_ =	swait.ge [sflag:s29], $0x1  }
0xb4: {  	[sflag:s29] =	ssyncadd.s32 $0xFFFFFFFF  }
0xb5: {  	_ =	strace $0x90000048  }
0xb6: {  	_ =	sfence  }
0xb7: {  	s30 =	sld [smem:$0x0];
	_ =	sdelay $0x2  }
0xb8: {  	s31 =	sshll.u32 s1, $0xD;
	s1 =	sshrl.u32 s1, $0x2  }
0xb9: {  	s3 =	sand.u32 $0x4000, s31;
	s1 =	sadd.s32 s1, s30  }
0xba: {  	s0 =	sor.u32 s3, s0;
	s1 =	sshll.u32 s1, $0x11  }
0xbb: {  	s0 =	sor.u32 s1, s0  }
0xbc: {  	s0 =	sadd.s32 $0x8F2B, s0  }
0xbd: {  	[sflag:s0] =	ssyncadd.remote.s32 $0x1  }
0xbe: {  	_ =	sfence.sel $0xFFFF  }
0xbf: {  	[dreg:$0x0] =	wrdreg $0xFFFFFFFF;
	(pc) =	sbr.abs _section_cstart, $3  }
0xc0: {  	[dreg:$0x1] =	wrdreg $0xFFFFFFFF  }
0xc1: {  	_ =	task.clear_ibuf [dreg:s7], $0x2FFFF;
	_ =	strace $0x9FFFFFFF  }
0xc2: {  	(tm) =	ssettm $0x7FFFFFFF  }
0xc3: {  	_ =	shalt  }
tec
execute0_lowered:
.L_overlay_start_1:
0x0: {  	(tag) =	ssettag $0x1  }
0x1: {  	s0 =	rddreg [dreg:$0x0]  }
0x2: {  	s2 =	rddreg [dreg:$0x1]  }
0x3: {  	s1 =	srdreg.scid;
	s10 =	stileid.u32  }
0x4: {  	s3 =	simm.s32 $0x0;
	s13 =	simm.s32 $0x5;
	s14 =	simm.s32 $0x64  }
0x5: {  	s26 =	simm.s32 $0x1;
	s28 =	simm.s32 $0x680;
	s16 =	simm.s32 $0xC30  }
0x6: {  	s17 =	simm.s32 $0x18400;
	s18 =	simm.s32 $0xC98;
	s19 =	simm.s32 $0x19080  }
0x7: {  	s20 =	simm.s32 $0x2;
	s21 =	simm.s32 $0x3;
	s22 =	simm.s32 $0x4  }
0x8: {  	s1 =	sand.u32 $0x1, s1;
	s5 =	sshll.u32 s10, $0x9;
	[smem:$0x7FF] =	sst s3  }
0x9: {  	s6 =	sadd.s32 $0x600, s0;
	s4 =	sshll.u32 s1, $0x8;
	s1 =	ssub.s32 $0x2, s1  }
0xa: {  	s7 =	sadd.s32 $0xF42A00, s0;
	s5 =	sor.u32 s4, s5;
	s8 =	sshrl.u32 s1, $0x1  }
0xb: {  	s9 =	smul.u32 $0xD, s5;
	s29 =	ssub.s32 s1, s8;
	s31 =	sor.u32 $0x20, s5  }
0xc: {  	_ =	strace $0x80000047;
	[dreg:$0x4] =	wrdreg s31;
	s0 =	smax.u32 s29, $0x1  }
0xd: {  	s10 =	sshll.u32 s10, $0xE;
	s30 =	sadd.s32 s6, s9;
	[dreg:$0x5] =	wrdreg s0  }
0xe: {  	s12 =	sor.u32 $0x800, s10;
	s1 =	simm.s32 $0x0;
	[dreg:$0x3] =	wrdreg s30  }
.LBB2_1:
0xf: {  	[dreg:$0x6] =	wrdreg s1  }
0x10: {  	s0 =	rddreg [dreg:$0x3]  }
0x11: {  	[tilespmem:s3], [sflag:$0x5] =	stream.linear.gather [hbm4b:s0+s3], $0x680, $0x38;
	[tilespmem:$0x19D00] =	vst v63  }
0x12: {  	_ =	swait.ge [sflag:s13], $0x680  }
0x13: {  	[sflag:s13] =	ssyncset.done $0x0  }
0x14: {  	s1 =	simm.s32 $0xD00;
	[sflag:s13] =	ssyncadd.s32 $0xFFFFF980  }
0x15: {  	[tilespmem:s1], [sflag:$0x1] =	stream.indirect.gather [hbm4b:s7+s14], $0x20, s3, s14, $0xb8;
	[tilespmem:$0x19D00] =	vst v63  }
0x16: {  	s8 =	simm.s32 $0x68;
	s9 =	simm.s32 $0x1980  }
0x17: {  	[tilespmem:s9], [sflag:$0x1] =	stream.indirect.gather [hbm4b:s7+s14], $0x20, s8, s14, $0xb8;
	[tilespmem:$0x19D00] =	vst v63  }
0x18: {  	s11 =	simm.s32 $0xD0;
	s15 =	simm.s32 $0x2600  }
0x19: {  	[tilespmem:s15], [sflag:$0x1] =	stream.indirect.gather [hbm4b:s7+s14], $0x20, s11, s14, $0xb8;
	[tilespmem:$0x19D00] =	vst v63  }
0x1a: {  	s23 =	simm.s32 $0x138;
	s24 =	simm.s32 $0x3280  }
0x1b: {  	[tilespmem:s24], [sflag:$0x1] =	stream.indirect.gather [hbm4b:s7+s14], $0x20, s23, s14, $0xb8;
	[tilespmem:$0x19D00] =	vst v63  }
0x1c: {  	s25 =	simm.s32 $0x1A0;
	s29 =	simm.s32 $0x3F00  }
0x1d: {  	[tilespmem:s29], [sflag:$0x1] =	stream.indirect.gather [hbm4b:s7+s14], $0x20, s25, s14, $0xb8;
	[tilespmem:$0x19D00] =	vst v63  }
0x1e: {  	s30 =	simm.s32 $0x208;
	s31 =	simm.s32 $0x4B80  }
0x1f: {  	[tilespmem:s31], [sflag:$0x1] =	stream.indirect.gather [hbm4b:s7+s14], $0x20, s30, s14, $0xb8;
	[tilespmem:$0x19D00] =	vst v63  }
0x20: {  	s8 =	simm.s32 $0x270;
	s9 =	simm.s32 $0x5800  }
0x21: {  	[tilespmem:s9], [sflag:$0x1] =	stream.indirect.gather [hbm4b:s7+s14], $0x20, s8, s14, $0xb8;
	[tilespmem:$0x19D00] =	vst v63  }
0x22: {  	s11 =	simm.s32 $0x2D8;
	s15 =	simm.s32 $0x6480  }
0x23: {  	[tilespmem:s15], [sflag:$0x1] =	stream.indirect.gather [hbm4b:s7+s14], $0x20, s11, s14, $0xb8;
	[tilespmem:$0x19D00] =	vst v63  }
0x24: {  	s23 =	simm.s32 $0x340;
	s24 =	simm.s32 $0x7100  }
0x25: {  	[tilespmem:s24], [sflag:$0x1] =	stream.indirect.gather [hbm4b:s7+s14], $0x20, s23, s14, $0xb8;
	[tilespmem:$0x19D00] =	vst v63  }
0x26: {  	s25 =	simm.s32 $0x3A8;
	s29 =	simm.s32 $0x7D80  }
0x27: {  	[tilespmem:s29], [sflag:$0x1] =	stream.indirect.gather [hbm4b:s7+s14], $0x20, s25, s14, $0xb8;
	[tilespmem:$0x19D00] =	vst v63  }
0x28: {  	s30 =	simm.s32 $0x410;
	s31 =	simm.s32 $0x8A00  }
0x29: {  	[tilespmem:s31], [sflag:$0x1] =	stream.indirect.gather [hbm4b:s7+s14], $0x20, s30, s14, $0xb8;
	[tilespmem:$0x19D00] =	vst v63  }
0x2a: {  	s8 =	simm.s32 $0x478;
	s9 =	simm.s32 $0x9680  }
0x2b: {  	[tilespmem:s9], [sflag:$0x1] =	stream.indirect.gather [hbm4b:s7+s14], $0x20, s8, s14, $0xb8;
	[tilespmem:$0x19D00] =	vst v63  }
0x2c: {  	s11 =	simm.s32 $0x4E0;
	s15 =	simm.s32 $0xA300  }
0x2d: {  	[tilespmem:s15], [sflag:$0x1] =	stream.indirect.gather [hbm4b:s7+s14], $0x20, s11, s14, $0xb8;
	[tilespmem:$0x19D00] =	vst v63  }
0x2e: {  	s23 =	simm.s32 $0x548;
	s24 =	simm.s32 $0xAF80  }
0x2f: {  	[tilespmem:s24], [sflag:$0x1] =	stream.indirect.gather [hbm4b:s7+s14], $0x20, s23, s14, $0xb8;
	[tilespmem:$0x19D00] =	vst v63  }
.Ltmp0:
0x30: {  	s25 =	simm.s32 $0x5B0;
	(pc) =	sbr.rel .LBB2_2-.Ltmp0, $4  }
0x31: {  	s29 =	simm.s32 $0xBC00;
	s30 =	simm.s32 $0x618;
	s31 =	simm.s32 $0xC880  }
0x32: {  	[tilespmem:s29], [sflag:$0x1] =	stream.indirect.gather [hbm4b:s7+s14], $0x20, s25, s14, $0xb8;
	[tilespmem:$0x19D00] =	vst v63  }
0x33: {  	s23 =	simm.s32 $0x0;
	s24 =	simm.s32 $0x0;
	s25 =	simm.s32 $0x0  }
0x34: {  	[tilespmem:s31], [sflag:$0x1] =	stream.indirect.gather [hbm4b:s7+s14], $0x20, s30, s14, $0xb8;
	[tilespmem:$0x19D00] =	vst v63  }
.LBB2_14:
0x35: {  	s25 =	sadd.s32 $0x1, s25  }
0x36: {  	p0 =	sne.s32 s25, $0x8  }
.Ltmp1:
0x37: {  	_ = 	snop;
	(pc) =	sbr.rel @!p0 .LBB2_15-.Ltmp1, $2  }
0x38: {  	_ =	sdelay $0x2  }
0x39: {  	s24 =	sadd.s32 $0x1, s24;
	s23 =	sadd.s32 $0x2, s23;
	s0 =	simm.s32 $0x64  }
.LBB2_2:
0x3a: {  	_ =	swait.ge [sflag:s26], $0xC80  }
0x3b: {  	[sflag:s26] =	ssyncset.done $0x0  }
0x3c: {  	[sflag:s26] =	ssyncadd.s32 $0xFFFFF380  }
0x3d: {  	_ =	swait.ge [sflag:s26], $0xC80  }
0x3e: {  	[sflag:s26] =	ssyncset.done $0x0  }
0x3f: {  	[sflag:s26] =	ssyncadd.s32 $0xFFFFF380  }
0x40: {  	_ =	swait.ge [sflag:s26], $0xC80  }
0x41: {  	[sflag:s26] =	ssyncset.done $0x0  }
0x42: {  	[sflag:s26] =	ssyncadd.s32 $0xFFFFF380  }
0x43: {  	_ =	swait.ge [sflag:s26], $0xC80  }
0x44: {  	[sflag:s26] =	ssyncset.done $0x0  }
0x45: {  	[sflag:s26] =	ssyncadd.s32 $0xFFFFF380  }
0x46: {  	_ =	swait.ge [sflag:s26], $0xC80  }
0x47: {  	[sflag:s26] =	ssyncset.done $0x0  }
0x48: {  	[sflag:s26] =	ssyncadd.s32 $0xFFFFF380  }
0x49: {  	_ =	swait.ge [sflag:s26], $0xC80  }
0x4a: {  	[sflag:s26] =	ssyncset.done $0x0  }
0x4b: {  	[sflag:s26] =	ssyncadd.s32 $0xFFFFF380  }
0x4c: {  	_ =	swait.ge [sflag:s26], $0xC80  }
0x4d: {  	[sflag:s26] =	ssyncset.done $0x0  }
0x4e: {  	[sflag:s26] =	ssyncadd.s32 $0xFFFFF380  }
0x4f: {  	_ =	swait.ge [sflag:s26], $0xC80  }
0x50: {  	[sflag:s26] =	ssyncset.done $0x0  }
0x51: {  	[sflag:s26] =	ssyncadd.s32 $0xFFFFF380  }
0x52: {  	_ =	swait.ge [sflag:s26], $0xC80  }
0x53: {  	[sflag:s26] =	ssyncset.done $0x0  }
0x54: {  	[sflag:s26] =	ssyncadd.s32 $0xFFFFF380  }
0x55: {  	_ =	swait.ge [sflag:s26], $0xC80  }
0x56: {  	[sflag:s26] =	ssyncset.done $0x0  }
0x57: {  	[sflag:s26] =	ssyncadd.s32 $0xFFFFF380  }
0x58: {  	_ =	swait.ge [sflag:s26], $0xC80  }
0x59: {  	[sflag:s26] =	ssyncset.done $0x0  }
0x5a: {  	[sflag:s26] =	ssyncadd.s32 $0xFFFFF380  }
0x5b: {  	_ =	swait.ge [sflag:s26], $0xC80  }
0x5c: {  	[sflag:s26] =	ssyncset.done $0x0  }
0x5d: {  	[sflag:s26] =	ssyncadd.s32 $0xFFFFF380  }
0x5e: {  	_ =	swait.ge [sflag:s26], $0xC80  }
0x5f: {  	[sflag:s26] =	ssyncset.done $0x0  }
0x60: {  	[sflag:s26] =	ssyncadd.s32 $0xFFFFF380  }
0x61: {  	_ =	swait.ge [sflag:s26], $0xC80  }
0x62: {  	[sflag:s26] =	ssyncset.done $0x0  }
0x63: {  	s9 =	sshll.u32 s25, $0x5;
	[sflag:s26] =	ssyncadd.s32 $0xFFFFF380  }
0x64: {  	s0 =	sand.u32 $0x3, s24;
	s1 =	sor.u32 s4, s9;
	_ =	swait.ge [sflag:s26], $0xC80  }
0x65: {  	s0 =	sshll.u32 s0, $0xC;
	s1 =	sshrl.u32 s1, $0x2;
	[sflag:s26] =	ssyncset.done $0x0  }
0x66: {  	s0 =	sadd.s32 s0, s10;
	s29 =	sand.u32 $0x60, s1;
	[sflag:s26] =	ssyncadd.s32 $0xFFFFF380  }
0x67: {  	s0 =	sadd.s32 s29, s0;
	_ =	swait.ge [sflag:s26], $0xC80  }
0x68: {  	s0 =	sshrl.u32 s0, $0x3;
	[sflag:s26] =	ssyncset.done $0x0  }
0x69: {  	s11 =	simm.s32 $0xD00;
	s0 =	sadd.s32 s0, s2;
	[sflag:s26] =	ssyncadd.s32 $0xFFFFF380  }
0x6a: {  	[hbm4b:s0+s3] =	stream.linear.scatter [tilespmem:s11], [sflag:$0x3], $0x20, $0x38;
	[tilespmem:$0x19D00] =	vst v63  }
0x6b: {  	s15 =	simm.s32 $0x1980;
	s8 =	sadd.s32 $0x10, s0  }
0x6c: {  	[hbm4b:s8+s3] =	stream.linear.scatter [tilespmem:s15], [sflag:$0x3], $0x20, $0x38;
	[tilespmem:$0x19D00] =	vst v63  }
0x6d: {  	s11 =	simm.s32 $0x2600;
	s15 =	sadd.s32 $0x20, s0  }
0x6e: {  	[hbm4b:s15+s3] =	stream.linear.scatter [tilespmem:s11], [sflag:$0x3], $0x20, $0x38;
	[tilespmem:$0x19D00] =	vst v63  }
0x6f: {  	s11 =	simm.s32 $0x3280;
	s15 =	sadd.s32 $0x30, s0  }
0x70: {  	[hbm4b:s15+s3] =	stream.linear.scatter [tilespmem:s11], [sflag:$0x3], $0x20, $0x38;
	[tilespmem:$0x19D00] =	vst v63  }
0x71: {  	s11 =	simm.s32 $0x3F00;
	s15 =	sadd.s32 $0x40, s0  }
0x72: {  	[hbm4b:s15+s3] =	stream.linear.scatter [tilespmem:s11], [sflag:$0x3], $0x20, $0x38;
	[tilespmem:$0x19D00] =	vst v63  }
0x73: {  	s11 =	simm.s32 $0x4B80;
	s15 =	sadd.s32 $0x50, s0  }
0x74: {  	[hbm4b:s15+s3] =	stream.linear.scatter [tilespmem:s11], [sflag:$0x3], $0x20, $0x38;
	[tilespmem:$0x19D00] =	vst v63  }
0x75: {  	s11 =	simm.s32 $0x5800;
	s15 =	sadd.s32 $0x60, s0  }
0x76: {  	[hbm4b:s15+s3] =	stream.linear.scatter [tilespmem:s11], [sflag:$0x3], $0x20, $0x38;
	[tilespmem:$0x19D00] =	vst v63  }
0x77: {  	s11 =	simm.s32 $0x6480;
	s15 =	sadd.s32 $0x70, s0  }
0x78: {  	[hbm4b:s15+s3] =	stream.linear.scatter [tilespmem:s11], [sflag:$0x3], $0x20, $0x38;
	[tilespmem:$0x19D00] =	vst v63  }
0x79: {  	s11 =	simm.s32 $0x7100;
	s15 =	sadd.s32 $0x80, s0  }
0x7a: {  	[hbm4b:s15+s3] =	stream.linear.scatter [tilespmem:s11], [sflag:$0x3], $0x20, $0x38;
	[tilespmem:$0x19D00] =	vst v63  }
0x7b: {  	s11 =	simm.s32 $0x7D80;
	s15 =	sadd.s32 $0x90, s0  }
0x7c: {  	[hbm4b:s15+s3] =	stream.linear.scatter [tilespmem:s11], [sflag:$0x3], $0x20, $0x38;
	[tilespmem:$0x19D00] =	vst v63  }
0x7d: {  	s11 =	simm.s32 $0x8A00;
	s15 =	sadd.s32 $0xA0, s0  }
0x7e: {  	[hbm4b:s15+s3] =	stream.linear.scatter [tilespmem:s11], [sflag:$0x3], $0x20, $0x38;
	[tilespmem:$0x19D00] =	vst v63  }
0x7f: {  	s31 =	simm.s32 $0x20;
	s11 =	simm.s32 $0x9680;
	s15 =	sadd.s32 $0xB0, s0  }
0x80: {  	[hbm4b:s15+s3] =	stream.linear.scatter [tilespmem:s11], [sflag:$0x3], $0x20, $0x38;
	[tilespmem:$0x19D00] =	vst v63  }
0x81: {  	s1 =	sand.u32 $0x7, s23;
	s11 =	simm.s32 $0xA300;
	s15 =	sadd.s32 $0xC0, s0  }
0x82: {  	[hbm4b:s15+s3] =	stream.linear.scatter [tilespmem:s11], [sflag:$0x3], $0x20, $0x38;
	[tilespmem:$0x19D00] =	vst v63  }
0x83: {  	s30 =	sshll.u32 s1, $0xB;
	s8 =	simm.s32 $0xAF80;
	s11 =	sadd.s32 $0xD0, s0  }
0x84: {  	[hbm4b:s11+s3] =	stream.linear.scatter [tilespmem:s8], [sflag:$0x3], $0x20, $0x38;
	[tilespmem:$0x19D00] =	vst v63  }
0x85: {  	s1 =	simm.s32 $0xC880;
	s15 =	simm.s32 $0xBC00;
	s11 =	sadd.s32 $0xE0, s0  }
0x86: {  	[hbm4b:s11+s3] =	stream.linear.scatter [tilespmem:s15], [sflag:$0x3], $0x20, $0x38;
	[tilespmem:$0x19D00] =	vst v63  }
0x87: {  	s8 =	simm.s32 $0x100;
	s15 =	sadd.s32 $0xF0, s0;
	s0 =	sadd.s32 $0x8000, s0  }
.LBB2_3:
0x88: {  	[hbm4b:s15+s3] =	stream.linear.scatter [tilespmem:s1], [sflag:$0x3], $0x20, $0x38;
	[tilespmem:$0x19D00] =	vst v63  }
0x89: {  	s1 =	smov.u32 s31;
	s11 =	smov.u32 s8  }
0x8a: {  	s31 =	sshra.s32 s11, $0x2;
	s11 =	sadd.s32 $0x80, s8;
	s15 =	sadd.s32 $0xD00, s1  }
0x8b: {  	[hbm4b:s0+s3] =	stream.linear.scatter [tilespmem:s15], [sflag:$0x3], $0x20, $0x38;
	[tilespmem:$0x19D00] =	vst v63  }
0x8c: {  	p0 =	sne.s32 s8, $0x3180;
	s8 =	sadd.s32 $0x1980, s1;
	s15 =	sadd.s32 $0x10, s0  }
0x8d: {  	[hbm4b:s15+s3] =	stream.linear.scatter [tilespmem:s8], [sflag:$0x3], $0x20, $0x38;
	[tilespmem:$0x19D00] =	vst v63  }
0x8e: {  	s8 =	sadd.s32 $0x2600, s1;
	s15 =	sadd.s32 $0x20, s0  }
0x8f: {  	[hbm4b:s15+s3] =	stream.linear.scatter [tilespmem:s8], [sflag:$0x3], $0x20, $0x38;
	[tilespmem:$0x19D00] =	vst v63  }
0x90: {  	s8 =	sadd.s32 $0x3280, s1;
	s15 =	sadd.s32 $0x30, s0  }
0x91: {  	[hbm4b:s15+s3] =	stream.linear.scatter [tilespmem:s8], [sflag:$0x3], $0x20, $0x38;
	[tilespmem:$0x19D00] =	vst v63  }
0x92: {  	s8 =	sadd.s32 $0x3F00, s1;
	s15 =	sadd.s32 $0x40, s0  }
0x93: {  	[hbm4b:s15+s3] =	stream.linear.scatter [tilespmem:s8], [sflag:$0x3], $0x20, $0x38;
	[tilespmem:$0x19D00] =	vst v63  }
0x94: {  	s8 =	sadd.s32 $0x4B80, s1;
	s15 =	sadd.s32 $0x50, s0  }
0x95: {  	[hbm4b:s15+s3] =	stream.linear.scatter [tilespmem:s8], [sflag:$0x3], $0x20, $0x38;
	[tilespmem:$0x19D00] =	vst v63  }
0x96: {  	s8 =	sadd.s32 $0x5800, s1;
	s15 =	sadd.s32 $0x60, s0  }
0x97: {  	[hbm4b:s15+s3] =	stream.linear.scatter [tilespmem:s8], [sflag:$0x3], $0x20, $0x38;
	[tilespmem:$0x19D00] =	vst v63  }
0x98: {  	s8 =	sadd.s32 $0x6480, s1;
	s15 =	sadd.s32 $0x70, s0  }
0x99: {  	[hbm4b:s15+s3] =	stream.linear.scatter [tilespmem:s8], [sflag:$0x3], $0x20, $0x38;
	[tilespmem:$0x19D00] =	vst v63  }
0x9a: {  	s8 =	sadd.s32 $0x7100, s1;
	s15 =	sadd.s32 $0x80, s0  }
0x9b: {  	[hbm4b:s15+s3] =	stream.linear.scatter [tilespmem:s8], [sflag:$0x3], $0x20, $0x38;
	[tilespmem:$0x19D00] =	vst v63  }
0x9c: {  	s8 =	sadd.s32 $0x7D80, s1;
	s15 =	sadd.s32 $0x90, s0  }
0x9d: {  	[hbm4b:s15+s3] =	stream.linear.scatter [tilespmem:s8], [sflag:$0x3], $0x20, $0x38;
	[tilespmem:$0x19D00] =	vst v63  }
0x9e: {  	s8 =	sadd.s32 $0x8A00, s1;
	s15 =	sadd.s32 $0xA0, s0  }
0x9f: {  	[hbm4b:s15+s3] =	stream.linear.scatter [tilespmem:s8], [sflag:$0x3], $0x20, $0x38;
	[tilespmem:$0x19D00] =	vst v63  }
0xa0: {  	s8 =	sadd.s32 $0x9680, s1;
	s15 =	sadd.s32 $0xB0, s0  }
0xa1: {  	[hbm4b:s15+s3] =	stream.linear.scatter [tilespmem:s8], [sflag:$0x3], $0x20, $0x38;
	[tilespmem:$0x19D00] =	vst v63  }
0xa2: {  	s8 =	sadd.s32 $0xA300, s1;
	s15 =	sadd.s32 $0xC0, s0  }
0xa3: {  	[hbm4b:s15+s3] =	stream.linear.scatter [tilespmem:s8], [sflag:$0x3], $0x20, $0x38;
	[tilespmem:$0x19D00] =	vst v63  }
.Ltmp2:
0xa4: {  	s8 =	sadd.s32 $0xAF80, s1;
	s15 =	sadd.s32 $0xD0, s0;
	(pc) =	sbr.rel @p0 .LBB2_3-.Ltmp2, $4  }
0xa5: {  	[hbm4b:s15+s3] =	stream.linear.scatter [tilespmem:s8], [sflag:$0x3], $0x20, $0x38;
	[tilespmem:$0x19D00] =	vst v63  }
0xa6: {  	s8 =	sadd.s32 $0xBC00, s1;
	s15 =	sadd.s32 $0xE0, s0;
	s1 =	sadd.s32 $0xC880, s1  }
0xa7: {  	[hbm4b:s15+s3] =	stream.linear.scatter [tilespmem:s8], [sflag:$0x3], $0x20, $0x38;
	[tilespmem:$0x19D00] =	vst v63  }
0xa8: {  	s15 =	sadd.s32 $0xF0, s0;
	s0 =	sadd.s32 $0x8000, s0;
	s8 =	smov.u32 s11  }
0xa9: {  	[hbm4b:s15+s3] =	stream.linear.scatter [tilespmem:s1], [sflag:$0x3], $0x20, $0x38;
	[tilespmem:$0x19D00] =	vst v63  }
0xaa: {  	s11 =	sadd.s32 $0xD00, s31  }
0xab: {  	[hbm4b:s0+s3] =	stream.linear.scatter [tilespmem:s11], [sflag:$0x3], $0x20, $0x38;
	[tilespmem:$0x19D00] =	vst v63  }
0xac: {  	s15 =	sadd.s32 $0x1980, s31;
	s8 =	sadd.s32 $0x10, s0  }
0xad: {  	[hbm4b:s8+s3] =	stream.linear.scatter [tilespmem:s15], [sflag:$0x3], $0x20, $0x38;
	[tilespmem:$0x19D00] =	vst v63  }
0xae: {  	s11 =	sadd.s32 $0x2600, s31;
	s15 =	sadd.s32 $0x20, s0  }
0xaf: {  	[hbm4b:s15+s3] =	stream.linear.scatter [tilespmem:s11], [sflag:$0x3], $0x20, $0x38;
	[tilespmem:$0x19D00] =	vst v63  }
0xb0: {  	s11 =	sadd.s32 $0x3280, s31;
	s15 =	sadd.s32 $0x30, s0  }
0xb1: {  	[hbm4b:s15+s3] =	stream.linear.scatter [tilespmem:s11], [sflag:$0x3], $0x20, $0x38;
	[tilespmem:$0x19D00] =	vst v63  }
0xb2: {  	s11 =	sadd.s32 $0x3F00, s31;
	s15 =	sadd.s32 $0x40, s0  }
0xb3: {  	[hbm4b:s15+s3] =	stream.linear.scatter [tilespmem:s11], [sflag:$0x3], $0x20, $0x38;
	[tilespmem:$0x19D00] =	vst v63  }
0xb4: {  	s11 =	sadd.s32 $0x4B80, s31;
	s15 =	sadd.s32 $0x50, s0  }
0xb5: {  	[hbm4b:s15+s3] =	stream.linear.scatter [tilespmem:s11], [sflag:$0x3], $0x20, $0x38;
	[tilespmem:$0x19D00] =	vst v63  }
0xb6: {  	s11 =	sadd.s32 $0x5800, s31;
	s15 =	sadd.s32 $0x60, s0  }
0xb7: {  	[hbm4b:s15+s3] =	stream.linear.scatter [tilespmem:s11], [sflag:$0x3], $0x20, $0x38;
	[tilespmem:$0x19D00] =	vst v63  }
0xb8: {  	s11 =	sadd.s32 $0x6480, s31;
	s15 =	sadd.s32 $0x70, s0  }
0xb9: {  	[hbm4b:s15+s3] =	stream.linear.scatter [tilespmem:s11], [sflag:$0x3], $0x20, $0x38;
	[tilespmem:$0x19D00] =	vst v63  }
0xba: {  	s11 =	sadd.s32 $0x7100, s31;
	s15 =	sadd.s32 $0x80, s0  }
0xbb: {  	[hbm4b:s15+s3] =	stream.linear.scatter [tilespmem:s11], [sflag:$0x3], $0x20, $0x38;
	[tilespmem:$0x19D00] =	vst v63  }
0xbc: {  	s11 =	sadd.s32 $0x7D80, s31;
	s15 =	sadd.s32 $0x90, s0  }
0xbd: {  	[hbm4b:s15+s3] =	stream.linear.scatter [tilespmem:s11], [sflag:$0x3], $0x20, $0x38;
	[tilespmem:$0x19D00] =	vst v63  }
0xbe: {  	s11 =	sadd.s32 $0x8A00, s31;
	s15 =	sadd.s32 $0xA0, s0  }
0xbf: {  	[hbm4b:s15+s3] =	stream.linear.scatter [tilespmem:s11], [sflag:$0x3], $0x20, $0x38;
	[tilespmem:$0x19D00] =	vst v63  }
0xc0: {  	s11 =	sadd.s32 $0x9680, s31;
	s15 =	sadd.s32 $0xB0, s0  }
0xc1: {  	[hbm4b:s15+s3] =	stream.linear.scatter [tilespmem:s11], [sflag:$0x3], $0x20, $0x38;
	[tilespmem:$0x19D00] =	vst v63  }
0xc2: {  	s11 =	sadd.s32 $0xA300, s31;
	s15 =	sadd.s32 $0xC0, s0  }
0xc3: {  	[hbm4b:s15+s3] =	stream.linear.scatter [tilespmem:s11], [sflag:$0x3], $0x20, $0x38;
	[tilespmem:$0x19D00] =	vst v63  }
0xc4: {  	p0 =	seq.s32 s25, $0x0;
	s11 =	sadd.s32 $0xAF80, s31;
	s15 =	sadd.s32 $0xD0, s0  }
0xc5: {  	[hbm4b:s15+s3] =	stream.linear.scatter [tilespmem:s11], [sflag:$0x3], $0x20, $0x38;
	[tilespmem:$0x19D00] =	vst v63  }
.Ltmp3:
0xc6: {  	_ = 	snop;
	(pc) =	sbr.rel @p0 .LBB2_8-.Ltmp3, $4  }
0xc7: {  	s8 =	sadd.s32 $0xBC00, s31;
	s11 =	sadd.s32 $0xE0, s0  }
0xc8: {  	[hbm4b:s11+s3] =	stream.linear.scatter [tilespmem:s8], [sflag:$0x3], $0x20, $0x38;
	[tilespmem:$0x19D00] =	vst v63  }
0xc9: {  	s15 =	sadd.s32 $0xC880, s31;
	s31 =	sadd.s32 $0xF0, s0;
	s0 =	simm.s32 $0x64  }
0xca: {  	[hbm4b:s31+s3] =	stream.linear.scatter [tilespmem:s15], [sflag:$0x3], $0x20, $0x38;
	[tilespmem:$0x19D00] =	vst v63  }
0xcb: {  	_ =	swait.ge [sflag:s22], $0x200  }
0xcc: {  	s0 =	sadd.s32 $0xFFFFFFFF, s0;
	[sflag:s22] =	ssyncset.done $0x0  }
.LBB2_6:
0xcd: {  	p0 =	sne.s32 s0, $0x1;
	s0 =	sadd.s32 $0xFFFFFFFF, s0;
	[sflag:s22] =	ssyncadd.s32 $0xFFFFFE00  }
.Ltmp4:
0xce: {  	(pc) =	sbr.rel @p0 .LBB2_6-.Ltmp4, $3  }
0xcf: {  	_ =	sdelay $0x1  }
0xd0: {  	_ =	swait.ge [sflag:s22], $0x200  }
0xd1: {  	[sflag:s22] =	ssyncset.done $0x0  }
0xd2: {  	[sflag:s22] =	ssyncadd.s32 $0xFFFFFE00  }
.LBB2_8:
0xd3: {  	s0 =	sadd.s32 s9, s5  }
0xd4: {  	s0 =	smul.u32 $0xD, s0;
	_ =	sdelay $0x1  }
0xd5: {  	s0 =	sadd.s32 s6, s0  }
0xd6: {  	s1 =	simm.s32 $0x0;
	s0 =	sadd.s32 $0xD0, s0  }
0xd7: {  	[tilespmem:s28], [sflag:$0x5] =	stream.linear.gather [hbm4b:s0+s1], $0x680, $0x38;
	[tilespmem:$0x19D00] =	vst v63  }
0xd8: {  	_ =	swait.ge [sflag:s13], $0x680  }
0xd9: {  	[sflag:s13] =	ssyncset.done $0x0  }
0xda: {  	s1 =	simm.s32 $0xD500;
	[sflag:s13] =	ssyncadd.s32 $0xFFFFF980  }
0xdb: {  	[tilespmem:s1], [sflag:$0x2] =	stream.indirect.gather [hbm4b:s7+s14], $0x20, s28, s14, $0xb8;
	[tilespmem:$0x19D00] =	vst v63  }
0xdc: {  	s8 =	simm.s32 $0x6E8;
	s11 =	simm.s32 $0xE180  }
0xdd: {  	[tilespmem:s11], [sflag:$0x2] =	stream.indirect.gather [hbm4b:s7+s14], $0x20, s8, s14, $0xb8;
	[tilespmem:$0x19D00] =	vst v63  }
0xde: {  	s15 =	simm.s32 $0x750;
	s31 =	simm.s32 $0xEE00  }
0xdf: {  	[tilespmem:s31], [sflag:$0x2] =	stream.indirect.gather [hbm4b:s7+s14], $0x20, s15, s14, $0xb8;
	[tilespmem:$0x19D00] =	vst v63  }
0xe0: {  	s8 =	simm.s32 $0x7B8;
	s11 =	simm.s32 $0xFA80  }
0xe1: {  	[tilespmem:s11], [sflag:$0x2] =	stream.indirect.gather [hbm4b:s7+s14], $0x20, s8, s14, $0xb8;
	[tilespmem:$0x19D00] =	vst v63  }
0xe2: {  	s15 =	simm.s32 $0x820;
	s31 =	simm.s32 $0x10700  }
0xe3: {  	[tilespmem:s31], [sflag:$0x2] =	stream.indirect.gather [hbm4b:s7+s14], $0x20, s15, s14, $0xb8;
	[tilespmem:$0x19D00] =	vst v63  }
0xe4: {  	s8 =	simm.s32 $0x888;
	s11 =	simm.s32 $0x11380  }
0xe5: {  	[tilespmem:s11], [sflag:$0x2] =	stream.indirect.gather [hbm4b:s7+s14], $0x20, s8, s14, $0xb8;
	[tilespmem:$0x19D00] =	vst v63  }
0xe6: {  	s15 =	simm.s32 $0x8F0;
	s31 =	simm.s32 $0x12000  }
0xe7: {  	[tilespmem:s31], [sflag:$0x2] =	stream.indirect.gather [hbm4b:s7+s14], $0x20, s15, s14, $0xb8;
	[tilespmem:$0x19D00] =	vst v63  }
0xe8: {  	s8 =	simm.s32 $0x958;
	s11 =	simm.s32 $0x12C80  }
0xe9: {  	[tilespmem:s11], [sflag:$0x2] =	stream.indirect.gather [hbm4b:s7+s14], $0x20, s8, s14, $0xb8;
	[tilespmem:$0x19D00] =	vst v63  }
0xea: {  	s15 =	simm.s32 $0x9C0;
	s31 =	simm.s32 $0x13900  }
0xeb: {  	[tilespmem:s31], [sflag:$0x2] =	stream.indirect.gather [hbm4b:s7+s14], $0x20, s15, s14, $0xb8;
	[tilespmem:$0x19D00] =	vst v63  }
0xec: {  	s8 =	simm.s32 $0xA28;
	s11 =	simm.s32 $0x14580  }
0xed: {  	[tilespmem:s11], [sflag:$0x2] =	stream.indirect.gather [hbm4b:s7+s14], $0x20, s8, s14, $0xb8;
	[tilespmem:$0x19D00] =	vst v63  }
0xee: {  	s15 =	simm.s32 $0xA90;
	s31 =	simm.s32 $0x15200  }
0xef: {  	[tilespmem:s31], [sflag:$0x2] =	stream.indirect.gather [hbm4b:s7+s14], $0x20, s15, s14, $0xb8;
	[tilespmem:$0x19D00] =	vst v63  }
0xf0: {  	s8 =	simm.s32 $0xAF8;
	s11 =	simm.s32 $0x15E80  }
0xf1: {  	[tilespmem:s11], [sflag:$0x2] =	stream.indirect.gather [hbm4b:s7+s14], $0x20, s8, s14, $0xb8;
	[tilespmem:$0x19D00] =	vst v63  }
0xf2: {  	s15 =	simm.s32 $0xB60;
	s31 =	simm.s32 $0x16B00  }
0xf3: {  	[tilespmem:s31], [sflag:$0x2] =	stream.indirect.gather [hbm4b:s7+s14], $0x20, s15, s14, $0xb8;
	[tilespmem:$0x19D00] =	vst v63  }
0xf4: {  	s8 =	simm.s32 $0xBC8;
	s11 =	simm.s32 $0x17780  }
0xf5: {  	[tilespmem:s11], [sflag:$0x2] =	stream.indirect.gather [hbm4b:s7+s14], $0x20, s8, s14, $0xb8;
	[tilespmem:$0x19D00] =	vst v63  }
0xf6: {  	_ = 	snop  }
0xf7: {  	[tilespmem:s17], [sflag:$0x2] =	stream.indirect.gather [hbm4b:s7+s14], $0x20, s16, s14, $0xb8;
	[tilespmem:$0x19D00] =	vst v63  }
0xf8: {  	_ = 	snop  }
0xf9: {  	[tilespmem:s19], [sflag:$0x2] =	stream.indirect.gather [hbm4b:s7+s14], $0x20, s18, s14, $0xb8;
	[tilespmem:$0x19D00] =	vst v63  }
0xfa: {  	_ =	swait.ge [sflag:s20], $0xC80  }
0xfb: {  	[sflag:s20] =	ssyncset.done $0x0  }
0xfc: {  	[sflag:s20] =	ssyncadd.s32 $0xFFFFF380  }
0xfd: {  	_ =	swait.ge [sflag:s20], $0xC80  }
0xfe: {  	[sflag:s20] =	ssyncset.done $0x0  }
0xff: {  	[sflag:s20] =	ssyncadd.s32 $0xFFFFF380  }
0x100: {  	_ =	swait.ge [sflag:s20], $0xC80  }
0x101: {  	[sflag:s20] =	ssyncset.done $0x0  }
0x102: {  	[sflag:s20] =	ssyncadd.s32 $0xFFFFF380  }
0x103: {  	_ =	swait.ge [sflag:s20], $0xC80  }
0x104: {  	[sflag:s20] =	ssyncset.done $0x0  }
0x105: {  	[sflag:s20] =	ssyncadd.s32 $0xFFFFF380  }
0x106: {  	_ =	swait.ge [sflag:s20], $0xC80  }
0x107: {  	[sflag:s20] =	ssyncset.done $0x0  }
0x108: {  	[sflag:s20] =	ssyncadd.s32 $0xFFFFF380  }
0x109: {  	_ =	swait.ge [sflag:s20], $0xC80  }
0x10a: {  	[sflag:s20] =	ssyncset.done $0x0  }
0x10b: {  	[sflag:s20] =	ssyncadd.s32 $0xFFFFF380  }
0x10c: {  	_ =	swait.ge [sflag:s20], $0xC80  }
0x10d: {  	[sflag:s20] =	ssyncset.done $0x0  }
0x10e: {  	[sflag:s20] =	ssyncadd.s32 $0xFFFFF380  }
0x10f: {  	_ =	swait.ge [sflag:s20], $0xC80  }
0x110: {  	[sflag:s20] =	ssyncset.done $0x0  }
0x111: {  	[sflag:s20] =	ssyncadd.s32 $0xFFFFF380  }
0x112: {  	_ =	swait.ge [sflag:s20], $0xC80  }
0x113: {  	[sflag:s20] =	ssyncset.done $0x0  }
0x114: {  	[sflag:s20] =	ssyncadd.s32 $0xFFFFF380  }
0x115: {  	_ =	swait.ge [sflag:s20], $0xC80  }
0x116: {  	[sflag:s20] =	ssyncset.done $0x0  }
0x117: {  	[sflag:s20] =	ssyncadd.s32 $0xFFFFF380  }
0x118: {  	_ =	swait.ge [sflag:s20], $0xC80  }
0x119: {  	[sflag:s20] =	ssyncset.done $0x0  }
0x11a: {  	[sflag:s20] =	ssyncadd.s32 $0xFFFFF380  }
0x11b: {  	_ =	swait.ge [sflag:s20], $0xC80  }
0x11c: {  	[sflag:s20] =	ssyncset.done $0x0  }
0x11d: {  	[sflag:s20] =	ssyncadd.s32 $0xFFFFF380  }
0x11e: {  	_ =	swait.ge [sflag:s20], $0xC80  }
0x11f: {  	[sflag:s20] =	ssyncset.done $0x0  }
0x120: {  	[sflag:s20] =	ssyncadd.s32 $0xFFFFF380  }
0x121: {  	_ =	swait.ge [sflag:s20], $0xC80  }
0x122: {  	[sflag:s20] =	ssyncset.done $0x0  }
0x123: {  	[sflag:s20] =	ssyncadd.s32 $0xFFFFF380  }
0x124: {  	_ =	swait.ge [sflag:s20], $0xC80  }
0x125: {  	[sflag:s20] =	ssyncset.done $0x0  }
0x126: {  	s15 =	sadd.s32 s30, s12;
	[sflag:s20] =	ssyncadd.s32 $0xFFFFF380  }
0x127: {  	s0 =	sadd.s32 s29, s15;
	_ =	swait.ge [sflag:s20], $0xC80  }
0x128: {  	s0 =	sshrl.u32 s0, $0x3;
	[sflag:s20] =	ssyncset.done $0x0  }
0x129: {  	s31 =	simm.s32 $0xD500;
	s8 =	sadd.s32 s0, s2;
	[sflag:s20] =	ssyncadd.s32 $0xFFFFF380  }
0x12a: {  	[hbm4b:s8+s3] =	stream.linear.scatter [tilespmem:s31], [sflag:$0x4], $0x20, $0x38;
	[tilespmem:$0x19D00] =	vst v63  }
0x12b: {  	s1 =	simm.s32 $0xE180;
	s11 =	sadd.s32 $0x10, s8  }
0x12c: {  	[hbm4b:s11+s3] =	stream.linear.scatter [tilespmem:s1], [sflag:$0x4], $0x20, $0x38;
	[tilespmem:$0x19D00] =	vst v63  }
0x12d: {  	s15 =	simm.s32 $0xEE00;
	s31 =	sadd.s32 $0x20, s8  }
0x12e: {  	[hbm4b:s31+s3] =	stream.linear.scatter [tilespmem:s15], [sflag:$0x4], $0x20, $0x38;
	[tilespmem:$0x19D00] =	vst v63  }
0x12f: {  	s1 =	simm.s32 $0xFA80;
	s11 =	sadd.s32 $0x30, s8  }
0x130: {  	[hbm4b:s11+s3] =	stream.linear.scatter [tilespmem:s1], [sflag:$0x4], $0x20, $0x38;
	[tilespmem:$0x19D00] =	vst v63  }
0x131: {  	s15 =	simm.s32 $0x10700;
	s31 =	sadd.s32 $0x40, s8  }
0x132: {  	[hbm4b:s31+s3] =	stream.linear.scatter [tilespmem:s15], [sflag:$0x4], $0x20, $0x38;
	[tilespmem:$0x19D00] =	vst v63  }
0x133: {  	s1 =	simm.s32 $0x11380;
	s11 =	sadd.s32 $0x50, s8  }
0x134: {  	[hbm4b:s11+s3] =	stream.linear.scatter [tilespmem:s1], [sflag:$0x4], $0x20, $0x38;
	[tilespmem:$0x19D00] =	vst v63  }
0x135: {  	s15 =	simm.s32 $0x12000;
	s31 =	sadd.s32 $0x60, s8  }
0x136: {  	[hbm4b:s31+s3] =	stream.linear.scatter [tilespmem:s15], [sflag:$0x4], $0x20, $0x38;
	[tilespmem:$0x19D00] =	vst v63  }
0x137: {  	s1 =	simm.s32 $0x12C80;
	s11 =	sadd.s32 $0x70, s8  }
0x138: {  	[hbm4b:s11+s3] =	stream.linear.scatter [tilespmem:s1], [sflag:$0x4], $0x20, $0x38;
	[tilespmem:$0x19D00] =	vst v63  }
0x139: {  	s15 =	simm.s32 $0x13900;
	s31 =	sadd.s32 $0x80, s8  }
0x13a: {  	[hbm4b:s31+s3] =	stream.linear.scatter [tilespmem:s15], [sflag:$0x4], $0x20, $0x38;
	[tilespmem:$0x19D00] =	vst v63  }
0x13b: {  	s1 =	simm.s32 $0x14580;
	s11 =	sadd.s32 $0x90, s8  }
0x13c: {  	[hbm4b:s11+s3] =	stream.linear.scatter [tilespmem:s1], [sflag:$0x4], $0x20, $0x38;
	[tilespmem:$0x19D00] =	vst v63  }
0x13d: {  	s15 =	simm.s32 $0x15200;
	s31 =	sadd.s32 $0xA0, s8  }
0x13e: {  	[hbm4b:s31+s3] =	stream.linear.scatter [tilespmem:s15], [sflag:$0x4], $0x20, $0x38;
	[tilespmem:$0x19D00] =	vst v63  }
0x13f: {  	s0 =	simm.s32 $0x20;
	s1 =	simm.s32 $0x15E80;
	s11 =	sadd.s32 $0xB0, s8  }
0x140: {  	[hbm4b:s11+s3] =	stream.linear.scatter [tilespmem:s1], [sflag:$0x4], $0x20, $0x38;
	[tilespmem:$0x19D00] =	vst v63  }
0x141: {  	s30 =	sadd.s32 $0x8000, s8;
	s15 =	simm.s32 $0x16B00;
	s31 =	sadd.s32 $0xC0, s8  }
0x142: {  	[hbm4b:s31+s3] =	stream.linear.scatter [tilespmem:s15], [sflag:$0x4], $0x20, $0x38;
	[tilespmem:$0x19D00] =	vst v63  }
0x143: {  	s1 =	simm.s32 $0x17780;
	s11 =	sadd.s32 $0xD0, s8;
	s15 =	sshll.u32 s25, $0x1  }
0x144: {  	[hbm4b:s11+s3] =	stream.linear.scatter [tilespmem:s1], [sflag:$0x4], $0x20, $0x38;
	[tilespmem:$0x19D00] =	vst v63  }
0x145: {  	s31 =	simm.s32 $0x18400;
	s29 =	sor.u32 $0x1, s15;
	s11 =	sadd.s32 $0xE0, s8  }
0x146: {  	[hbm4b:s11+s3] =	stream.linear.scatter [tilespmem:s31], [sflag:$0x4], $0x20, $0x38;
	[tilespmem:$0x19D00] =	vst v63  }
0x147: {  	s15 =	sadd.s32 $0xF0, s8;
	s1 =	simm.s32 $0x19080;
	s11 =	simm.s32 $0x100  }
.LBB2_9:
0x148: {  	[hbm4b:s15+s3] =	stream.linear.scatter [tilespmem:s1], [sflag:$0x4], $0x20, $0x38;
	[tilespmem:$0x19D00] =	vst v63  }
0x149: {  	s1 =	smov.u32 s0;
	s0 =	smov.u32 s11  }
0x14a: {  	s8 =	sadd.s32 $0x80, s11;
	s0 =	sshra.s32 s0, $0x2;
	s15 =	sadd.s32 $0xD500, s1  }
0x14b: {  	[hbm4b:s30+s3] =	stream.linear.scatter [tilespmem:s15], [sflag:$0x4], $0x20, $0x38;
	[tilespmem:$0x19D00] =	vst v63  }
0x14c: {  	p0 =	sne.s32 s11, $0x3180;
	s11 =	sadd.s32 $0xE180, s1;
	s15 =	sadd.s32 $0x10, s30  }
0x14d: {  	[hbm4b:s15+s3] =	stream.linear.scatter [tilespmem:s11], [sflag:$0x4], $0x20, $0x38;
	[tilespmem:$0x19D00] =	vst v63  }
0x14e: {  	s11 =	sadd.s32 $0xEE00, s1;
	s15 =	sadd.s32 $0x20, s30  }
0x14f: {  	[hbm4b:s15+s3] =	stream.linear.scatter [tilespmem:s11], [sflag:$0x4], $0x20, $0x38;
	[tilespmem:$0x19D00] =	vst v63  }
0x150: {  	s11 =	sadd.s32 $0xFA80, s1;
	s15 =	sadd.s32 $0x30, s30  }
0x151: {  	[hbm4b:s15+s3] =	stream.linear.scatter [tilespmem:s11], [sflag:$0x4], $0x20, $0x38;
	[tilespmem:$0x19D00] =	vst v63  }
0x152: {  	s11 =	sadd.s32 $0x10700, s1;
	s15 =	sadd.s32 $0x40, s30  }
0x153: {  	[hbm4b:s15+s3] =	stream.linear.scatter [tilespmem:s11], [sflag:$0x4], $0x20, $0x38;
	[tilespmem:$0x19D00] =	vst v63  }
0x154: {  	s11 =	sadd.s32 $0x11380, s1;
	s15 =	sadd.s32 $0x50, s30  }
0x155: {  	[hbm4b:s15+s3] =	stream.linear.scatter [tilespmem:s11], [sflag:$0x4], $0x20, $0x38;
	[tilespmem:$0x19D00] =	vst v63  }
0x156: {  	s11 =	sadd.s32 $0x12000, s1;
	s15 =	sadd.s32 $0x60, s30  }
0x157: {  	[hbm4b:s15+s3] =	stream.linear.scatter [tilespmem:s11], [sflag:$0x4], $0x20, $0x38;
	[tilespmem:$0x19D00] =	vst v63  }
0x158: {  	s11 =	sadd.s32 $0x12C80, s1;
	s15 =	sadd.s32 $0x70, s30  }
0x159: {  	[hbm4b:s15+s3] =	stream.linear.scatter [tilespmem:s11], [sflag:$0x4], $0x20, $0x38;
	[tilespmem:$0x19D00] =	vst v63  }
0x15a: {  	s11 =	sadd.s32 $0x13900, s1;
	s15 =	sadd.s32 $0x80, s30  }
0x15b: {  	[hbm4b:s15+s3] =	stream.linear.scatter [tilespmem:s11], [sflag:$0x4], $0x20, $0x38;
	[tilespmem:$0x19D00] =	vst v63  }
0x15c: {  	s11 =	sadd.s32 $0x14580, s1;
	s15 =	sadd.s32 $0x90, s30  }
0x15d: {  	[hbm4b:s15+s3] =	stream.linear.scatter [tilespmem:s11], [sflag:$0x4], $0x20, $0x38;
	[tilespmem:$0x19D00] =	vst v63  }
0x15e: {  	s11 =	sadd.s32 $0x15200, s1;
	s15 =	sadd.s32 $0xA0, s30  }
0x15f: {  	[hbm4b:s15+s3] =	stream.linear.scatter [tilespmem:s11], [sflag:$0x4], $0x20, $0x38;
	[tilespmem:$0x19D00] =	vst v63  }
0x160: {  	s11 =	sadd.s32 $0x15E80, s1;
	s15 =	sadd.s32 $0xB0, s30  }
0x161: {  	[hbm4b:s15+s3] =	stream.linear.scatter [tilespmem:s11], [sflag:$0x4], $0x20, $0x38;
	[tilespmem:$0x19D00] =	vst v63  }
0x162: {  	s11 =	sadd.s32 $0x16B00, s1;
	s15 =	sadd.s32 $0xC0, s30  }
0x163: {  	[hbm4b:s15+s3] =	stream.linear.scatter [tilespmem:s11], [sflag:$0x4], $0x20, $0x38;
	[tilespmem:$0x19D00] =	vst v63  }
.Ltmp5:
0x164: {  	s11 =	sadd.s32 $0x17780, s1;
	s15 =	sadd.s32 $0xD0, s30;
	(pc) =	sbr.rel @p0 .LBB2_9-.Ltmp5, $4  }
0x165: {  	[hbm4b:s15+s3] =	stream.linear.scatter [tilespmem:s11], [sflag:$0x4], $0x20, $0x38;
	[tilespmem:$0x19D00] =	vst v63  }
0x166: {  	s11 =	sadd.s32 $0x18400, s1;
	s15 =	sadd.s32 $0xE0, s30;
	s1 =	sadd.s32 $0x19080, s1  }
0x167: {  	[hbm4b:s15+s3] =	stream.linear.scatter [tilespmem:s11], [sflag:$0x4], $0x20, $0x38;
	[tilespmem:$0x19D00] =	vst v63  }
0x168: {  	s15 =	sadd.s32 $0xF0, s30;
	s30 =	sadd.s32 $0x8000, s30;
	s11 =	smov.u32 s8  }
0x169: {  	[hbm4b:s15+s3] =	stream.linear.scatter [tilespmem:s1], [sflag:$0x4], $0x20, $0x38;
	[tilespmem:$0x19D00] =	vst v63  }
0x16a: {  	s15 =	sadd.s32 $0xD500, s0  }
0x16b: {  	[hbm4b:s30+s3] =	stream.linear.scatter [tilespmem:s15], [sflag:$0x4], $0x20, $0x38;
	[tilespmem:$0x19D00] =	vst v63  }
0x16c: {  	s31 =	sadd.s32 $0xE180, s0;
	s8 =	sadd.s32 $0x10, s30  }
0x16d: {  	[hbm4b:s8+s3] =	stream.linear.scatter [tilespmem:s31], [sflag:$0x4], $0x20, $0x38;
	[tilespmem:$0x19D00] =	vst v63  }
0x16e: {  	s11 =	sadd.s32 $0x20, s30;
	s8 =	sadd.s32 $0xEE00, s0  }
0x16f: {  	[hbm4b:s11+s3] =	stream.linear.scatter [tilespmem:s8], [sflag:$0x4], $0x20, $0x38;
	[tilespmem:$0x19D00] =	vst v63  }
0x170: {  	s15 =	sadd.s32 $0xFA80, s0;
	s31 =	sadd.s32 $0x30, s30  }
0x171: {  	[hbm4b:s31+s3] =	stream.linear.scatter [tilespmem:s15], [sflag:$0x4], $0x20, $0x38;
	[tilespmem:$0x19D00] =	vst v63  }
0x172: {  	s8 =	sadd.s32 $0x10700, s0;
	s11 =	sadd.s32 $0x40, s30  }
0x173: {  	[hbm4b:s11+s3] =	stream.linear.scatter [tilespmem:s8], [sflag:$0x4], $0x20, $0x38;
	[tilespmem:$0x19D00] =	vst v63  }
0x174: {  	s15 =	sadd.s32 $0x11380, s0;
	s31 =	sadd.s32 $0x50, s30  }
0x175: {  	[hbm4b:s31+s3] =	stream.linear.scatter [tilespmem:s15], [sflag:$0x4], $0x20, $0x38;
	[tilespmem:$0x19D00] =	vst v63  }
0x176: {  	s8 =	sadd.s32 $0x12000, s0;
	s11 =	sadd.s32 $0x60, s30  }
0x177: {  	[hbm4b:s11+s3] =	stream.linear.scatter [tilespmem:s8], [sflag:$0x4], $0x20, $0x38;
	[tilespmem:$0x19D00] =	vst v63  }
0x178: {  	s15 =	sadd.s32 $0x12C80, s0;
	s31 =	sadd.s32 $0x70, s30  }
0x179: {  	[hbm4b:s31+s3] =	stream.linear.scatter [tilespmem:s15], [sflag:$0x4], $0x20, $0x38;
	[tilespmem:$0x19D00] =	vst v63  }
0x17a: {  	s8 =	sadd.s32 $0x13900, s0;
	s11 =	sadd.s32 $0x80, s30  }
0x17b: {  	[hbm4b:s11+s3] =	stream.linear.scatter [tilespmem:s8], [sflag:$0x4], $0x20, $0x38;
	[tilespmem:$0x19D00] =	vst v63  }
0x17c: {  	s15 =	sadd.s32 $0x14580, s0;
	s31 =	sadd.s32 $0x90, s30  }
0x17d: {  	[hbm4b:s31+s3] =	stream.linear.scatter [tilespmem:s15], [sflag:$0x4], $0x20, $0x38;
	[tilespmem:$0x19D00] =	vst v63  }
0x17e: {  	s8 =	sadd.s32 $0x15200, s0;
	s11 =	sadd.s32 $0xA0, s30  }
0x17f: {  	[hbm4b:s11+s3] =	stream.linear.scatter [tilespmem:s8], [sflag:$0x4], $0x20, $0x38;
	[tilespmem:$0x19D00] =	vst v63  }
0x180: {  	s15 =	sadd.s32 $0x15E80, s0;
	s31 =	sadd.s32 $0xB0, s30  }
0x181: {  	[hbm4b:s31+s3] =	stream.linear.scatter [tilespmem:s15], [sflag:$0x4], $0x20, $0x38;
	[tilespmem:$0x19D00] =	vst v63  }
0x182: {  	s8 =	sadd.s32 $0x16B00, s0;
	s11 =	sadd.s32 $0xC0, s30  }
0x183: {  	[hbm4b:s11+s3] =	stream.linear.scatter [tilespmem:s8], [sflag:$0x4], $0x20, $0x38;
	[tilespmem:$0x19D00] =	vst v63  }
0x184: {  	p0 =	sgt.u32 s29, $0xE;
	s15 =	sadd.s32 $0x17780, s0;
	s31 =	sadd.s32 $0xD0, s30  }
0x185: {  	[hbm4b:s31+s3] =	stream.linear.scatter [tilespmem:s15], [sflag:$0x4], $0x20, $0x38;
	[tilespmem:$0x19D00] =	vst v63  }
.Ltmp6:
0x186: {  	_ = 	snop;
	(pc) =	sbr.rel @p0 .LBB2_14-.Ltmp6, $4  }
0x187: {  	s8 =	sadd.s32 $0x18400, s0;
	s11 =	sadd.s32 $0xE0, s30  }
0x188: {  	[hbm4b:s11+s3] =	stream.linear.scatter [tilespmem:s8], [sflag:$0x4], $0x20, $0x38;
	[tilespmem:$0x19D00] =	vst v63  }
0x189: {  	s15 =	sadd.s32 $0x19080, s0;
	s31 =	sadd.s32 $0xF0, s30;
	s0 =	simm.s32 $0x64  }
0x18a: {  	[hbm4b:s31+s3] =	stream.linear.scatter [tilespmem:s15], [sflag:$0x4], $0x20, $0x38;
	[tilespmem:$0x19D00] =	vst v63  }
0x18b: {  	_ =	swait.ge [sflag:s21], $0x200  }
0x18c: {  	s0 =	sadd.s32 $0xFFFFFFFF, s0;
	[sflag:s21] =	ssyncset.done $0x0  }
.LBB2_12:
0x18d: {  	p0 =	sne.s32 s0, $0x1;
	s0 =	sadd.s32 $0xFFFFFFFF, s0;
	[sflag:s21] =	ssyncadd.s32 $0xFFFFFE00  }
.Ltmp7:
0x18e: {  	(pc) =	sbr.rel @p0 .LBB2_12-.Ltmp7, $3  }
0x18f: {  	_ =	sdelay $0x1  }
0x190: {  	_ =	swait.ge [sflag:s21], $0x200  }
0x191: {  	[sflag:s21] =	ssyncset.done $0x0  }
0x192: {  	s0 =	rddreg [dreg:$0x4]  }
0x193: {  	s0 =	sadd.s32 s9, s0  }
0x194: {  	s0 =	smul.u32 $0xD, s0;
	_ =	sdelay $0x1  }
0x195: {  	[sflag:s21] =	ssyncadd.s32 $0xFFFFFE00;
	s0 =	sadd.s32 s6, s0  }
0x196: {  	[tilespmem:s3], [sflag:$0x5] =	stream.linear.gather [hbm4b:s0+s3], $0x680, $0x38;
	[tilespmem:$0x19D00] =	vst v63  }
0x197: {  	_ =	swait.ge [sflag:s13], $0x680  }
0x198: {  	[sflag:s13] =	ssyncset.done $0x0  }
0x199: {  	s9 =	simm.s32 $0xD00;
	[sflag:s13] =	ssyncadd.s32 $0xFFFFF980  }
0x19a: {  	[tilespmem:s9], [sflag:$0x1] =	stream.indirect.gather [hbm4b:s7+s14], $0x20, s3, s14, $0xb8;
	[tilespmem:$0x19D00] =	vst v63  }
0x19b: {  	s11 =	simm.s32 $0x68;
	s1 =	simm.s32 $0x1980  }
0x19c: {  	[tilespmem:s1], [sflag:$0x1] =	stream.indirect.gather [hbm4b:s7+s14], $0x20, s11, s14, $0xb8;
	[tilespmem:$0x19D00] =	vst v63  }
0x19d: {  	s15 =	simm.s32 $0xD0;
	s29 =	simm.s32 $0x2600  }
0x19e: {  	[tilespmem:s29], [sflag:$0x1] =	stream.indirect.gather [hbm4b:s7+s14], $0x20, s15, s14, $0xb8;
	[tilespmem:$0x19D00] =	vst v63  }
0x19f: {  	s30 =	simm.s32 $0x138;
	s31 =	simm.s32 $0x3280  }
0x1a0: {  	[tilespmem:s31], [sflag:$0x1] =	stream.indirect.gather [hbm4b:s7+s14], $0x20, s30, s14, $0xb8;
	[tilespmem:$0x19D00] =	vst v63  }
0x1a1: {  	s8 =	simm.s32 $0x3F00;
	s1 =	simm.s32 $0x1A0  }
0x1a2: {  	[tilespmem:s8], [sflag:$0x1] =	stream.indirect.gather [hbm4b:s7+s14], $0x20, s1, s14, $0xb8;
	[tilespmem:$0x19D00] =	vst v63  }
0x1a3: {  	s9 =	simm.s32 $0x208;
	s11 =	simm.s32 $0x4B80  }
0x1a4: {  	[tilespmem:s11], [sflag:$0x1] =	stream.indirect.gather [hbm4b:s7+s14], $0x20, s9, s14, $0xb8;
	[tilespmem:$0x19D00] =	vst v63  }
0x1a5: {  	s15 =	simm.s32 $0x270;
	s29 =	simm.s32 $0x5800  }
0x1a6: {  	[tilespmem:s29], [sflag:$0x1] =	stream.indirect.gather [hbm4b:s7+s14], $0x20, s15, s14, $0xb8;
	[tilespmem:$0x19D00] =	vst v63  }
0x1a7: {  	s30 =	simm.s32 $0x2D8;
	s31 =	simm.s32 $0x6480  }
0x1a8: {  	[tilespmem:s31], [sflag:$0x1] =	stream.indirect.gather [hbm4b:s7+s14], $0x20, s30, s14, $0xb8;
	[tilespmem:$0x19D00] =	vst v63  }
0x1a9: {  	s1 =	simm.s32 $0x340;
	s8 =	simm.s32 $0x7100  }
0x1aa: {  	[tilespmem:s8], [sflag:$0x1] =	stream.indirect.gather [hbm4b:s7+s14], $0x20, s1, s14, $0xb8;
	[tilespmem:$0x19D00] =	vst v63  }
0x1ab: {  	s9 =	simm.s32 $0x3A8;
	s11 =	simm.s32 $0x7D80  }
0x1ac: {  	[tilespmem:s11], [sflag:$0x1] =	stream.indirect.gather [hbm4b:s7+s14], $0x20, s9, s14, $0xb8;
	[tilespmem:$0x19D00] =	vst v63  }
0x1ad: {  	s15 =	simm.s32 $0x410;
	s29 =	simm.s32 $0x8A00  }
0x1ae: {  	[tilespmem:s29], [sflag:$0x1] =	stream.indirect.gather [hbm4b:s7+s14], $0x20, s15, s14, $0xb8;
	[tilespmem:$0x19D00] =	vst v63  }
0x1af: {  	s30 =	simm.s32 $0x478;
	s31 =	simm.s32 $0x9680  }
0x1b0: {  	[tilespmem:s31], [sflag:$0x1] =	stream.indirect.gather [hbm4b:s7+s14], $0x20, s30, s14, $0xb8;
	[tilespmem:$0x19D00] =	vst v63  }
0x1b1: {  	s1 =	simm.s32 $0x4E0;
	s8 =	simm.s32 $0xA300  }
0x1b2: {  	[tilespmem:s8], [sflag:$0x1] =	stream.indirect.gather [hbm4b:s7+s14], $0x20, s1, s14, $0xb8;
	[tilespmem:$0x19D00] =	vst v63  }
0x1b3: {  	s9 =	simm.s32 $0x548;
	s11 =	simm.s32 $0xAF80  }
0x1b4: {  	[tilespmem:s11], [sflag:$0x1] =	stream.indirect.gather [hbm4b:s7+s14], $0x20, s9, s14, $0xb8;
	[tilespmem:$0x19D00] =	vst v63  }
.Ltmp8:
0x1b5: {  	_ = 	snop;
	(pc) =	sbr.rel .LBB2_14-.Ltmp8, $4  }
0x1b6: {  	s15 =	simm.s32 $0x5B0;
	s29 =	simm.s32 $0xBC00  }
0x1b7: {  	[tilespmem:s29], [sflag:$0x1] =	stream.indirect.gather [hbm4b:s7+s14], $0x20, s15, s14, $0xb8;
	[tilespmem:$0x19D00] =	vst v63  }
0x1b8: {  	s30 =	simm.s32 $0x618;
	s31 =	simm.s32 $0xC880  }
0x1b9: {  	[tilespmem:s31], [sflag:$0x1] =	stream.indirect.gather [hbm4b:s7+s14], $0x20, s30, s14, $0xb8;
	[tilespmem:$0x19D00] =	vst v63  }
.LBB2_15:
0x1ba: {  	_ =	swait.ge [sflag:s21], $0x200  }
0x1bb: {  	s0 =	sadd.s32 $0xFFFFFFFF, s0;
	[sflag:s21] =	ssyncset.done $0x0  }
.LBB2_16:
0x1bc: {  	p0 =	sne.s32 s0, $0x1;
	s0 =	sadd.s32 $0xFFFFFFFF, s0;
	[sflag:s21] =	ssyncadd.s32 $0xFFFFFE00  }
.Ltmp9:
0x1bd: {  	(pc) =	sbr.rel @p0 .LBB2_16-.Ltmp9, $3  }
0x1be: {  	_ =	sdelay $0x1  }
0x1bf: {  	_ =	swait.ge [sflag:s21], $0x200  }
0x1c0: {  	[sflag:s21] =	ssyncset.done $0x0  }
0x1c1: {  	[sflag:s21] =	ssyncadd.s32 $0xFFFFFE00  }
0x1c2: {  	_ =	swait.ge [sflag:s22], $0x200  }
0x1c3: {  	s0 =	simm.s32 $0x63;
	[sflag:s22] =	ssyncset.done $0x0;
	s1 =	rddreg [dreg:$0x6]  }
.LBB2_18:
0x1c4: {  	p0 =	sne.s32 s0, $0x1;
	s0 =	sadd.s32 $0xFFFFFFFF, s0;
	[sflag:s22] =	ssyncadd.s32 $0xFFFFFE00  }
.Ltmp10:
0x1c5: {  	(pc) =	sbr.rel @p0 .LBB2_18-.Ltmp10, $3  }
0x1c6: {  	_ =	sdelay $0x1  }
0x1c7: {  	_ =	swait.ge [sflag:s22], $0x200  }
0x1c8: {  	[sflag:s22] =	ssyncset.done $0x0  }
0x1c9: {  	s1 =	sadd.s32 $0x1, s1;
	s0 =	rddreg [dreg:$0x5]  }
0x1ca: {  	p0 =	sne.s32 s1, s0  }
.Ltmp11:
0x1cb: {  	_ = 	snop;
	(pc) =	sbr.rel @p0 .LBB2_1-.Ltmp11, $2  }
0x1cc: {  	_ =	sdelay $0x2  }
0x1cd: {  	[sflag:s22] =	ssyncadd.s32 $0xFFFFFE00  }
0x1ce: {  	_ =	sfence.sel $0x180000  }
0x1cf: {  	[bflag:$0x0] =	sbarrier.arrive $0xFFFF  }
0x1d0: {  	_ =	strace $0x90000047  }
0x1d1: {  	s0 =	stileid.u32;
	[bflag:$0x2] =	sbarrier.arrive $0xFFFF  }
0x1d2: {  	p0 =	sne.s32 s0, $0x0;
	s0 =	rddreg [dreg:$0x2]  }
0x1d3: {  	s0 =	sadd.s32 @!p0 $0x100000, s0  }
0x1d4: {  	[sflag:s0] =	ssyncadd.tile.s32 @!p0 $0x1;
	_ =	shalt  }
.Lfunc_end2:
_tile_overlayer_lowered:
.L_overlay_start_2:
0x1d5: {  	(tag) =	ssettag $0x2  }
0x1d6: {  	s0 =	rddreg [dreg:$0x0];
	s2 =	stileid.u32  }
0x1d7: {  	s1 =	rddreg [dreg:$0x1];
	p0 =	sne.s32 s2, $0x0  }
0x1d8: {  	s3 =	rddreg [dreg:$0x2];
	[bflag:$0x3] =	sbarrier.arrive $0xFFFF;
	s2 =	simm.s32 @!p0 $0x1C05  }
0x1d9: {  	[timem:s3], [sflag:s2] =	dma.local @!p0 [hbm:s0], s1  }
0x1da: {  	s0 =	simm.s32 @!p0 $0x5  }
0x1db: {  	_ =	swait.ge @!p0 [sflag:s0], s1  }
0x1dc: {  	s1 =	ssub.s32 @!p0 $0x0, s1;
	[sflag:s0] =	ssyncset.done @!p0 $0x0  }
0x1dd: {  	[sflag:s0] =	ssyncadd.s32 @!p0 s1  }
0x1de: {  	[bflag:$0x3] =	sbarrier.arrive $0xFFFF  }
0x1df: {  	_ =	shalt  }

</sc_bundles>
